<compile_context>
chip_gen: v7x
topology: tpu7x:2x2x1
jax: 0.10.2.dev20260603
libtpu: 0.0.44.dev20260713+nightly
codegen_flags: <defaults>
</compile_context>

<pallas_src>
import functools

import jax
import jax.numpy as jnp
from jax import lax
from jax.experimental import pallas as pl
from jax.experimental.pallas import tpu as pltpu
from jax.experimental.pallas import tpu_sc as plsc

IMG_SIZE = 137.0
_B, _N = 4, 8192
_TOT = _B * _N
_NW = 32
_PTS = _TOT // _NW
_GROUP = 32
_NGROUPS = _PTS // _GROUP
_LEVELS = ((96, 56, 56), (192, 28, 28), (384, 14, 14))
_COL0 = (3, 99, 291)
_CTOT = 675


def _sc_body(xr, cam, t1, t2, t3, out,
             xv, camv, i1, i2, i3, w1, w2, w3, r1, r2, r3, ob,
             s0, s1, s2, s3):
    cid = lax.axis_index("c")
    sid = lax.axis_index("s")
    wid = sid * 2 + cid
    base = wid * _PTS
    b = wid // (_N // _PTS)

    pltpu.sync_copy(xr.at[pl.ds(base, _PTS)], xv)
    pltpu.sync_copy(cam.at[b], camv)

    lanes = lax.iota(jnp.int32, 16)
    ibufs = (i1, i2, i3)
    wbufs = (w1, w2, w3)
    rbufs = (r1, r2, r3)

    def group_body(g, carry):
        gbase = g * _GROUP
        for h in range(2):
            o = gbase + h * 16
            rows16 = lanes + o
            xx = plsc.load_gather(xv, [rows16, jnp.full((16,), 0, jnp.int32)])
            xy = plsc.load_gather(xv, [rows16, jnp.full((16,), 1, jnp.int32)])
            xz = plsc.load_gather(xv, [rows16, jnp.full((16,), 2, jnp.int32)])

            def crow(k):
                return camv[k, :]

            px = xx * crow(0) + xy * crow(1) + xz * crow(2) + crow(3)
            py = xx * crow(4) + xy * crow(5) + xz * crow(6) + crow(7)
            pz = xx * crow(8) + xy * crow(9) + xz * crow(10) + crow(11)
            gx = (px / pz) * (2.0 / IMG_SIZE) - 1.0
            gy = (py / pz) * (2.0 / IMG_SIZE) - 1.0

            orow = lanes + (h * 16)
            plsc.store_scatter(ob, [orow, jnp.full((16,), 0, jnp.int32)], xx)
            plsc.store_scatter(ob, [orow, jnp.full((16,), 1, jnp.int32)], xy)
            plsc.store_scatter(ob, [orow, jnp.full((16,), 2, jnp.int32)], xz)

            for (C, H, W), ibuf, wbuf in zip(_LEVELS, ibufs, wbufs):
                fx = jnp.clip(((gx + 1.0) * W - 1.0) * 0.5, -2.0, W + 1.0)
                fy = jnp.clip(((gy + 1.0) * H - 1.0) * 0.5, -2.0, H + 1.0)
                ixt = fx.astype(jnp.int32)
                iyt = fy.astype(jnp.int32)
                ix0 = ixt - jnp.where(fx < ixt.astype(jnp.float32), 1, 0)
                iy0 = iyt - jnp.where(fy < iyt.astype(jnp.float32), 1, 0)
                wx1 = fx - ix0.astype(jnp.float32)
                wy1 = fy - iy0.astype(jnp.float32)
                wx0 = 1.0 - wx1
                wy0 = 1.0 - wy1
                vx0 = jnp.where((ix0 >= 0) & (ix0 <= W - 1), wx0, 0.0)
                vx1 = jnp.where((ix0 >= -1) & (ix0 <= W - 2), wx1, 0.0)
                vy0 = jnp.where((iy0 >= 0) & (iy0 <= H - 1), wy0, 0.0)
                vy1 = jnp.where((iy0 >= -1) & (iy0 <= H - 2), wy1, 0.0)
                cy0 = jnp.clip(iy0, 0, H - 1)
                cy1 = jnp.clip(iy0 + 1, 0, H - 1)
                xs = jnp.clip(ix0, 0, W - 2)
                wA = jnp.where(ix0 == xs, vx0,
                               jnp.where(ix0 == xs - 1, vx1, 0.0))
                wB = jnp.where(ix0 == xs + 1, vx0,
                               jnp.where(ix0 == xs, vx1, 0.0))
                boff = b * (H * W)
                sy0 = cy0 * W + xs + boff
                sy1 = cy1 * W + xs + boff
                slot = h * 16
                ibuf[pl.ds(slot, 16)] = sy0
                ibuf[pl.ds(_GROUP + slot, 16)] = sy1
                wbuf[pl.ds(slot, 16)] = vy0 * wA
                wbuf[pl.ds(_GROUP + slot, 16)] = vy0 * wB
                wbuf[pl.ds(2 * _GROUP + slot, 16)] = vy1 * wA
                wbuf[pl.ds(3 * _GROUP + slot, 16)] = vy1 * wB

        cp1 = pltpu.async_copy(t1.at[i1], r1, s1)
        cp2 = pltpu.async_copy(t2.at[i2], r2, s2)
        cp3 = pltpu.async_copy(t3.at[i3], r3, s3)
        cp1.wait()
        cp2.wait()
        cp3.wait()

        def pt_body(p, _):
            half = (p // 16) * 16
            lane = jnp.full((16,), p % 16, jnp.int32)
            prow = jnp.full((16,), p, jnp.int32)
            for (C, H, W), rbuf, wbuf, col0 in zip(_LEVELS, rbufs, wbufs,
                                                   _COL0):
                wsp = []
                for ci in range(4):
                    chunk = wbuf[pl.ds(ci * _GROUP + half, 16)]
                    wsp.append(jnp.take_along_axis(chunk, lane, axis=0))
                for j in range(C // 16):
                    v0a = rbuf[p, pl.ds(j * 16, 16)]
                    v0b = rbuf[p, pl.ds(C + j * 16, 16)]
                    v1a = rbuf[_GROUP + p, pl.ds(j * 16, 16)]
                    v1b = rbuf[_GROUP + p, pl.ds(C + j * 16, 16)]
                    acc = (wsp[0] * v0a + wsp[1] * v0b
                           + wsp[2] * v1a + wsp[3] * v1b)
                    plsc.store_scatter(
                        ob, [prow, lanes + (col0 + j * 16)], acc)
            return 0

        lax.fori_loop(0, _GROUP, pt_body, 0)

        pltpu.sync_copy(ob, out.at[pl.ds(base + gbase, _GROUP)])
        return carry

    lax.fori_loop(0, _NGROUPS, group_body, 0)


@functools.partial(jax.jit, static_argnums=())
def kernel(x, fm1, fm2, fm3, camera_mat):
    B, N = x.shape[0], x.shape[1]
    xr = x.reshape(_TOT, 3)
    cam = jnp.broadcast_to(
        camera_mat.reshape(_B, 12)[:, :, None], (_B, 12, 16)
    ).astype(jnp.float32)
    tables = []
    for fm in (fm1, fm2, fm3):
        Bc, C, H, W = fm.shape
        t = jnp.transpose(fm, (0, 2, 3, 1)).reshape(Bc * H * W, C)
        tables.append(jnp.concatenate([t, jnp.roll(t, -1, axis=0)], axis=1))
    t1, t2, t3 = tables

    mesh = plsc.VectorSubcoreMesh(core_axis_name="c", subcore_axis_name="s")
    sc = pl.kernel(
        _sc_body,
        mesh=mesh,
        compiler_params=pltpu.CompilerParams(
            needs_layout_passes=False, use_tc_tiling_on_sc=False),
        out_type=jax.ShapeDtypeStruct((_TOT, _CTOT), jnp.float32),
        scratch_types=[
            pltpu.VMEM((_PTS, 3), jnp.float32),
            pltpu.VMEM((12, 16), jnp.float32),
            pltpu.VMEM((64,), jnp.int32),
            pltpu.VMEM((64,), jnp.int32),
            pltpu.VMEM((64,), jnp.int32),
            pltpu.VMEM((128,), jnp.float32),
            pltpu.VMEM((128,), jnp.float32),
            pltpu.VMEM((128,), jnp.float32),
            pltpu.VMEM((64, 192), jnp.float32),
            pltpu.VMEM((64, 384), jnp.float32),
            pltpu.VMEM((64, 768), jnp.float32),
            pltpu.VMEM((_GROUP, _CTOT), jnp.float32),
            pltpu.SemaphoreType.DMA,
            pltpu.SemaphoreType.DMA,
            pltpu.SemaphoreType.DMA,
            pltpu.SemaphoreType.DMA,
        ],
    )
    out = sc(xr, cam, t1, t2, t3)
    return out.reshape(B, N, _CTOT)

# --- scband reference (transcript-rebuilt; emitter-appended) ---
"""Pipeline reference for scband-graph-projection-28114855919810 (READ-ONLY COPY).

The authoritative reference and input builder live on the scoring server;
editing this copy changes nothing except your own understanding.
"""

import jax, jax.numpy as jnp
import numpy as np

IMG_SIZE = 137.0

def project_to_camera(x, camera_mat):
    # x: [B,N,3], camera_mat: [B,3,4] (world-to-camera [R|t])
    R = camera_mat[:, :, :3]
    t = camera_mat[:, :, 3:]
    p_cam = jnp.einsum('bnd,bkd->bnk', x, R) + jnp.transpose(t, (0, 2, 1))
    p_xy = p_cam[..., :2] / p_cam[..., 2:3]
    # fix_K_camera: map pixel coords to [-1,1]
    p_img = (2.0 / IMG_SIZE) * p_xy - 1.0
    return p_img  # [B,N,2]

def grid_sample_bilinear(fmap, grid):
    # fmap: [C,H,W]; grid: [N,2] (x,y) in [-1,1]; align_corners=False, zeros padding
    C, H, W = fmap.shape
    gx = grid[:, 0]
    gy = grid[:, 1]
    ix = ((gx + 1.0) * W - 1.0) / 2.0
    iy = ((gy + 1.0) * H - 1.0) / 2.0
    ix0 = jnp.floor(ix)
    iy0 = jnp.floor(iy)
    ix1 = ix0 + 1.0
    iy1 = iy0 + 1.0
    wx1 = ix - ix0
    wx0 = 1.0 - wx1
    wy1 = iy - iy0
    wy0 = 1.0 - wy1

    def gather(iy_, ix_):
        valid = (ix_ >= 0) & (ix_ <= W - 1) & (iy_ >= 0) & (iy_ <= H - 1)
        ixc = jnp.clip(ix_, 0, W - 1).astype(jnp.int32)
        iyc = jnp.clip(iy_, 0, H - 1).astype(jnp.int32)
        vals = fmap[:, iyc, ixc]  # [C,N]
        return vals * valid.astype(fmap.dtype)[None, :]

    out = (gather(iy0, ix0) * (wy0 * wx0)[None, :]
           + gather(iy0, ix1) * (wy0 * wx1)[None, :]
           + gather(iy1, ix0) * (wy1 * wx0)[None, :]
           + gather(iy1, ix1) * (wy1 * wx1)[None, :])
    return out  # [C,N]

def setup_inputs(seed: int = 0):
    key = jax.random.key(seed)
    k = jax.random.split(key, 5)
    B, N = 4, 8192
    x = jax.random.uniform(k[0], (B, N, 3), dtype=jnp.float32)
    fm1 = jax.random.normal(k[1], (B, 96, 56, 56), dtype=jnp.float32)
    fm2 = jax.random.normal(k[2], (B, 192, 28, 28), dtype=jnp.float32)
    fm3 = jax.random.normal(k[3], (B, 384, 14, 14), dtype=jnp.float32)
    camera_mat = jax.random.uniform(k[4], (B, 3, 4), dtype=jnp.float32)
    return {"x": x, "fm1": fm1, "fm2": fm2, "fm3": fm3, "camera_mat": camera_mat}

def reference(x, fm1, fm2, fm3, camera_mat):
    points_img = project_to_camera(x, camera_mat)  # [B,N,2]
    feats = [x]
    for fmap in (fm1, fm2, fm3):
        sampled = jax.vmap(grid_sample_bilinear)(fmap, points_img)  # [B,C,N]
        feats.append(jnp.transpose(sampled, (0, 2, 1)))  # [B,N,C]
    return jnp.concatenate(feats, axis=2)  # [B,N,3+96+192+384]

if __name__ == "__main__":
    import jax
    _d = setup_inputs()
    print(jax.jit(kernel)(*tuple(_d.values())))

</pallas_src>

<mosaic_0001>
#map = affine_map<(d0, d1) -> (0, 0)>
#map1 = affine_map<(d0, d1) -> (0, 0, 0)>
module attributes {stable_mosaic.version = 14 : i64} {
  func.func @_sc_body(%arg0: i32, %arg1: i32, %arg2: memref<32768x3xf32, #tpu.memory_space<hbm>>, %arg3: memref<4x12x16xf32, #tpu.memory_space<hbm>>, %arg4: memref<12544x192xf32, #tpu.memory_space<hbm>>, %arg5: memref<3136x384xf32, #tpu.memory_space<hbm>>, %arg6: memref<784x768xf32, #tpu.memory_space<hbm>>, %arg7: memref<32768x675xf32, #tpu.memory_space<hbm>>, %arg8: memref<1024x3xf32, #tpu.memory_space<vmem>>, %arg9: memref<12x16xf32, #tpu.memory_space<vmem>>, %arg10: memref<64xi32, #tpu.memory_space<vmem>>, %arg11: memref<64xi32, #tpu.memory_space<vmem>>, %arg12: memref<64xi32, #tpu.memory_space<vmem>>, %arg13: memref<128xf32, #tpu.memory_space<vmem>>, %arg14: memref<128xf32, #tpu.memory_space<vmem>>, %arg15: memref<128xf32, #tpu.memory_space<vmem>>, %arg16: memref<64x192xf32, #tpu.memory_space<vmem>>, %arg17: memref<64x384xf32, #tpu.memory_space<vmem>>, %arg18: memref<64x768xf32, #tpu.memory_space<vmem>>, %arg19: memref<32x675xf32, #tpu.memory_space<vmem>>, %arg20: memref<!tpu.dma_semaphore, #tpu.memory_space<semaphore_mem>>, %arg21: memref<!tpu.dma_semaphore, #tpu.memory_space<semaphore_mem>>, %arg22: memref<!tpu.dma_semaphore, #tpu.memory_space<semaphore_mem>>, %arg23: memref<!tpu.dma_semaphore, #tpu.memory_space<semaphore_mem>>) attributes {dimension_semantics = [#tpu.dimension_semantics<core_parallel>, #tpu.dimension_semantics<subcore_parallel>], iteration_bounds = array<i64: 2, 16>, scalar_prefetch = 0 : i64, scratch_operands = 16 : i64, tpu.core_type = #tpu.core_type<sc_vector_subcore>, window_params = [{transform_indices = #map}, {transform_indices = #map1}, {transform_indices = #map}, {transform_indices = #map}, {transform_indices = #map}, {transform_indices = #map}]} {
    %mul3A = arith.constant 2 : i32
    %mul3A_0 = arith.muli %arg1, %mul3A : i32
    %add3A = arith.addi %mul3A_0, %arg0 : i32
    %mul3A_1 = arith.constant 1024 : i32
    %mul3A_2 = arith.muli %add3A, %mul3A_1 : i32
    %jit3A = arith.constant 8 : i32
    %div3A = arith.divsi %add3A, %jit3A : i32
    %sign3A = arith.constant 0 : i32
    %sign3A_3 = arith.cmpi sgt, %add3A, %sign3A : i32
    %sign3A_4 = arith.extui %sign3A_3 : i1 to i32
    %sign3A_5 = arith.constant 0 : i32
    %sign3A_6 = arith.cmpi slt, %add3A, %sign3A_5 : i32
    %sign3A_7 = arith.extui %sign3A_6 : i1 to i32
    %sign3A_8 = arith.subi %sign3A_4, %sign3A_7 : i32
    %sign3A_9 = arith.constant 0 : i32
    %sign3A_10 = arith.cmpi sgt, %jit3A, %sign3A_9 : i32
    %sign3A_11 = arith.extui %sign3A_10 : i1 to i32
    %sign3A_12 = arith.constant 0 : i32
    %sign3A_13 = arith.cmpi slt, %jit3A, %sign3A_12 : i32
    %sign3A_14 = arith.extui %sign3A_13 : i1 to i32
    %sign3A_15 = arith.subi %sign3A_11, %sign3A_14 : i32
    %ne3A = arith.cmpi ne, %sign3A_8, %sign3A_15 : i32
    %rem3A = arith.remsi %add3A, %jit3A : i32
    %ne3A_16 = arith.constant 0 : i32
    %ne3A_17 = arith.cmpi ne, %rem3A, %ne3A_16 : i32
    %and3A = arith.andi %ne3A, %ne3A_17 : i1
    %sub3A = arith.constant 1 : i32
    %sub3A_18 = arith.subi %div3A, %sub3A : i32
    %select_n3A = arith.select %and3A, %sub3A_18, %div3A : i32
    "tpu.region"() ({
      %run_scoped3A = tpu.sem_alloc : memref<!tpu.dma_semaphore, #tpu.memory_space<semaphore_mem>>
      %dma_start3A = arith.constant 0 : i32
      %dma_start3A_24 = tpu.memref_slice %arg2[%mul3A_2, %dma_start3A] : memref<32768x3xf32, #tpu.memory_space<hbm>> -> memref<1024x3xf32, #tpu.memory_space<hbm>>
      %dma_start3A_25 = arith.constant 0 : i32
      %dma_start3A_26 = tpu.memref_slice %arg2[%mul3A_2, %dma_start3A_25] : memref<32768x3xf32, #tpu.memory_space<hbm>> -> memref<1024x3xf32, #tpu.memory_space<hbm>>
      tpu.enqueue_dma source(%dma_start3A_26 : memref<1024x3xf32, #tpu.memory_space<hbm>>) target(%arg8 : memref<1024x3xf32, #tpu.memory_space<vmem>>) target_semaphore(%run_scoped3A : memref<!tpu.dma_semaphore, #tpu.memory_space<semaphore_mem>>)
      %dma_wait3A = arith.constant 0 : i32
      %dma_wait3A_27 = tpu.memref_slice %arg2[%mul3A_2, %dma_wait3A] : memref<32768x3xf32, #tpu.memory_space<hbm>> -> memref<1024x3xf32, #tpu.memory_space<hbm>>
      %dma_wait3A_28 = arith.constant 0 : i32
      %dma_wait3A_29 = tpu.memref_slice %arg2[%mul3A_2, %dma_wait3A_28] : memref<32768x3xf32, #tpu.memory_space<hbm>> -> memref<1024x3xf32, #tpu.memory_space<hbm>>
      tpu.wait_dma2 semaphore(%run_scoped3A : memref<!tpu.dma_semaphore, #tpu.memory_space<semaphore_mem>>) src(%dma_wait3A_29 : memref<1024x3xf32, #tpu.memory_space<hbm>>) dst(%arg8 : memref<1024x3xf32, #tpu.memory_space<vmem>>)
      tpu.yield
    }) : () -> ()
    "tpu.region"() ({
      %run_scoped3A = tpu.sem_alloc : memref<!tpu.dma_semaphore, #tpu.memory_space<semaphore_mem>>
      %dma_start3A = arith.constant 0 : i32
      %dma_start3A_24 = arith.constant 0 : i32
      %dma_start3A_25 = tpu.memref_slice %arg3[%select_n3A, %dma_start3A, %dma_start3A_24] : memref<4x12x16xf32, #tpu.memory_space<hbm>> -> memref<1x12x16xf32, #tpu.memory_space<hbm>>
      %dma_start3A_26 = tpu.memref_squeeze %dma_start3A_25 : memref<1x12x16xf32, #tpu.memory_space<hbm>> -> memref<12x16xf32, #tpu.memory_space<hbm>>
      %dma_start3A_27 = arith.constant 0 : i32
      %dma_start3A_28 = arith.constant 0 : i32
      %dma_start3A_29 = tpu.memref_slice %arg3[%select_n3A, %dma_start3A_27, %dma_start3A_28] : memref<4x12x16xf32, #tpu.memory_space<hbm>> -> memref<1x12x16xf32, #tpu.memory_space<hbm>>
      %dma_start3A_30 = tpu.memref_squeeze %dma_start3A_29 : memref<1x12x16xf32, #tpu.memory_space<hbm>> -> memref<12x16xf32, #tpu.memory_space<hbm>>
      tpu.enqueue_dma source(%dma_start3A_30 : memref<12x16xf32, #tpu.memory_space<hbm>>) target(%arg9 : memref<12x16xf32, #tpu.memory_space<vmem>>) target_semaphore(%run_scoped3A : memref<!tpu.dma_semaphore, #tpu.memory_space<semaphore_mem>>)
      %dma_wait3A = arith.constant 0 : i32
      %dma_wait3A_31 = arith.constant 0 : i32
      %dma_wait3A_32 = tpu.memref_slice %arg3[%select_n3A, %dma_wait3A, %dma_wait3A_31] : memref<4x12x16xf32, #tpu.memory_space<hbm>> -> memref<1x12x16xf32, #tpu.memory_space<hbm>>
      %dma_wait3A_33 = tpu.memref_squeeze %dma_wait3A_32 : memref<1x12x16xf32, #tpu.memory_space<hbm>> -> memref<12x16xf32, #tpu.memory_space<hbm>>
      %dma_wait3A_34 = arith.constant 0 : i32
      %dma_wait3A_35 = arith.constant 0 : i32
      %dma_wait3A_36 = tpu.memref_slice %arg3[%select_n3A, %dma_wait3A_34, %dma_wait3A_35] : memref<4x12x16xf32, #tpu.memory_space<hbm>> -> memref<1x12x16xf32, #tpu.memory_space<hbm>>
      %dma_wait3A_37 = tpu.memref_squeeze %dma_wait3A_36 : memref<1x12x16xf32, #tpu.memory_space<hbm>> -> memref<12x16xf32, #tpu.memory_space<hbm>>
      tpu.wait_dma2 semaphore(%run_scoped3A : memref<!tpu.dma_semaphore, #tpu.memory_space<semaphore_mem>>) src(%dma_wait3A_37 : memref<12x16xf32, #tpu.memory_space<hbm>>) dst(%arg9 : memref<12x16xf32, #tpu.memory_space<vmem>>)
      tpu.yield
    }) : () -> ()
    %iota3A = tpu.iota {dimensions = array<i32: 0>} : vector<16xi32>
    %scan3A = arith.constant 0 : i32
    %scan3A_19 = arith.constant 0 : i32
    %scan3A_20 = arith.constant 32 : i32
    %scan3A_21 = arith.addi %scan3A_19, %scan3A_20 : i32
    %scan3A_22 = arith.constant 1 : i32
    scf.for %scan3A_24 = %scan3A_19 to %scan3A_21 step %scan3A_22  : i32 {
      %mul3A_25 = arith.constant 32 : i32
      %mul3A_26 = arith.muli %scan3A_24, %mul3A_25 : i32
      %add3A_27 = arith.constant 0 : i32
      %add3A_28 = arith.addi %mul3A_26, %add3A_27 : i32
      %add3A_29 = vector.broadcast %add3A_28 : i32 to vector<16xi32>
      %add3A_30 = arith.addi %iota3A, %add3A_29 : vector<16xi32>
      %broadcast_in_dim3A = arith.constant 0 : i32
      %broadcast_in_dim3A_31 = vector.broadcast %broadcast_in_dim3A : i32 to vector<16xi32>
      %gather3A = tpu.vector_load_idx %arg8[%add3A_30, %broadcast_in_dim3A_31] : memref<1024x3xf32, #tpu.memory_space<vmem>>[vector<16xi32>, vector<16xi32>], vector<16xf32>,
      %broadcast_in_dim3A_32 = arith.constant 1 : i32
      %broadcast_in_dim3A_33 = vector.broadcast %broadcast_in_dim3A_32 : i32 to vector<16xi32>
      %gather3A_34 = tpu.vector_load_idx %arg8[%add3A_30, %broadcast_in_dim3A_33] : memref<1024x3xf32, #tpu.memory_space<vmem>>[vector<16xi32>, vector<16xi32>], vector<16xf32>,
      %broadcast_in_dim3A_35 = arith.constant 2 : i32
      %broadcast_in_dim3A_36 = vector.broadcast %broadcast_in_dim3A_35 : i32 to vector<16xi32>
      %gather3A_37 = tpu.vector_load_idx %arg8[%add3A_30, %broadcast_in_dim3A_36] : memref<1024x3xf32, #tpu.memory_space<vmem>>[vector<16xi32>, vector<16xi32>], vector<16xf32>,
      %get3A = arith.constant 0 : i32
      %get3A_38 = arith.index_cast %get3A : i32 to index
      %get3A_39 = arith.constant 0 : index
      %get3A_40 = tpu.vector_load %arg9[%get3A_38, %get3A_39] {strides = array<i32>} : memref<12x16xf32, #tpu.memory_space<vmem>>, vector<16xf32>,
      %mul3A_41 = arith.mulf %gather3A, %get3A_40 : vector<16xf32>
      %get3A_42 = arith.constant 1 : i32
      %get3A_43 = arith.index_cast %get3A_42 : i32 to index
      %get3A_44 = arith.constant 0 : index
      %get3A_45 = tpu.vector_load %arg9[%get3A_43, %get3A_44] {strides = array<i32>} : memref<12x16xf32, #tpu.memory_space<vmem>>, vector<16xf32>,
      %mul3A_46 = arith.mulf %gather3A_34, %get3A_45 : vector<16xf32>
      %add3A_47 = arith.addf %mul3A_41, %mul3A_46 : vector<16xf32>
      %get3A_48 = arith.constant 2 : i32
      %get3A_49 = arith.index_cast %get3A_48 : i32 to index
      %get3A_50 = arith.constant 0 : index
      %get3A_51 = tpu.vector_load %arg9[%get3A_49, %get3A_50] {strides = array<i32>} : memref<12x16xf32, #tpu.memory_space<vmem>>, vector<16xf32>,
      %mul3A_52 = arith.mulf %gather3A_37, %get3A_51 : vector<16xf32>
      %add3A_53 = arith.addf %add3A_47, %mul3A_52 : vector<16xf32>
      %get3A_54 = arith.constant 3 : i32
      %get3A_55 = arith.index_cast %get3A_54 : i32 to index
      %get3A_56 = arith.constant 0 : index
      %get3A_57 = tpu.vector_load %arg9[%get3A_55, %get3A_56] {strides = array<i32>} : memref<12x16xf32, #tpu.memory_space<vmem>>, vector<16xf32>,
      %add3A_58 = arith.addf %add3A_53, %get3A_57 : vector<16xf32>
      %get3A_59 = arith.constant 4 : i32
      %get3A_60 = arith.index_cast %get3A_59 : i32 to index
      %get3A_61 = arith.constant 0 : index
      %get3A_62 = tpu.vector_load %arg9[%get3A_60, %get3A_61] {strides = array<i32>} : memref<12x16xf32, #tpu.memory_space<vmem>>, vector<16xf32>,
      %mul3A_63 = arith.mulf %gather3A, %get3A_62 : vector<16xf32>
      %get3A_64 = arith.constant 5 : i32
      %get3A_65 = arith.index_cast %get3A_64 : i32 to index
      %get3A_66 = arith.constant 0 : index
      %get3A_67 = tpu.vector_load %arg9[%get3A_65, %get3A_66] {strides = array<i32>} : memref<12x16xf32, #tpu.memory_space<vmem>>, vector<16xf32>,
      %mul3A_68 = arith.mulf %gather3A_34, %get3A_67 : vector<16xf32>
      %add3A_69 = arith.addf %mul3A_63, %mul3A_68 : vector<16xf32>
      %get3A_70 = arith.constant 6 : i32
      %get3A_71 = arith.index_cast %get3A_70 : i32 to index
      %get3A_72 = arith.constant 0 : index
      %get3A_73 = tpu.vector_load %arg9[%get3A_71, %get3A_72] {strides = array<i32>} : memref<12x16xf32, #tpu.memory_space<vmem>>, vector<16xf32>,
      %mul3A_74 = arith.mulf %gather3A_37, %get3A_73 : vector<16xf32>
      %add3A_75 = arith.addf %add3A_69, %mul3A_74 : vector<16xf32>
      %get3A_76 = arith.constant 7 : i32
      %get3A_77 = arith.index_cast %get3A_76 : i32 to index
      %get3A_78 = arith.constant 0 : index
      %get3A_79 = tpu.vector_load %arg9[%get3A_77, %get3A_78] {strides = array<i32>} : memref<12x16xf32, #tpu.memory_space<vmem>>, vector<16xf32>,
      %add3A_80 = arith.addf %add3A_75, %get3A_79 : vector<16xf32>
      %get3A_81 = arith.constant 8 : i32
      %get3A_82 = arith.index_cast %get3A_81 : i32 to index
      %get3A_83 = arith.constant 0 : index
      %get3A_84 = tpu.vector_load %arg9[%get3A_82, %get3A_83] {strides = array<i32>} : memref<12x16xf32, #tpu.memory_space<vmem>>, vector<16xf32>,
      %mul3A_85 = arith.mulf %gather3A, %get3A_84 : vector<16xf32>
      %get3A_86 = arith.constant 9 : i32
      %get3A_87 = arith.index_cast %get3A_86 : i32 to index
      %get3A_88 = arith.constant 0 : index
      %get3A_89 = tpu.vector_load %arg9[%get3A_87, %get3A_88] {strides = array<i32>} : memref<12x16xf32, #tpu.memory_space<vmem>>, vector<16xf32>,
      %mul3A_90 = arith.mulf %gather3A_34, %get3A_89 : vector<16xf32>
      %add3A_91 = arith.addf %mul3A_85, %mul3A_90 : vector<16xf32>
      %get3A_92 = arith.constant 10 : i32
      %get3A_93 = arith.index_cast %get3A_92 : i32 to index
      %get3A_94 = arith.constant 0 : index
      %get3A_95 = tpu.vector_load %arg9[%get3A_93, %get3A_94] {strides = array<i32>} : memref<12x16xf32, #tpu.memory_space<vmem>>, vector<16xf32>,
      %mul3A_96 = arith.mulf %gather3A_37, %get3A_95 : vector<16xf32>
      %add3A_97 = arith.addf %add3A_91, %mul3A_96 : vector<16xf32>
      %get3A_98 = arith.constant 11 : i32
      %get3A_99 = arith.index_cast %get3A_98 : i32 to index
      %get3A_100 = arith.constant 0 : index
      %get3A_101 = tpu.vector_load %arg9[%get3A_99, %get3A_100] {strides = array<i32>} : memref<12x16xf32, #tpu.memory_space<vmem>>, vector<16xf32>,
      %add3A_102 = arith.addf %add3A_97, %get3A_101 : vector<16xf32>
      %div3A_103 = arith.divf %add3A_58, %add3A_102 : vector<16xf32>
      %mul3A_104 = arith.constant 0.01459854 : f32
      %mul3A_105 = vector.broadcast %mul3A_104 : f32 to vector<16xf32>
      %mul3A_106 = arith.mulf %div3A_103, %mul3A_105 : vector<16xf32>
      %sub3A_107 = arith.constant 1.000000e+00 : f32
      %sub3A_108 = vector.broadcast %sub3A_107 : f32 to vector<16xf32>
      %sub3A_109 = arith.subf %mul3A_106, %sub3A_108 : vector<16xf32>
      %div3A_110 = arith.divf %add3A_80, %add3A_102 : vector<16xf32>
      %mul3A_111 = arith.constant 0.01459854 : f32
      %mul3A_112 = vector.broadcast %mul3A_111 : f32 to vector<16xf32>
      %mul3A_113 = arith.mulf %div3A_110, %mul3A_112 : vector<16xf32>
      %sub3A_114 = arith.constant 1.000000e+00 : f32
      %sub3A_115 = vector.broadcast %sub3A_114 : f32 to vector<16xf32>
      %sub3A_116 = arith.subf %mul3A_113, %sub3A_115 : vector<16xf32>
      %add3A_117 = arith.constant 0 : i32
      %add3A_118 = vector.broadcast %add3A_117 : i32 to vector<16xi32>
      %add3A_119 = arith.addi %iota3A, %add3A_118 : vector<16xi32>
      %broadcast_in_dim3A_120 = arith.constant 0 : i32
      %broadcast_in_dim3A_121 = vector.broadcast %broadcast_in_dim3A_120 : i32 to vector<16xi32>
      tpu.vector_store_idx %arg19[%add3A_119, %broadcast_in_dim3A_121], %gather3A : memref<32x675xf32, #tpu.memory_space<vmem>>[vector<16xi32>, vector<16xi32>], vector<16xf32>,
      %broadcast_in_dim3A_122 = arith.constant 1 : i32
      %broadcast_in_dim3A_123 = vector.broadcast %broadcast_in_dim3A_122 : i32 to vector<16xi32>
      tpu.vector_store_idx %arg19[%add3A_119, %broadcast_in_dim3A_123], %gather3A_34 : memref<32x675xf32, #tpu.memory_space<vmem>>[vector<16xi32>, vector<16xi32>], vector<16xf32>,
      %broadcast_in_dim3A_124 = arith.constant 2 : i32
      %broadcast_in_dim3A_125 = vector.broadcast %broadcast_in_dim3A_124 : i32 to vector<16xi32>
      tpu.vector_store_idx %arg19[%add3A_119, %broadcast_in_dim3A_125], %gather3A_37 : memref<32x675xf32, #tpu.memory_space<vmem>>[vector<16xi32>, vector<16xi32>], vector<16xf32>,
      %add3A_126 = arith.constant 1.000000e+00 : f32
      %add3A_127 = vector.broadcast %add3A_126 : f32 to vector<16xf32>
      %add3A_128 = arith.addf %sub3A_109, %add3A_127 : vector<16xf32>
      %mul3A_129 = arith.constant 5.600000e+01 : f32
      %mul3A_130 = vector.broadcast %mul3A_129 : f32 to vector<16xf32>
      %mul3A_131 = arith.mulf %add3A_128, %mul3A_130 : vector<16xf32>
      %sub3A_132 = arith.constant 1.000000e+00 : f32
      %sub3A_133 = vector.broadcast %sub3A_132 : f32 to vector<16xf32>
      %sub3A_134 = arith.subf %mul3A_131, %sub3A_133 : vector<16xf32>
      %mul3A_135 = arith.constant 5.000000e-01 : f32
      %mul3A_136 = vector.broadcast %mul3A_135 : f32 to vector<16xf32>
      %mul3A_137 = arith.mulf %sub3A_134, %mul3A_136 : vector<16xf32>
      %jit3A_138 = arith.constant -2.000000e+00 : f32
      %jit3A_139 = arith.constant 5.700000e+01 : f32
      %max3A = vector.broadcast %jit3A_138 : f32 to vector<16xf32>
      %max3A_140 = arith.maximumf %max3A, %mul3A_137 : vector<16xf32>
      %min3A = vector.broadcast %jit3A_139 : f32 to vector<16xf32>
      %min3A_141 = arith.minimumf %min3A, %max3A_140 : vector<16xf32>
      %add3A_142 = arith.constant 1.000000e+00 : f32
      %add3A_143 = vector.broadcast %add3A_142 : f32 to vector<16xf32>
      %add3A_144 = arith.addf %sub3A_116, %add3A_143 : vector<16xf32>
      %mul3A_145 = arith.constant 5.600000e+01 : f32
      %mul3A_146 = vector.broadcast %mul3A_145 : f32 to vector<16xf32>
      %mul3A_147 = arith.mulf %add3A_144, %mul3A_146 : vector<16xf32>
      %sub3A_148 = arith.constant 1.000000e+00 : f32
      %sub3A_149 = vector.broadcast %sub3A_148 : f32 to vector<16xf32>
      %sub3A_150 = arith.subf %mul3A_147, %sub3A_149 : vector<16xf32>
      %mul3A_151 = arith.constant 5.000000e-01 : f32
      %mul3A_152 = vector.broadcast %mul3A_151 : f32 to vector<16xf32>
      %mul3A_153 = arith.mulf %sub3A_150, %mul3A_152 : vector<16xf32>
      %jit3A_154 = arith.constant -2.000000e+00 : f32
      %jit3A_155 = arith.constant 5.700000e+01 : f32
      %max3A_156 = vector.broadcast %jit3A_154 : f32 to vector<16xf32>
      %max3A_157 = arith.maximumf %max3A_156, %mul3A_153 : vector<16xf32>
      %min3A_158 = vector.broadcast %jit3A_155 : f32 to vector<16xf32>
      %min3A_159 = arith.minimumf %min3A_158, %max3A_157 : vector<16xf32>
      %convert_element_type3A = arith.fptosi %min3A_141 : vector<16xf32> to vector<16xi32>
      %convert_element_type3A_160 = arith.fptosi %min3A_159 : vector<16xf32> to vector<16xi32>
      %convert_element_type3A_161 = arith.sitofp %convert_element_type3A : vector<16xi32> to vector<16xf32>
      %lt3A = arith.cmpf olt, %min3A_141, %convert_element_type3A_161 : vector<16xf32>
      %jit3A_162 = arith.constant 1 : i32
      %jit3A_163 = arith.constant 0 : i32
      %broadcast_in_dim3A_164 = vector.broadcast %jit3A_162 : i32 to vector<16xi32>
      %broadcast_in_dim3A_165 = vector.broadcast %jit3A_163 : i32 to vector<16xi32>
      %select_n3A_166 = arith.select %lt3A, %broadcast_in_dim3A_164, %broadcast_in_dim3A_165 : vector<16xi1>, vector<16xi32>
      %sub3A_167 = arith.subi %convert_element_type3A, %select_n3A_166 : vector<16xi32>
      %convert_element_type3A_168 = arith.sitofp %convert_element_type3A_160 : vector<16xi32> to vector<16xf32>
      %lt3A_169 = arith.cmpf olt, %min3A_159, %convert_element_type3A_168 : vector<16xf32>
      %jit3A_170 = arith.constant 1 : i32
      %jit3A_171 = arith.constant 0 : i32
      %broadcast_in_dim3A_172 = vector.broadcast %jit3A_170 : i32 to vector<16xi32>
      %broadcast_in_dim3A_173 = vector.broadcast %jit3A_171 : i32 to vector<16xi32>
      %select_n3A_174 = arith.select %lt3A_169, %broadcast_in_dim3A_172, %broadcast_in_dim3A_173 : vector<16xi1>, vector<16xi32>
      %sub3A_175 = arith.subi %convert_element_type3A_160, %select_n3A_174 : vector<16xi32>
      %convert_element_type3A_176 = arith.sitofp %sub3A_167 : vector<16xi32> to vector<16xf32>
      %sub3A_177 = arith.subf %min3A_141, %convert_element_type3A_176 : vector<16xf32>
      %convert_element_type3A_178 = arith.sitofp %sub3A_175 : vector<16xi32> to vector<16xf32>
      %sub3A_179 = arith.subf %min3A_159, %convert_element_type3A_178 : vector<16xf32>
      %sub3A_180 = arith.constant 1.000000e+00 : f32
      %sub3A_181 = vector.broadcast %sub3A_180 : f32 to vector<16xf32>
      %sub3A_182 = arith.subf %sub3A_181, %sub3A_177 : vector<16xf32>
      %sub3A_183 = arith.constant 1.000000e+00 : f32
      %sub3A_184 = vector.broadcast %sub3A_183 : f32 to vector<16xf32>
      %sub3A_185 = arith.subf %sub3A_184, %sub3A_179 : vector<16xf32>
      %ge3A = arith.constant 0 : i32
      %ge3A_186 = vector.broadcast %ge3A : i32 to vector<16xi32>
      %ge3A_187 = arith.cmpi sge, %sub3A_167, %ge3A_186 : vector<16xi32>
      %le3A = arith.constant 55 : i32
      %le3A_188 = vector.broadcast %le3A : i32 to vector<16xi32>
      %le3A_189 = arith.cmpi sle, %sub3A_167, %le3A_188 : vector<16xi32>
      %and3A_190 = arith.andi %ge3A_187, %le3A_189 : vector<16xi1>
      %jit3A_191 = arith.constant 0.000000e+00 : f32
      %broadcast_in_dim3A_192 = vector.broadcast %jit3A_191 : f32 to vector<16xf32>
      %select_n3A_193 = arith.select %and3A_190, %sub3A_182, %broadcast_in_dim3A_192 : vector<16xi1>, vector<16xf32>
      %ge3A_194 = arith.constant -1 : i32
      %ge3A_195 = vector.broadcast %ge3A_194 : i32 to vector<16xi32>
      %ge3A_196 = arith.cmpi sge, %sub3A_167, %ge3A_195 : vector<16xi32>
      %le3A_197 = arith.constant 54 : i32
      %le3A_198 = vector.broadcast %le3A_197 : i32 to vector<16xi32>
      %le3A_199 = arith.cmpi sle, %sub3A_167, %le3A_198 : vector<16xi32>
      %and3A_200 = arith.andi %ge3A_196, %le3A_199 : vector<16xi1>
      %jit3A_201 = arith.constant 0.000000e+00 : f32
      %broadcast_in_dim3A_202 = vector.broadcast %jit3A_201 : f32 to vector<16xf32>
      %select_n3A_203 = arith.select %and3A_200, %sub3A_177, %broadcast_in_dim3A_202 : vector<16xi1>, vector<16xf32>
      %ge3A_204 = arith.constant 0 : i32
      %ge3A_205 = vector.broadcast %ge3A_204 : i32 to vector<16xi32>
      %ge3A_206 = arith.cmpi sge, %sub3A_175, %ge3A_205 : vector<16xi32>
      %le3A_207 = arith.constant 55 : i32
      %le3A_208 = vector.broadcast %le3A_207 : i32 to vector<16xi32>
      %le3A_209 = arith.cmpi sle, %sub3A_175, %le3A_208 : vector<16xi32>
      %and3A_210 = arith.andi %ge3A_206, %le3A_209 : vector<16xi1>
      %jit3A_211 = arith.constant 0.000000e+00 : f32
      %broadcast_in_dim3A_212 = vector.broadcast %jit3A_211 : f32 to vector<16xf32>
      %select_n3A_213 = arith.select %and3A_210, %sub3A_185, %broadcast_in_dim3A_212 : vector<16xi1>, vector<16xf32>
      %ge3A_214 = arith.constant -1 : i32
      %ge3A_215 = vector.broadcast %ge3A_214 : i32 to vector<16xi32>
      %ge3A_216 = arith.cmpi sge, %sub3A_175, %ge3A_215 : vector<16xi32>
      %le3A_217 = arith.constant 54 : i32
      %le3A_218 = vector.broadcast %le3A_217 : i32 to vector<16xi32>
      %le3A_219 = arith.cmpi sle, %sub3A_175, %le3A_218 : vector<16xi32>
      %and3A_220 = arith.andi %ge3A_216, %le3A_219 : vector<16xi1>
      %jit3A_221 = arith.constant 0.000000e+00 : f32
      %broadcast_in_dim3A_222 = vector.broadcast %jit3A_221 : f32 to vector<16xf32>
      %select_n3A_223 = arith.select %and3A_220, %sub3A_179, %broadcast_in_dim3A_222 : vector<16xi1>, vector<16xf32>
      %jit3A_224 = arith.constant 0 : i32
      %jit3A_225 = arith.constant 55 : i32
      %max3A_226 = vector.broadcast %jit3A_224 : i32 to vector<16xi32>
      %max3A_227 = arith.maxsi %max3A_226, %sub3A_175 : vector<16xi32>
      %min3A_228 = vector.broadcast %jit3A_225 : i32 to vector<16xi32>
      %min3A_229 = arith.minsi %min3A_228, %max3A_227 : vector<16xi32>
      %add3A_230 = arith.constant 1 : i32
      %add3A_231 = vector.broadcast %add3A_230 : i32 to vector<16xi32>
      %add3A_232 = arith.addi %sub3A_175, %add3A_231 : vector<16xi32>
      %jit3A_233 = arith.constant 0 : i32
      %jit3A_234 = arith.constant 55 : i32
      %max3A_235 = vector.broadcast %jit3A_233 : i32 to vector<16xi32>
      %max3A_236 = arith.maxsi %max3A_235, %add3A_232 : vector<16xi32>
      %min3A_237 = vector.broadcast %jit3A_234 : i32 to vector<16xi32>
      %min3A_238 = arith.minsi %min3A_237, %max3A_236 : vector<16xi32>
      %jit3A_239 = arith.constant 0 : i32
      %jit3A_240 = arith.constant 54 : i32
      %max3A_241 = vector.broadcast %jit3A_239 : i32 to vector<16xi32>
      %max3A_242 = arith.maxsi %max3A_241, %sub3A_167 : vector<16xi32>
      %min3A_243 = vector.broadcast %jit3A_240 : i32 to vector<16xi32>
      %min3A_244 = arith.minsi %min3A_243, %max3A_242 : vector<16xi32>
      %eq3A = arith.cmpi eq, %sub3A_167, %min3A_244 : vector<16xi32>
      %sub3A_245 = arith.constant 1 : i32
      %sub3A_246 = vector.broadcast %sub3A_245 : i32 to vector<16xi32>
      %sub3A_247 = arith.subi %min3A_244, %sub3A_246 : vector<16xi32>
      %eq3A_248 = arith.cmpi eq, %sub3A_167, %sub3A_247 : vector<16xi32>
      %jit3A_249 = arith.constant 0.000000e+00 : f32
      %broadcast_in_dim3A_250 = vector.broadcast %jit3A_249 : f32 to vector<16xf32>
      %select_n3A_251 = arith.select %eq3A_248, %select_n3A_203, %broadcast_in_dim3A_250 : vector<16xi1>, vector<16xf32>
      %select_n3A_252 = arith.select %eq3A, %select_n3A_193, %select_n3A_251 : vector<16xi1>, vector<16xf32>
      %add3A_253 = arith.constant 1 : i32
      %add3A_254 = vector.broadcast %add3A_253 : i32 to vector<16xi32>
      %add3A_255 = arith.addi %min3A_244, %add3A_254 : vector<16xi32>
      %eq3A_256 = arith.cmpi eq, %sub3A_167, %add3A_255 : vector<16xi32>
      %eq3A_257 = arith.cmpi eq, %sub3A_167, %min3A_244 : vector<16xi32>
      %jit3A_258 = arith.constant 0.000000e+00 : f32
      %broadcast_in_dim3A_259 = vector.broadcast %jit3A_258 : f32 to vector<16xf32>
      %select_n3A_260 = arith.select %eq3A_257, %select_n3A_203, %broadcast_in_dim3A_259 : vector<16xi1>, vector<16xf32>
      %select_n3A_261 = arith.select %eq3A_256, %select_n3A_193, %select_n3A_260 : vector<16xi1>, vector<16xf32>
      %mul3A_262 = arith.constant 3136 : i32
      %mul3A_263 = arith.muli %select_n3A, %mul3A_262 : i32
      %mul3A_264 = arith.constant 56 : i32
      %mul3A_265 = vector.broadcast %mul3A_264 : i32 to vector<16xi32>
      %mul3A_266 = arith.muli %min3A_229, %mul3A_265 : vector<16xi32>
      %add3A_267 = arith.addi %mul3A_266, %min3A_244 : vector<16xi32>
      %add3A_268 = vector.broadcast %mul3A_263 : i32 to vector<16xi32>
      %add3A_269 = arith.addi %add3A_267, %add3A_268 : vector<16xi32>
      %mul3A_270 = arith.constant 56 : i32
      %mul3A_271 = vector.broadcast %mul3A_270 : i32 to vector<16xi32>
      %mul3A_272 = arith.muli %min3A_238, %mul3A_271 : vector<16xi32>
      %add3A_273 = arith.addi %mul3A_272, %min3A_244 : vector<16xi32>
      %add3A_274 = vector.broadcast %mul3A_263 : i32 to vector<16xi32>
      %add3A_275 = arith.addi %add3A_273, %add3A_274 : vector<16xi32>
      %swap3A = arith.constant 0 : index
      %swap3A_276 = tpu.vector_load %arg10[%swap3A] {strides = array<i32>} : memref<64xi32, #tpu.memory_space<vmem>>, vector<16xi32>,
      tpu.vector_store %arg10[%swap3A], %add3A_269 {strides = array<i32>} : memref<64xi32, #tpu.memory_space<vmem>>, vector<16xi32>,
      %swap3A_277 = arith.constant 32 : index
      %swap3A_278 = tpu.vector_load %arg10[%swap3A_277] {strides = array<i32>} : memref<64xi32, #tpu.memory_space<vmem>>, vector<16xi32>,
      tpu.vector_store %arg10[%swap3A_277], %add3A_275 {strides = array<i32>} : memref<64xi32, #tpu.memory_space<vmem>>, vector<16xi32>,
      %mul3A_279 = arith.mulf %select_n3A_213, %select_n3A_252 : vector<16xf32>
      %swap3A_280 = arith.constant 0 : index
      %swap3A_281 = tpu.vector_load %arg13[%swap3A_280] {strides = array<i32>} : memref<128xf32, #tpu.memory_space<vmem>>, vector<16xf32>,
      tpu.vector_store %arg13[%swap3A_280], %mul3A_279 {strides = array<i32>} : memref<128xf32, #tpu.memory_space<vmem>>, vector<16xf32>,
      %mul3A_282 = arith.mulf %select_n3A_213, %select_n3A_261 : vector<16xf32>
      %swap3A_283 = arith.constant 32 : index
      %swap3A_284 = tpu.vector_load %arg13[%swap3A_283] {strides = array<i32>} : memref<128xf32, #tpu.memory_space<vmem>>, vector<16xf32>,
      tpu.vector_store %arg13[%swap3A_283], %mul3A_282 {strides = array<i32>} : memref<128xf32, #tpu.memory_space<vmem>>, vector<16xf32>,
      %mul3A_285 = arith.mulf %select_n3A_223, %select_n3A_252 : vector<16xf32>
      %swap3A_286 = arith.constant 64 : index
      %swap3A_287 = tpu.vector_load %arg13[%swap3A_286] {strides = array<i32>} : memref<128xf32, #tpu.memory_space<vmem>>, vector<16xf32>,
      tpu.vector_store %arg13[%swap3A_286], %mul3A_285 {strides = array<i32>} : memref<128xf32, #tpu.memory_space<vmem>>, vector<16xf32>,
      %mul3A_288 = arith.mulf %select_n3A_223, %select_n3A_261 : vector<16xf32>
      %swap3A_289 = arith.constant 96 : index
      %swap3A_290 = tpu.vector_load %arg13[%swap3A_289] {strides = array<i32>} : memref<128xf32, #tpu.memory_space<vmem>>, vector<16xf32>,
      tpu.vector_store %arg13[%swap3A_289], %mul3A_288 {strides = array<i32>} : memref<128xf32, #tpu.memory_space<vmem>>, vector<16xf32>,
      %add3A_291 = arith.constant 1.000000e+00 : f32
      %add3A_292 = vector.broadcast %add3A_291 : f32 to vector<16xf32>
      %add3A_293 = arith.addf %sub3A_109, %add3A_292 : vector<16xf32>
      %mul3A_294 = arith.constant 2.800000e+01 : f32
      %mul3A_295 = vector.broadcast %mul3A_294 : f32 to vector<16xf32>
      %mul3A_296 = arith.mulf %add3A_293, %mul3A_295 : vector<16xf32>
      %sub3A_297 = arith.constant 1.000000e+00 : f32
      %sub3A_298 = vector.broadcast %sub3A_297 : f32 to vector<16xf32>
      %sub3A_299 = arith.subf %mul3A_296, %sub3A_298 : vector<16xf32>
      %mul3A_300 = arith.constant 5.000000e-01 : f32
      %mul3A_301 = vector.broadcast %mul3A_300 : f32 to vector<16xf32>
      %mul3A_302 = arith.mulf %sub3A_299, %mul3A_301 : vector<16xf32>
      %jit3A_303 = arith.constant -2.000000e+00 : f32
      %jit3A_304 = arith.constant 2.900000e+01 : f32
      %max3A_305 = vector.broadcast %jit3A_303 : f32 to vector<16xf32>
      %max3A_306 = arith.maximumf %max3A_305, %mul3A_302 : vector<16xf32>
      %min3A_307 = vector.broadcast %jit3A_304 : f32 to vector<16xf32>
      %min3A_308 = arith.minimumf %min3A_307, %max3A_306 : vector<16xf32>
      %add3A_309 = arith.constant 1.000000e+00 : f32
      %add3A_310 = vector.broadcast %add3A_309 : f32 to vector<16xf32>
      %add3A_311 = arith.addf %sub3A_116, %add3A_310 : vector<16xf32>
      %mul3A_312 = arith.constant 2.800000e+01 : f32
      %mul3A_313 = vector.broadcast %mul3A_312 : f32 to vector<16xf32>
      %mul3A_314 = arith.mulf %add3A_311, %mul3A_313 : vector<16xf32>
      %sub3A_315 = arith.constant 1.000000e+00 : f32
      %sub3A_316 = vector.broadcast %sub3A_315 : f32 to vector<16xf32>
      %sub3A_317 = arith.subf %mul3A_314, %sub3A_316 : vector<16xf32>
      %mul3A_318 = arith.constant 5.000000e-01 : f32
      %mul3A_319 = vector.broadcast %mul3A_318 : f32 to vector<16xf32>
      %mul3A_320 = arith.mulf %sub3A_317, %mul3A_319 : vector<16xf32>
      %jit3A_321 = arith.constant -2.000000e+00 : f32
      %jit3A_322 = arith.constant 2.900000e+01 : f32
      %max3A_323 = vector.broadcast %jit3A_321 : f32 to vector<16xf32>
      %max3A_324 = arith.maximumf %max3A_323, %mul3A_320 : vector<16xf32>
      %min3A_325 = vector.broadcast %jit3A_322 : f32 to vector<16xf32>
      %min3A_326 = arith.minimumf %min3A_325, %max3A_324 : vector<16xf32>
      %convert_element_type3A_327 = arith.fptosi %min3A_308 : vector<16xf32> to vector<16xi32>
      %convert_element_type3A_328 = arith.fptosi %min3A_326 : vector<16xf32> to vector<16xi32>
      %convert_element_type3A_329 = arith.sitofp %convert_element_type3A_327 : vector<16xi32> to vector<16xf32>
      %lt3A_330 = arith.cmpf olt, %min3A_308, %convert_element_type3A_329 : vector<16xf32>
      %jit3A_331 = arith.constant 1 : i32
      %jit3A_332 = arith.constant 0 : i32
      %broadcast_in_dim3A_333 = vector.broadcast %jit3A_331 : i32 to vector<16xi32>
      %broadcast_in_dim3A_334 = vector.broadcast %jit3A_332 : i32 to vector<16xi32>
      %select_n3A_335 = arith.select %lt3A_330, %broadcast_in_dim3A_333, %broadcast_in_dim3A_334 : vector<16xi1>, vector<16xi32>
      %sub3A_336 = arith.subi %convert_element_type3A_327, %select_n3A_335 : vector<16xi32>
      %convert_element_type3A_337 = arith.sitofp %convert_element_type3A_328 : vector<16xi32> to vector<16xf32>
      %lt3A_338 = arith.cmpf olt, %min3A_326, %convert_element_type3A_337 : vector<16xf32>
      %jit3A_339 = arith.constant 1 : i32
      %jit3A_340 = arith.constant 0 : i32
      %broadcast_in_dim3A_341 = vector.broadcast %jit3A_339 : i32 to vector<16xi32>
      %broadcast_in_dim3A_342 = vector.broadcast %jit3A_340 : i32 to vector<16xi32>
      %select_n3A_343 = arith.select %lt3A_338, %broadcast_in_dim3A_341, %broadcast_in_dim3A_342 : vector<16xi1>, vector<16xi32>
      %sub3A_344 = arith.subi %convert_element_type3A_328, %select_n3A_343 : vector<16xi32>
      %convert_element_type3A_345 = arith.sitofp %sub3A_336 : vector<16xi32> to vector<16xf32>
      %sub3A_346 = arith.subf %min3A_308, %convert_element_type3A_345 : vector<16xf32>
      %convert_element_type3A_347 = arith.sitofp %sub3A_344 : vector<16xi32> to vector<16xf32>
      %sub3A_348 = arith.subf %min3A_326, %convert_element_type3A_347 : vector<16xf32>
      %sub3A_349 = arith.constant 1.000000e+00 : f32
      %sub3A_350 = vector.broadcast %sub3A_349 : f32 to vector<16xf32>
      %sub3A_351 = arith.subf %sub3A_350, %sub3A_346 : vector<16xf32>
      %sub3A_352 = arith.constant 1.000000e+00 : f32
      %sub3A_353 = vector.broadcast %sub3A_352 : f32 to vector<16xf32>
      %sub3A_354 = arith.subf %sub3A_353, %sub3A_348 : vector<16xf32>
      %ge3A_355 = arith.constant 0 : i32
      %ge3A_356 = vector.broadcast %ge3A_355 : i32 to vector<16xi32>
      %ge3A_357 = arith.cmpi sge, %sub3A_336, %ge3A_356 : vector<16xi32>
      %le3A_358 = arith.constant 27 : i32
      %le3A_359 = vector.broadcast %le3A_358 : i32 to vector<16xi32>
      %le3A_360 = arith.cmpi sle, %sub3A_336, %le3A_359 : vector<16xi32>
      %and3A_361 = arith.andi %ge3A_357, %le3A_360 : vector<16xi1>
      %jit3A_362 = arith.constant 0.000000e+00 : f32
      %broadcast_in_dim3A_363 = vector.broadcast %jit3A_362 : f32 to vector<16xf32>
      %select_n3A_364 = arith.select %and3A_361, %sub3A_351, %broadcast_in_dim3A_363 : vector<16xi1>, vector<16xf32>
      %ge3A_365 = arith.constant -1 : i32
      %ge3A_366 = vector.broadcast %ge3A_365 : i32 to vector<16xi32>
      %ge3A_367 = arith.cmpi sge, %sub3A_336, %ge3A_366 : vector<16xi32>
      %le3A_368 = arith.constant 26 : i32
      %le3A_369 = vector.broadcast %le3A_368 : i32 to vector<16xi32>
      %le3A_370 = arith.cmpi sle, %sub3A_336, %le3A_369 : vector<16xi32>
      %and3A_371 = arith.andi %ge3A_367, %le3A_370 : vector<16xi1>
      %jit3A_372 = arith.constant 0.000000e+00 : f32
      %broadcast_in_dim3A_373 = vector.broadcast %jit3A_372 : f32 to vector<16xf32>
      %select_n3A_374 = arith.select %and3A_371, %sub3A_346, %broadcast_in_dim3A_373 : vector<16xi1>, vector<16xf32>
      %ge3A_375 = arith.constant 0 : i32
      %ge3A_376 = vector.broadcast %ge3A_375 : i32 to vector<16xi32>
      %ge3A_377 = arith.cmpi sge, %sub3A_344, %ge3A_376 : vector<16xi32>
      %le3A_378 = arith.constant 27 : i32
      %le3A_379 = vector.broadcast %le3A_378 : i32 to vector<16xi32>
      %le3A_380 = arith.cmpi sle, %sub3A_344, %le3A_379 : vector<16xi32>
      %and3A_381 = arith.andi %ge3A_377, %le3A_380 : vector<16xi1>
      %jit3A_382 = arith.constant 0.000000e+00 : f32
      %broadcast_in_dim3A_383 = vector.broadcast %jit3A_382 : f32 to vector<16xf32>
      %select_n3A_384 = arith.select %and3A_381, %sub3A_354, %broadcast_in_dim3A_383 : vector<16xi1>, vector<16xf32>
      %ge3A_385 = arith.constant -1 : i32
      %ge3A_386 = vector.broadcast %ge3A_385 : i32 to vector<16xi32>
      %ge3A_387 = arith.cmpi sge, %sub3A_344, %ge3A_386 : vector<16xi32>
      %le3A_388 = arith.constant 26 : i32
      %le3A_389 = vector.broadcast %le3A_388 : i32 to vector<16xi32>
      %le3A_390 = arith.cmpi sle, %sub3A_344, %le3A_389 : vector<16xi32>
      %and3A_391 = arith.andi %ge3A_387, %le3A_390 : vector<16xi1>
      %jit3A_392 = arith.constant 0.000000e+00 : f32
      %broadcast_in_dim3A_393 = vector.broadcast %jit3A_392 : f32 to vector<16xf32>
      %select_n3A_394 = arith.select %and3A_391, %sub3A_348, %broadcast_in_dim3A_393 : vector<16xi1>, vector<16xf32>
      %jit3A_395 = arith.constant 0 : i32
      %jit3A_396 = arith.constant 27 : i32
      %max3A_397 = vector.broadcast %jit3A_395 : i32 to vector<16xi32>
      %max3A_398 = arith.maxsi %max3A_397, %sub3A_344 : vector<16xi32>
      %min3A_399 = vector.broadcast %jit3A_396 : i32 to vector<16xi32>
      %min3A_400 = arith.minsi %min3A_399, %max3A_398 : vector<16xi32>
      %add3A_401 = arith.constant 1 : i32
      %add3A_402 = vector.broadcast %add3A_401 : i32 to vector<16xi32>
      %add3A_403 = arith.addi %sub3A_344, %add3A_402 : vector<16xi32>
      %jit3A_404 = arith.constant 0 : i32
      %jit3A_405 = arith.constant 27 : i32
      %max3A_406 = vector.broadcast %jit3A_404 : i32 to vector<16xi32>
      %max3A_407 = arith.maxsi %max3A_406, %add3A_403 : vector<16xi32>
      %min3A_408 = vector.broadcast %jit3A_405 : i32 to vector<16xi32>
      %min3A_409 = arith.minsi %min3A_408, %max3A_407 : vector<16xi32>
      %jit3A_410 = arith.constant 0 : i32
      %jit3A_411 = arith.constant 26 : i32
      %max3A_412 = vector.broadcast %jit3A_410 : i32 to vector<16xi32>
      %max3A_413 = arith.maxsi %max3A_412, %sub3A_336 : vector<16xi32>
      %min3A_414 = vector.broadcast %jit3A_411 : i32 to vector<16xi32>
      %min3A_415 = arith.minsi %min3A_414, %max3A_413 : vector<16xi32>
      %eq3A_416 = arith.cmpi eq, %sub3A_336, %min3A_415 : vector<16xi32>
      %sub3A_417 = arith.constant 1 : i32
      %sub3A_418 = vector.broadcast %sub3A_417 : i32 to vector<16xi32>
      %sub3A_419 = arith.subi %min3A_415, %sub3A_418 : vector<16xi32>
      %eq3A_420 = arith.cmpi eq, %sub3A_336, %sub3A_419 : vector<16xi32>
      %jit3A_421 = arith.constant 0.000000e+00 : f32
      %broadcast_in_dim3A_422 = vector.broadcast %jit3A_421 : f32 to vector<16xf32>
      %select_n3A_423 = arith.select %eq3A_420, %select_n3A_374, %broadcast_in_dim3A_422 : vector<16xi1>, vector<16xf32>
      %select_n3A_424 = arith.select %eq3A_416, %select_n3A_364, %select_n3A_423 : vector<16xi1>, vector<16xf32>
      %add3A_425 = arith.constant 1 : i32
      %add3A_426 = vector.broadcast %add3A_425 : i32 to vector<16xi32>
      %add3A_427 = arith.addi %min3A_415, %add3A_426 : vector<16xi32>
      %eq3A_428 = arith.cmpi eq, %sub3A_336, %add3A_427 : vector<16xi32>
      %eq3A_429 = arith.cmpi eq, %sub3A_336, %min3A_415 : vector<16xi32>
      %jit3A_430 = arith.constant 0.000000e+00 : f32
      %broadcast_in_dim3A_431 = vector.broadcast %jit3A_430 : f32 to vector<16xf32>
      %select_n3A_432 = arith.select %eq3A_429, %select_n3A_374, %broadcast_in_dim3A_431 : vector<16xi1>, vector<16xf32>
      %select_n3A_433 = arith.select %eq3A_428, %select_n3A_364, %select_n3A_432 : vector<16xi1>, vector<16xf32>
      %mul3A_434 = arith.constant 784 : i32
      %mul3A_435 = arith.muli %select_n3A, %mul3A_434 : i32
      %mul3A_436 = arith.constant 28 : i32
      %mul3A_437 = vector.broadcast %mul3A_436 : i32 to vector<16xi32>
      %mul3A_438 = arith.muli %min3A_400, %mul3A_437 : vector<16xi32>
      %add3A_439 = arith.addi %mul3A_438, %min3A_415 : vector<16xi32>
      %add3A_440 = vector.broadcast %mul3A_435 : i32 to vector<16xi32>
      %add3A_441 = arith.addi %add3A_439, %add3A_440 : vector<16xi32>
      %mul3A_442 = arith.constant 28 : i32
      %mul3A_443 = vector.broadcast %mul3A_442 : i32 to vector<16xi32>
      %mul3A_444 = arith.muli %min3A_409, %mul3A_443 : vector<16xi32>
      %add3A_445 = arith.addi %mul3A_444, %min3A_415 : vector<16xi32>
      %add3A_446 = vector.broadcast %mul3A_435 : i32 to vector<16xi32>
      %add3A_447 = arith.addi %add3A_445, %add3A_446 : vector<16xi32>
      %swap3A_448 = arith.constant 0 : index
      %swap3A_449 = tpu.vector_load %arg11[%swap3A_448] {strides = array<i32>} : memref<64xi32, #tpu.memory_space<vmem>>, vector<16xi32>,
      tpu.vector_store %arg11[%swap3A_448], %add3A_441 {strides = array<i32>} : memref<64xi32, #tpu.memory_space<vmem>>, vector<16xi32>,
      %swap3A_450 = arith.constant 32 : index
      %swap3A_451 = tpu.vector_load %arg11[%swap3A_450] {strides = array<i32>} : memref<64xi32, #tpu.memory_space<vmem>>, vector<16xi32>,
      tpu.vector_store %arg11[%swap3A_450], %add3A_447 {strides = array<i32>} : memref<64xi32, #tpu.memory_space<vmem>>, vector<16xi32>,
      %mul3A_452 = arith.mulf %select_n3A_384, %select_n3A_424 : vector<16xf32>
      %swap3A_453 = arith.constant 0 : index
      %swap3A_454 = tpu.vector_load %arg14[%swap3A_453] {strides = array<i32>} : memref<128xf32, #tpu.memory_space<vmem>>, vector<16xf32>,
      tpu.vector_store %arg14[%swap3A_453], %mul3A_452 {strides = array<i32>} : memref<128xf32, #tpu.memory_space<vmem>>, vector<16xf32>,
      %mul3A_455 = arith.mulf %select_n3A_384, %select_n3A_433 : vector<16xf32>
      %swap3A_456 = arith.constant 32 : index
      %swap3A_457 = tpu.vector_load %arg14[%swap3A_456] {strides = array<i32>} : memref<128xf32, #tpu.memory_space<vmem>>, vector<16xf32>,
      tpu.vector_store %arg14[%swap3A_456], %mul3A_455 {strides = array<i32>} : memref<128xf32, #tpu.memory_space<vmem>>, vector<16xf32>,
      %mul3A_458 = arith.mulf %select_n3A_394, %select_n3A_424 : vector<16xf32>
      %swap3A_459 = arith.constant 64 : index
      %swap3A_460 = tpu.vector_load %arg14[%swap3A_459] {strides = array<i32>} : memref<128xf32, #tpu.memory_space<vmem>>, vector<16xf32>,
      tpu.vector_store %arg14[%swap3A_459], %mul3A_458 {strides = array<i32>} : memref<128xf32, #tpu.memory_space<vmem>>, vector<16xf32>,
      %mul3A_461 = arith.mulf %select_n3A_394, %select_n3A_433 : vector<16xf32>
      %swap3A_462 = arith.constant 96 : index
      %swap3A_463 = tpu.vector_load %arg14[%swap3A_462] {strides = array<i32>} : memref<128xf32, #tpu.memory_space<vmem>>, vector<16xf32>,
      tpu.vector_store %arg14[%swap3A_462], %mul3A_461 {strides = array<i32>} : memref<128xf32, #tpu.memory_space<vmem>>, vector<16xf32>,
      %add3A_464 = arith.constant 1.000000e+00 : f32
      %add3A_465 = vector.broadcast %add3A_464 : f32 to vector<16xf32>
      %add3A_466 = arith.addf %sub3A_109, %add3A_465 : vector<16xf32>
      %mul3A_467 = arith.constant 1.400000e+01 : f32
      %mul3A_468 = vector.broadcast %mul3A_467 : f32 to vector<16xf32>
      %mul3A_469 = arith.mulf %add3A_466, %mul3A_468 : vector<16xf32>
      %sub3A_470 = arith.constant 1.000000e+00 : f32
      %sub3A_471 = vector.broadcast %sub3A_470 : f32 to vector<16xf32>
      %sub3A_472 = arith.subf %mul3A_469, %sub3A_471 : vector<16xf32>
      %mul3A_473 = arith.constant 5.000000e-01 : f32
      %mul3A_474 = vector.broadcast %mul3A_473 : f32 to vector<16xf32>
      %mul3A_475 = arith.mulf %sub3A_472, %mul3A_474 : vector<16xf32>
      %jit3A_476 = arith.constant -2.000000e+00 : f32
      %jit3A_477 = arith.constant 1.500000e+01 : f32
      %max3A_478 = vector.broadcast %jit3A_476 : f32 to vector<16xf32>
      %max3A_479 = arith.maximumf %max3A_478, %mul3A_475 : vector<16xf32>
      %min3A_480 = vector.broadcast %jit3A_477 : f32 to vector<16xf32>
      %min3A_481 = arith.minimumf %min3A_480, %max3A_479 : vector<16xf32>
      %add3A_482 = arith.constant 1.000000e+00 : f32
      %add3A_483 = vector.broadcast %add3A_482 : f32 to vector<16xf32>
      %add3A_484 = arith.addf %sub3A_116, %add3A_483 : vector<16xf32>
      %mul3A_485 = arith.constant 1.400000e+01 : f32
      %mul3A_486 = vector.broadcast %mul3A_485 : f32 to vector<16xf32>
      %mul3A_487 = arith.mulf %add3A_484, %mul3A_486 : vector<16xf32>
      %sub3A_488 = arith.constant 1.000000e+00 : f32
      %sub3A_489 = vector.broadcast %sub3A_488 : f32 to vector<16xf32>
      %sub3A_490 = arith.subf %mul3A_487, %sub3A_489 : vector<16xf32>
      %mul3A_491 = arith.constant 5.000000e-01 : f32
      %mul3A_492 = vector.broadcast %mul3A_491 : f32 to vector<16xf32>
      %mul3A_493 = arith.mulf %sub3A_490, %mul3A_492 : vector<16xf32>
      %jit3A_494 = arith.constant -2.000000e+00 : f32
      %jit3A_495 = arith.constant 1.500000e+01 : f32
      %max3A_496 = vector.broadcast %jit3A_494 : f32 to vector<16xf32>
      %max3A_497 = arith.maximumf %max3A_496, %mul3A_493 : vector<16xf32>
      %min3A_498 = vector.broadcast %jit3A_495 : f32 to vector<16xf32>
      %min3A_499 = arith.minimumf %min3A_498, %max3A_497 : vector<16xf32>
      %convert_element_type3A_500 = arith.fptosi %min3A_481 : vector<16xf32> to vector<16xi32>
      %convert_element_type3A_501 = arith.fptosi %min3A_499 : vector<16xf32> to vector<16xi32>
      %convert_element_type3A_502 = arith.sitofp %convert_element_type3A_500 : vector<16xi32> to vector<16xf32>
      %lt3A_503 = arith.cmpf olt, %min3A_481, %convert_element_type3A_502 : vector<16xf32>
      %jit3A_504 = arith.constant 1 : i32
      %jit3A_505 = arith.constant 0 : i32
      %broadcast_in_dim3A_506 = vector.broadcast %jit3A_504 : i32 to vector<16xi32>
      %broadcast_in_dim3A_507 = vector.broadcast %jit3A_505 : i32 to vector<16xi32>
      %select_n3A_508 = arith.select %lt3A_503, %broadcast_in_dim3A_506, %broadcast_in_dim3A_507 : vector<16xi1>, vector<16xi32>
      %sub3A_509 = arith.subi %convert_element_type3A_500, %select_n3A_508 : vector<16xi32>
      %convert_element_type3A_510 = arith.sitofp %convert_element_type3A_501 : vector<16xi32> to vector<16xf32>
      %lt3A_511 = arith.cmpf olt, %min3A_499, %convert_element_type3A_510 : vector<16xf32>
      %jit3A_512 = arith.constant 1 : i32
      %jit3A_513 = arith.constant 0 : i32
      %broadcast_in_dim3A_514 = vector.broadcast %jit3A_512 : i32 to vector<16xi32>
      %broadcast_in_dim3A_515 = vector.broadcast %jit3A_513 : i32 to vector<16xi32>
      %select_n3A_516 = arith.select %lt3A_511, %broadcast_in_dim3A_514, %broadcast_in_dim3A_515 : vector<16xi1>, vector<16xi32>
      %sub3A_517 = arith.subi %convert_element_type3A_501, %select_n3A_516 : vector<16xi32>
      %convert_element_type3A_518 = arith.sitofp %sub3A_509 : vector<16xi32> to vector<16xf32>
      %sub3A_519 = arith.subf %min3A_481, %convert_element_type3A_518 : vector<16xf32>
      %convert_element_type3A_520 = arith.sitofp %sub3A_517 : vector<16xi32> to vector<16xf32>
      %sub3A_521 = arith.subf %min3A_499, %convert_element_type3A_520 : vector<16xf32>
      %sub3A_522 = arith.constant 1.000000e+00 : f32
      %sub3A_523 = vector.broadcast %sub3A_522 : f32 to vector<16xf32>
      %sub3A_524 = arith.subf %sub3A_523, %sub3A_519 : vector<16xf32>
      %sub3A_525 = arith.constant 1.000000e+00 : f32
      %sub3A_526 = vector.broadcast %sub3A_525 : f32 to vector<16xf32>
      %sub3A_527 = arith.subf %sub3A_526, %sub3A_521 : vector<16xf32>
      %ge3A_528 = arith.constant 0 : i32
      %ge3A_529 = vector.broadcast %ge3A_528 : i32 to vector<16xi32>
      %ge3A_530 = arith.cmpi sge, %sub3A_509, %ge3A_529 : vector<16xi32>
      %le3A_531 = arith.constant 13 : i32
      %le3A_532 = vector.broadcast %le3A_531 : i32 to vector<16xi32>
      %le3A_533 = arith.cmpi sle, %sub3A_509, %le3A_532 : vector<16xi32>
      %and3A_534 = arith.andi %ge3A_530, %le3A_533 : vector<16xi1>
      %jit3A_535 = arith.constant 0.000000e+00 : f32
      %broadcast_in_dim3A_536 = vector.broadcast %jit3A_535 : f32 to vector<16xf32>
      %select_n3A_537 = arith.select %and3A_534, %sub3A_524, %broadcast_in_dim3A_536 : vector<16xi1>, vector<16xf32>
      %ge3A_538 = arith.constant -1 : i32
      %ge3A_539 = vector.broadcast %ge3A_538 : i32 to vector<16xi32>
      %ge3A_540 = arith.cmpi sge, %sub3A_509, %ge3A_539 : vector<16xi32>
      %le3A_541 = arith.constant 12 : i32
      %le3A_542 = vector.broadcast %le3A_541 : i32 to vector<16xi32>
      %le3A_543 = arith.cmpi sle, %sub3A_509, %le3A_542 : vector<16xi32>
      %and3A_544 = arith.andi %ge3A_540, %le3A_543 : vector<16xi1>
      %jit3A_545 = arith.constant 0.000000e+00 : f32
      %broadcast_in_dim3A_546 = vector.broadcast %jit3A_545 : f32 to vector<16xf32>
      %select_n3A_547 = arith.select %and3A_544, %sub3A_519, %broadcast_in_dim3A_546 : vector<16xi1>, vector<16xf32>
      %ge3A_548 = arith.constant 0 : i32
      %ge3A_549 = vector.broadcast %ge3A_548 : i32 to vector<16xi32>
      %ge3A_550 = arith.cmpi sge, %sub3A_517, %ge3A_549 : vector<16xi32>
      %le3A_551 = arith.constant 13 : i32
      %le3A_552 = vector.broadcast %le3A_551 : i32 to vector<16xi32>
      %le3A_553 = arith.cmpi sle, %sub3A_517, %le3A_552 : vector<16xi32>
      %and3A_554 = arith.andi %ge3A_550, %le3A_553 : vector<16xi1>
      %jit3A_555 = arith.constant 0.000000e+00 : f32
      %broadcast_in_dim3A_556 = vector.broadcast %jit3A_555 : f32 to vector<16xf32>
      %select_n3A_557 = arith.select %and3A_554, %sub3A_527, %broadcast_in_dim3A_556 : vector<16xi1>, vector<16xf32>
      %ge3A_558 = arith.constant -1 : i32
      %ge3A_559 = vector.broadcast %ge3A_558 : i32 to vector<16xi32>
      %ge3A_560 = arith.cmpi sge, %sub3A_517, %ge3A_559 : vector<16xi32>
      %le3A_561 = arith.constant 12 : i32
      %le3A_562 = vector.broadcast %le3A_561 : i32 to vector<16xi32>
      %le3A_563 = arith.cmpi sle, %sub3A_517, %le3A_562 : vector<16xi32>
      %and3A_564 = arith.andi %ge3A_560, %le3A_563 : vector<16xi1>
      %jit3A_565 = arith.constant 0.000000e+00 : f32
      %broadcast_in_dim3A_566 = vector.broadcast %jit3A_565 : f32 to vector<16xf32>
      %select_n3A_567 = arith.select %and3A_564, %sub3A_521, %broadcast_in_dim3A_566 : vector<16xi1>, vector<16xf32>
      %jit3A_568 = arith.constant 0 : i32
      %jit3A_569 = arith.constant 13 : i32
      %max3A_570 = vector.broadcast %jit3A_568 : i32 to vector<16xi32>
      %max3A_571 = arith.maxsi %max3A_570, %sub3A_517 : vector<16xi32>
      %min3A_572 = vector.broadcast %jit3A_569 : i32 to vector<16xi32>
      %min3A_573 = arith.minsi %min3A_572, %max3A_571 : vector<16xi32>
      %add3A_574 = arith.constant 1 : i32
      %add3A_575 = vector.broadcast %add3A_574 : i32 to vector<16xi32>
      %add3A_576 = arith.addi %sub3A_517, %add3A_575 : vector<16xi32>
      %jit3A_577 = arith.constant 0 : i32
      %jit3A_578 = arith.constant 13 : i32
      %max3A_579 = vector.broadcast %jit3A_577 : i32 to vector<16xi32>
      %max3A_580 = arith.maxsi %max3A_579, %add3A_576 : vector<16xi32>
      %min3A_581 = vector.broadcast %jit3A_578 : i32 to vector<16xi32>
      %min3A_582 = arith.minsi %min3A_581, %max3A_580 : vector<16xi32>
      %jit3A_583 = arith.constant 0 : i32
      %jit3A_584 = arith.constant 12 : i32
      %max3A_585 = vector.broadcast %jit3A_583 : i32 to vector<16xi32>
      %max3A_586 = arith.maxsi %max3A_585, %sub3A_509 : vector<16xi32>
      %min3A_587 = vector.broadcast %jit3A_584 : i32 to vector<16xi32>
      %min3A_588 = arith.minsi %min3A_587, %max3A_586 : vector<16xi32>
      %eq3A_589 = arith.cmpi eq, %sub3A_509, %min3A_588 : vector<16xi32>
      %sub3A_590 = arith.constant 1 : i32
      %sub3A_591 = vector.broadcast %sub3A_590 : i32 to vector<16xi32>
      %sub3A_592 = arith.subi %min3A_588, %sub3A_591 : vector<16xi32>
      %eq3A_593 = arith.cmpi eq, %sub3A_509, %sub3A_592 : vector<16xi32>
      %jit3A_594 = arith.constant 0.000000e+00 : f32
      %broadcast_in_dim3A_595 = vector.broadcast %jit3A_594 : f32 to vector<16xf32>
      %select_n3A_596 = arith.select %eq3A_593, %select_n3A_547, %broadcast_in_dim3A_595 : vector<16xi1>, vector<16xf32>
      %select_n3A_597 = arith.select %eq3A_589, %select_n3A_537, %select_n3A_596 : vector<16xi1>, vector<16xf32>
      %add3A_598 = arith.constant 1 : i32
      %add3A_599 = vector.broadcast %add3A_598 : i32 to vector<16xi32>
      %add3A_600 = arith.addi %min3A_588, %add3A_599 : vector<16xi32>
      %eq3A_601 = arith.cmpi eq, %sub3A_509, %add3A_600 : vector<16xi32>
      %eq3A_602 = arith.cmpi eq, %sub3A_509, %min3A_588 : vector<16xi32>
      %jit3A_603 = arith.constant 0.000000e+00 : f32
      %broadcast_in_dim3A_604 = vector.broadcast %jit3A_603 : f32 to vector<16xf32>
      %select_n3A_605 = arith.select %eq3A_602, %select_n3A_547, %broadcast_in_dim3A_604 : vector<16xi1>, vector<16xf32>
      %select_n3A_606 = arith.select %eq3A_601, %select_n3A_537, %select_n3A_605 : vector<16xi1>, vector<16xf32>
      %mul3A_607 = arith.constant 196 : i32
      %mul3A_608 = arith.muli %select_n3A, %mul3A_607 : i32
      %mul3A_609 = arith.constant 14 : i32
      %mul3A_610 = vector.broadcast %mul3A_609 : i32 to vector<16xi32>
      %mul3A_611 = arith.muli %min3A_573, %mul3A_610 : vector<16xi32>
      %add3A_612 = arith.addi %mul3A_611, %min3A_588 : vector<16xi32>
      %add3A_613 = vector.broadcast %mul3A_608 : i32 to vector<16xi32>
      %add3A_614 = arith.addi %add3A_612, %add3A_613 : vector<16xi32>
      %mul3A_615 = arith.constant 14 : i32
      %mul3A_616 = vector.broadcast %mul3A_615 : i32 to vector<16xi32>
      %mul3A_617 = arith.muli %min3A_582, %mul3A_616 : vector<16xi32>
      %add3A_618 = arith.addi %mul3A_617, %min3A_588 : vector<16xi32>
      %add3A_619 = vector.broadcast %mul3A_608 : i32 to vector<16xi32>
      %add3A_620 = arith.addi %add3A_618, %add3A_619 : vector<16xi32>
      %swap3A_621 = arith.constant 0 : index
      %swap3A_622 = tpu.vector_load %arg12[%swap3A_621] {strides = array<i32>} : memref<64xi32, #tpu.memory_space<vmem>>, vector<16xi32>,
      tpu.vector_store %arg12[%swap3A_621], %add3A_614 {strides = array<i32>} : memref<64xi32, #tpu.memory_space<vmem>>, vector<16xi32>,
      %swap3A_623 = arith.constant 32 : index
      %swap3A_624 = tpu.vector_load %arg12[%swap3A_623] {strides = array<i32>} : memref<64xi32, #tpu.memory_space<vmem>>, vector<16xi32>,
      tpu.vector_store %arg12[%swap3A_623], %add3A_620 {strides = array<i32>} : memref<64xi32, #tpu.memory_space<vmem>>, vector<16xi32>,
      %mul3A_625 = arith.mulf %select_n3A_557, %select_n3A_597 : vector<16xf32>
      %swap3A_626 = arith.constant 0 : index
      %swap3A_627 = tpu.vector_load %arg15[%swap3A_626] {strides = array<i32>} : memref<128xf32, #tpu.memory_space<vmem>>, vector<16xf32>,
      tpu.vector_store %arg15[%swap3A_626], %mul3A_625 {strides = array<i32>} : memref<128xf32, #tpu.memory_space<vmem>>, vector<16xf32>,
      %mul3A_628 = arith.mulf %select_n3A_557, %select_n3A_606 : vector<16xf32>
      %swap3A_629 = arith.constant 32 : index
      %swap3A_630 = tpu.vector_load %arg15[%swap3A_629] {strides = array<i32>} : memref<128xf32, #tpu.memory_space<vmem>>, vector<16xf32>,
      tpu.vector_store %arg15[%swap3A_629], %mul3A_628 {strides = array<i32>} : memref<128xf32, #tpu.memory_space<vmem>>, vector<16xf32>,
      %mul3A_631 = arith.mulf %select_n3A_567, %select_n3A_597 : vector<16xf32>
      %swap3A_632 = arith.constant 64 : index
      %swap3A_633 = tpu.vector_load %arg15[%swap3A_632] {strides = array<i32>} : memref<128xf32, #tpu.memory_space<vmem>>, vector<16xf32>,
      tpu.vector_store %arg15[%swap3A_632], %mul3A_631 {strides = array<i32>} : memref<128xf32, #tpu.memory_space<vmem>>, vector<16xf32>,
      %mul3A_634 = arith.mulf %select_n3A_567, %select_n3A_606 : vector<16xf32>
      %swap3A_635 = arith.constant 96 : index
      %swap3A_636 = tpu.vector_load %arg15[%swap3A_635] {strides = array<i32>} : memref<128xf32, #tpu.memory_space<vmem>>, vector<16xf32>,
      tpu.vector_store %arg15[%swap3A_635], %mul3A_634 {strides = array<i32>} : memref<128xf32, #tpu.memory_space<vmem>>, vector<16xf32>,
      %add3A_637 = arith.constant 16 : i32
      %add3A_638 = arith.addi %mul3A_26, %add3A_637 : i32
      %add3A_639 = vector.broadcast %add3A_638 : i32 to vector<16xi32>
      %add3A_640 = arith.addi %iota3A, %add3A_639 : vector<16xi32>
      %broadcast_in_dim3A_641 = arith.constant 0 : i32
      %broadcast_in_dim3A_642 = vector.broadcast %broadcast_in_dim3A_641 : i32 to vector<16xi32>
      %gather3A_643 = tpu.vector_load_idx %arg8[%add3A_640, %broadcast_in_dim3A_642] : memref<1024x3xf32, #tpu.memory_space<vmem>>[vector<16xi32>, vector<16xi32>], vector<16xf32>,
      %broadcast_in_dim3A_644 = arith.constant 1 : i32
      %broadcast_in_dim3A_645 = vector.broadcast %broadcast_in_dim3A_644 : i32 to vector<16xi32>
      %gather3A_646 = tpu.vector_load_idx %arg8[%add3A_640, %broadcast_in_dim3A_645] : memref<1024x3xf32, #tpu.memory_space<vmem>>[vector<16xi32>, vector<16xi32>], vector<16xf32>,
      %broadcast_in_dim3A_647 = arith.constant 2 : i32
      %broadcast_in_dim3A_648 = vector.broadcast %broadcast_in_dim3A_647 : i32 to vector<16xi32>
      %gather3A_649 = tpu.vector_load_idx %arg8[%add3A_640, %broadcast_in_dim3A_648] : memref<1024x3xf32, #tpu.memory_space<vmem>>[vector<16xi32>, vector<16xi32>], vector<16xf32>,
      %get3A_650 = arith.constant 0 : i32
      %get3A_651 = arith.index_cast %get3A_650 : i32 to index
      %get3A_652 = arith.constant 0 : index
      %get3A_653 = tpu.vector_load %arg9[%get3A_651, %get3A_652] {strides = array<i32>} : memref<12x16xf32, #tpu.memory_space<vmem>>, vector<16xf32>,
      %mul3A_654 = arith.mulf %gather3A_643, %get3A_653 : vector<16xf32>
      %get3A_655 = arith.constant 1 : i32
      %get3A_656 = arith.index_cast %get3A_655 : i32 to index
      %get3A_657 = arith.constant 0 : index
      %get3A_658 = tpu.vector_load %arg9[%get3A_656, %get3A_657] {strides = array<i32>} : memref<12x16xf32, #tpu.memory_space<vmem>>, vector<16xf32>,
      %mul3A_659 = arith.mulf %gather3A_646, %get3A_658 : vector<16xf32>
      %add3A_660 = arith.addf %mul3A_654, %mul3A_659 : vector<16xf32>
      %get3A_661 = arith.constant 2 : i32
      %get3A_662 = arith.index_cast %get3A_661 : i32 to index
      %get3A_663 = arith.constant 0 : index
      %get3A_664 = tpu.vector_load %arg9[%get3A_662, %get3A_663] {strides = array<i32>} : memref<12x16xf32, #tpu.memory_space<vmem>>, vector<16xf32>,
      %mul3A_665 = arith.mulf %gather3A_649, %get3A_664 : vector<16xf32>
      %add3A_666 = arith.addf %add3A_660, %mul3A_665 : vector<16xf32>
      %get3A_667 = arith.constant 3 : i32
      %get3A_668 = arith.index_cast %get3A_667 : i32 to index
      %get3A_669 = arith.constant 0 : index
      %get3A_670 = tpu.vector_load %arg9[%get3A_668, %get3A_669] {strides = array<i32>} : memref<12x16xf32, #tpu.memory_space<vmem>>, vector<16xf32>,
      %add3A_671 = arith.addf %add3A_666, %get3A_670 : vector<16xf32>
      %get3A_672 = arith.constant 4 : i32
      %get3A_673 = arith.index_cast %get3A_672 : i32 to index
      %get3A_674 = arith.constant 0 : index
      %get3A_675 = tpu.vector_load %arg9[%get3A_673, %get3A_674] {strides = array<i32>} : memref<12x16xf32, #tpu.memory_space<vmem>>, vector<16xf32>,
      %mul3A_676 = arith.mulf %gather3A_643, %get3A_675 : vector<16xf32>
      %get3A_677 = arith.constant 5 : i32
      %get3A_678 = arith.index_cast %get3A_677 : i32 to index
      %get3A_679 = arith.constant 0 : index
      %get3A_680 = tpu.vector_load %arg9[%get3A_678, %get3A_679] {strides = array<i32>} : memref<12x16xf32, #tpu.memory_space<vmem>>, vector<16xf32>,
      %mul3A_681 = arith.mulf %gather3A_646, %get3A_680 : vector<16xf32>
      %add3A_682 = arith.addf %mul3A_676, %mul3A_681 : vector<16xf32>
      %get3A_683 = arith.constant 6 : i32
      %get3A_684 = arith.index_cast %get3A_683 : i32 to index
      %get3A_685 = arith.constant 0 : index
      %get3A_686 = tpu.vector_load %arg9[%get3A_684, %get3A_685] {strides = array<i32>} : memref<12x16xf32, #tpu.memory_space<vmem>>, vector<16xf32>,
      %mul3A_687 = arith.mulf %gather3A_649, %get3A_686 : vector<16xf32>
      %add3A_688 = arith.addf %add3A_682, %mul3A_687 : vector<16xf32>
      %get3A_689 = arith.constant 7 : i32
      %get3A_690 = arith.index_cast %get3A_689 : i32 to index
      %get3A_691 = arith.constant 0 : index
      %get3A_692 = tpu.vector_load %arg9[%get3A_690, %get3A_691] {strides = array<i32>} : memref<12x16xf32, #tpu.memory_space<vmem>>, vector<16xf32>,
      %add3A_693 = arith.addf %add3A_688, %get3A_692 : vector<16xf32>
      %get3A_694 = arith.constant 8 : i32
      %get3A_695 = arith.index_cast %get3A_694 : i32 to index
      %get3A_696 = arith.constant 0 : index
      %get3A_697 = tpu.vector_load %arg9[%get3A_695, %get3A_696] {strides = array<i32>} : memref<12x16xf32, #tpu.memory_space<vmem>>, vector<16xf32>,
      %mul3A_698 = arith.mulf %gather3A_643, %get3A_697 : vector<16xf32>
      %get3A_699 = arith.constant 9 : i32
      %get3A_700 = arith.index_cast %get3A_699 : i32 to index
      %get3A_701 = arith.constant 0 : index
      %get3A_702 = tpu.vector_load %arg9[%get3A_700, %get3A_701] {strides = array<i32>} : memref<12x16xf32, #tpu.memory_space<vmem>>, vector<16xf32>,
      %mul3A_703 = arith.mulf %gather3A_646, %get3A_702 : vector<16xf32>
      %add3A_704 = arith.addf %mul3A_698, %mul3A_703 : vector<16xf32>
      %get3A_705 = arith.constant 10 : i32
      %get3A_706 = arith.index_cast %get3A_705 : i32 to index
      %get3A_707 = arith.constant 0 : index
      %get3A_708 = tpu.vector_load %arg9[%get3A_706, %get3A_707] {strides = array<i32>} : memref<12x16xf32, #tpu.memory_space<vmem>>, vector<16xf32>,
      %mul3A_709 = arith.mulf %gather3A_649, %get3A_708 : vector<16xf32>
      %add3A_710 = arith.addf %add3A_704, %mul3A_709 : vector<16xf32>
      %get3A_711 = arith.constant 11 : i32
      %get3A_712 = arith.index_cast %get3A_711 : i32 to index
      %get3A_713 = arith.constant 0 : index
      %get3A_714 = tpu.vector_load %arg9[%get3A_712, %get3A_713] {strides = array<i32>} : memref<12x16xf32, #tpu.memory_space<vmem>>, vector<16xf32>,
      %add3A_715 = arith.addf %add3A_710, %get3A_714 : vector<16xf32>
      %div3A_716 = arith.divf %add3A_671, %add3A_715 : vector<16xf32>
      %mul3A_717 = arith.constant 0.01459854 : f32
      %mul3A_718 = vector.broadcast %mul3A_717 : f32 to vector<16xf32>
      %mul3A_719 = arith.mulf %div3A_716, %mul3A_718 : vector<16xf32>
      %sub3A_720 = arith.constant 1.000000e+00 : f32
      %sub3A_721 = vector.broadcast %sub3A_720 : f32 to vector<16xf32>
      %sub3A_722 = arith.subf %mul3A_719, %sub3A_721 : vector<16xf32>
      %div3A_723 = arith.divf %add3A_693, %add3A_715 : vector<16xf32>
      %mul3A_724 = arith.constant 0.01459854 : f32
      %mul3A_725 = vector.broadcast %mul3A_724 : f32 to vector<16xf32>
      %mul3A_726 = arith.mulf %div3A_723, %mul3A_725 : vector<16xf32>
      %sub3A_727 = arith.constant 1.000000e+00 : f32
      %sub3A_728 = vector.broadcast %sub3A_727 : f32 to vector<16xf32>
      %sub3A_729 = arith.subf %mul3A_726, %sub3A_728 : vector<16xf32>
      %add3A_730 = arith.constant 16 : i32
      %add3A_731 = vector.broadcast %add3A_730 : i32 to vector<16xi32>
      %add3A_732 = arith.addi %iota3A, %add3A_731 : vector<16xi32>
      %broadcast_in_dim3A_733 = arith.constant 0 : i32
      %broadcast_in_dim3A_734 = vector.broadcast %broadcast_in_dim3A_733 : i32 to vector<16xi32>
      tpu.vector_store_idx %arg19[%add3A_732, %broadcast_in_dim3A_734], %gather3A_643 : memref<32x675xf32, #tpu.memory_space<vmem>>[vector<16xi32>, vector<16xi32>], vector<16xf32>,
      %broadcast_in_dim3A_735 = arith.constant 1 : i32
      %broadcast_in_dim3A_736 = vector.broadcast %broadcast_in_dim3A_735 : i32 to vector<16xi32>
      tpu.vector_store_idx %arg19[%add3A_732, %broadcast_in_dim3A_736], %gather3A_646 : memref<32x675xf32, #tpu.memory_space<vmem>>[vector<16xi32>, vector<16xi32>], vector<16xf32>,
      %broadcast_in_dim3A_737 = arith.constant 2 : i32
      %broadcast_in_dim3A_738 = vector.broadcast %broadcast_in_dim3A_737 : i32 to vector<16xi32>
      tpu.vector_store_idx %arg19[%add3A_732, %broadcast_in_dim3A_738], %gather3A_649 : memref<32x675xf32, #tpu.memory_space<vmem>>[vector<16xi32>, vector<16xi32>], vector<16xf32>,
      %add3A_739 = arith.constant 1.000000e+00 : f32
      %add3A_740 = vector.broadcast %add3A_739 : f32 to vector<16xf32>
      %add3A_741 = arith.addf %sub3A_722, %add3A_740 : vector<16xf32>
      %mul3A_742 = arith.constant 5.600000e+01 : f32
      %mul3A_743 = vector.broadcast %mul3A_742 : f32 to vector<16xf32>
      %mul3A_744 = arith.mulf %add3A_741, %mul3A_743 : vector<16xf32>
      %sub3A_745 = arith.constant 1.000000e+00 : f32
      %sub3A_746 = vector.broadcast %sub3A_745 : f32 to vector<16xf32>
      %sub3A_747 = arith.subf %mul3A_744, %sub3A_746 : vector<16xf32>
      %mul3A_748 = arith.constant 5.000000e-01 : f32
      %mul3A_749 = vector.broadcast %mul3A_748 : f32 to vector<16xf32>
      %mul3A_750 = arith.mulf %sub3A_747, %mul3A_749 : vector<16xf32>
      %jit3A_751 = arith.constant -2.000000e+00 : f32
      %jit3A_752 = arith.constant 5.700000e+01 : f32
      %max3A_753 = vector.broadcast %jit3A_751 : f32 to vector<16xf32>
      %max3A_754 = arith.maximumf %max3A_753, %mul3A_750 : vector<16xf32>
      %min3A_755 = vector.broadcast %jit3A_752 : f32 to vector<16xf32>
      %min3A_756 = arith.minimumf %min3A_755, %max3A_754 : vector<16xf32>
      %add3A_757 = arith.constant 1.000000e+00 : f32
      %add3A_758 = vector.broadcast %add3A_757 : f32 to vector<16xf32>
      %add3A_759 = arith.addf %sub3A_729, %add3A_758 : vector<16xf32>
      %mul3A_760 = arith.constant 5.600000e+01 : f32
      %mul3A_761 = vector.broadcast %mul3A_760 : f32 to vector<16xf32>
      %mul3A_762 = arith.mulf %add3A_759, %mul3A_761 : vector<16xf32>
      %sub3A_763 = arith.constant 1.000000e+00 : f32
      %sub3A_764 = vector.broadcast %sub3A_763 : f32 to vector<16xf32>
      %sub3A_765 = arith.subf %mul3A_762, %sub3A_764 : vector<16xf32>
      %mul3A_766 = arith.constant 5.000000e-01 : f32
      %mul3A_767 = vector.broadcast %mul3A_766 : f32 to vector<16xf32>
      %mul3A_768 = arith.mulf %sub3A_765, %mul3A_767 : vector<16xf32>
      %jit3A_769 = arith.constant -2.000000e+00 : f32
      %jit3A_770 = arith.constant 5.700000e+01 : f32
      %max3A_771 = vector.broadcast %jit3A_769 : f32 to vector<16xf32>
      %max3A_772 = arith.maximumf %max3A_771, %mul3A_768 : vector<16xf32>
      %min3A_773 = vector.broadcast %jit3A_770 : f32 to vector<16xf32>
      %min3A_774 = arith.minimumf %min3A_773, %max3A_772 : vector<16xf32>
      %convert_element_type3A_775 = arith.fptosi %min3A_756 : vector<16xf32> to vector<16xi32>
      %convert_element_type3A_776 = arith.fptosi %min3A_774 : vector<16xf32> to vector<16xi32>
      %convert_element_type3A_777 = arith.sitofp %convert_element_type3A_775 : vector<16xi32> to vector<16xf32>
      %lt3A_778 = arith.cmpf olt, %min3A_756, %convert_element_type3A_777 : vector<16xf32>
      %jit3A_779 = arith.constant 1 : i32
      %jit3A_780 = arith.constant 0 : i32
      %broadcast_in_dim3A_781 = vector.broadcast %jit3A_779 : i32 to vector<16xi32>
      %broadcast_in_dim3A_782 = vector.broadcast %jit3A_780 : i32 to vector<16xi32>
      %select_n3A_783 = arith.select %lt3A_778, %broadcast_in_dim3A_781, %broadcast_in_dim3A_782 : vector<16xi1>, vector<16xi32>
      %sub3A_784 = arith.subi %convert_element_type3A_775, %select_n3A_783 : vector<16xi32>
      %convert_element_type3A_785 = arith.sitofp %convert_element_type3A_776 : vector<16xi32> to vector<16xf32>
      %lt3A_786 = arith.cmpf olt, %min3A_774, %convert_element_type3A_785 : vector<16xf32>
      %jit3A_787 = arith.constant 1 : i32
      %jit3A_788 = arith.constant 0 : i32
      %broadcast_in_dim3A_789 = vector.broadcast %jit3A_787 : i32 to vector<16xi32>
      %broadcast_in_dim3A_790 = vector.broadcast %jit3A_788 : i32 to vector<16xi32>
      %select_n3A_791 = arith.select %lt3A_786, %broadcast_in_dim3A_789, %broadcast_in_dim3A_790 : vector<16xi1>, vector<16xi32>
      %sub3A_792 = arith.subi %convert_element_type3A_776, %select_n3A_791 : vector<16xi32>
      %convert_element_type3A_793 = arith.sitofp %sub3A_784 : vector<16xi32> to vector<16xf32>
      %sub3A_794 = arith.subf %min3A_756, %convert_element_type3A_793 : vector<16xf32>
      %convert_element_type3A_795 = arith.sitofp %sub3A_792 : vector<16xi32> to vector<16xf32>
      %sub3A_796 = arith.subf %min3A_774, %convert_element_type3A_795 : vector<16xf32>
      %sub3A_797 = arith.constant 1.000000e+00 : f32
      %sub3A_798 = vector.broadcast %sub3A_797 : f32 to vector<16xf32>
      %sub3A_799 = arith.subf %sub3A_798, %sub3A_794 : vector<16xf32>
      %sub3A_800 = arith.constant 1.000000e+00 : f32
      %sub3A_801 = vector.broadcast %sub3A_800 : f32 to vector<16xf32>
      %sub3A_802 = arith.subf %sub3A_801, %sub3A_796 : vector<16xf32>
      %ge3A_803 = arith.constant 0 : i32
      %ge3A_804 = vector.broadcast %ge3A_803 : i32 to vector<16xi32>
      %ge3A_805 = arith.cmpi sge, %sub3A_784, %ge3A_804 : vector<16xi32>
      %le3A_806 = arith.constant 55 : i32
      %le3A_807 = vector.broadcast %le3A_806 : i32 to vector<16xi32>
      %le3A_808 = arith.cmpi sle, %sub3A_784, %le3A_807 : vector<16xi32>
      %and3A_809 = arith.andi %ge3A_805, %le3A_808 : vector<16xi1>
      %jit3A_810 = arith.constant 0.000000e+00 : f32
      %broadcast_in_dim3A_811 = vector.broadcast %jit3A_810 : f32 to vector<16xf32>
      %select_n3A_812 = arith.select %and3A_809, %sub3A_799, %broadcast_in_dim3A_811 : vector<16xi1>, vector<16xf32>
      %ge3A_813 = arith.constant -1 : i32
      %ge3A_814 = vector.broadcast %ge3A_813 : i32 to vector<16xi32>
      %ge3A_815 = arith.cmpi sge, %sub3A_784, %ge3A_814 : vector<16xi32>
      %le3A_816 = arith.constant 54 : i32
      %le3A_817 = vector.broadcast %le3A_816 : i32 to vector<16xi32>
      %le3A_818 = arith.cmpi sle, %sub3A_784, %le3A_817 : vector<16xi32>
      %and3A_819 = arith.andi %ge3A_815, %le3A_818 : vector<16xi1>
      %jit3A_820 = arith.constant 0.000000e+00 : f32
      %broadcast_in_dim3A_821 = vector.broadcast %jit3A_820 : f32 to vector<16xf32>
      %select_n3A_822 = arith.select %and3A_819, %sub3A_794, %broadcast_in_dim3A_821 : vector<16xi1>, vector<16xf32>
      %ge3A_823 = arith.constant 0 : i32
      %ge3A_824 = vector.broadcast %ge3A_823 : i32 to vector<16xi32>
      %ge3A_825 = arith.cmpi sge, %sub3A_792, %ge3A_824 : vector<16xi32>
      %le3A_826 = arith.constant 55 : i32
      %le3A_827 = vector.broadcast %le3A_826 : i32 to vector<16xi32>
      %le3A_828 = arith.cmpi sle, %sub3A_792, %le3A_827 : vector<16xi32>
      %and3A_829 = arith.andi %ge3A_825, %le3A_828 : vector<16xi1>
      %jit3A_830 = arith.constant 0.000000e+00 : f32
      %broadcast_in_dim3A_831 = vector.broadcast %jit3A_830 : f32 to vector<16xf32>
      %select_n3A_832 = arith.select %and3A_829, %sub3A_802, %broadcast_in_dim3A_831 : vector<16xi1>, vector<16xf32>
      %ge3A_833 = arith.constant -1 : i32
      %ge3A_834 = vector.broadcast %ge3A_833 : i32 to vector<16xi32>
      %ge3A_835 = arith.cmpi sge, %sub3A_792, %ge3A_834 : vector<16xi32>
      %le3A_836 = arith.constant 54 : i32
      %le3A_837 = vector.broadcast %le3A_836 : i32 to vector<16xi32>
      %le3A_838 = arith.cmpi sle, %sub3A_792, %le3A_837 : vector<16xi32>
      %and3A_839 = arith.andi %ge3A_835, %le3A_838 : vector<16xi1>
      %jit3A_840 = arith.constant 0.000000e+00 : f32
      %broadcast_in_dim3A_841 = vector.broadcast %jit3A_840 : f32 to vector<16xf32>
      %select_n3A_842 = arith.select %and3A_839, %sub3A_796, %broadcast_in_dim3A_841 : vector<16xi1>, vector<16xf32>
      %jit3A_843 = arith.constant 0 : i32
      %jit3A_844 = arith.constant 55 : i32
      %max3A_845 = vector.broadcast %jit3A_843 : i32 to vector<16xi32>
      %max3A_846 = arith.maxsi %max3A_845, %sub3A_792 : vector<16xi32>
      %min3A_847 = vector.broadcast %jit3A_844 : i32 to vector<16xi32>
      %min3A_848 = arith.minsi %min3A_847, %max3A_846 : vector<16xi32>
      %add3A_849 = arith.constant 1 : i32
      %add3A_850 = vector.broadcast %add3A_849 : i32 to vector<16xi32>
      %add3A_851 = arith.addi %sub3A_792, %add3A_850 : vector<16xi32>
      %jit3A_852 = arith.constant 0 : i32
      %jit3A_853 = arith.constant 55 : i32
      %max3A_854 = vector.broadcast %jit3A_852 : i32 to vector<16xi32>
      %max3A_855 = arith.maxsi %max3A_854, %add3A_851 : vector<16xi32>
      %min3A_856 = vector.broadcast %jit3A_853 : i32 to vector<16xi32>
      %min3A_857 = arith.minsi %min3A_856, %max3A_855 : vector<16xi32>
      %jit3A_858 = arith.constant 0 : i32
      %jit3A_859 = arith.constant 54 : i32
      %max3A_860 = vector.broadcast %jit3A_858 : i32 to vector<16xi32>
      %max3A_861 = arith.maxsi %max3A_860, %sub3A_784 : vector<16xi32>
      %min3A_862 = vector.broadcast %jit3A_859 : i32 to vector<16xi32>
      %min3A_863 = arith.minsi %min3A_862, %max3A_861 : vector<16xi32>
      %eq3A_864 = arith.cmpi eq, %sub3A_784, %min3A_863 : vector<16xi32>
      %sub3A_865 = arith.constant 1 : i32
      %sub3A_866 = vector.broadcast %sub3A_865 : i32 to vector<16xi32>
      %sub3A_867 = arith.subi %min3A_863, %sub3A_866 : vector<16xi32>
      %eq3A_868 = arith.cmpi eq, %sub3A_784, %sub3A_867 : vector<16xi32>
      %jit3A_869 = arith.constant 0.000000e+00 : f32
      %broadcast_in_dim3A_870 = vector.broadcast %jit3A_869 : f32 to vector<16xf32>
      %select_n3A_871 = arith.select %eq3A_868, %select_n3A_822, %broadcast_in_dim3A_870 : vector<16xi1>, vector<16xf32>
      %select_n3A_872 = arith.select %eq3A_864, %select_n3A_812, %select_n3A_871 : vector<16xi1>, vector<16xf32>
      %add3A_873 = arith.constant 1 : i32
      %add3A_874 = vector.broadcast %add3A_873 : i32 to vector<16xi32>
      %add3A_875 = arith.addi %min3A_863, %add3A_874 : vector<16xi32>
      %eq3A_876 = arith.cmpi eq, %sub3A_784, %add3A_875 : vector<16xi32>
      %eq3A_877 = arith.cmpi eq, %sub3A_784, %min3A_863 : vector<16xi32>
      %jit3A_878 = arith.constant 0.000000e+00 : f32
      %broadcast_in_dim3A_879 = vector.broadcast %jit3A_878 : f32 to vector<16xf32>
      %select_n3A_880 = arith.select %eq3A_877, %select_n3A_822, %broadcast_in_dim3A_879 : vector<16xi1>, vector<16xf32>
      %select_n3A_881 = arith.select %eq3A_876, %select_n3A_812, %select_n3A_880 : vector<16xi1>, vector<16xf32>
      %mul3A_882 = arith.constant 3136 : i32
      %mul3A_883 = arith.muli %select_n3A, %mul3A_882 : i32
      %mul3A_884 = arith.constant 56 : i32
      %mul3A_885 = vector.broadcast %mul3A_884 : i32 to vector<16xi32>
      %mul3A_886 = arith.muli %min3A_848, %mul3A_885 : vector<16xi32>
      %add3A_887 = arith.addi %mul3A_886, %min3A_863 : vector<16xi32>
      %add3A_888 = vector.broadcast %mul3A_883 : i32 to vector<16xi32>
      %add3A_889 = arith.addi %add3A_887, %add3A_888 : vector<16xi32>
      %mul3A_890 = arith.constant 56 : i32
      %mul3A_891 = vector.broadcast %mul3A_890 : i32 to vector<16xi32>
      %mul3A_892 = arith.muli %min3A_857, %mul3A_891 : vector<16xi32>
      %add3A_893 = arith.addi %mul3A_892, %min3A_863 : vector<16xi32>
      %add3A_894 = vector.broadcast %mul3A_883 : i32 to vector<16xi32>
      %add3A_895 = arith.addi %add3A_893, %add3A_894 : vector<16xi32>
      %swap3A_896 = arith.constant 16 : index
      %swap3A_897 = tpu.vector_load %arg10[%swap3A_896] {strides = array<i32>} : memref<64xi32, #tpu.memory_space<vmem>>, vector<16xi32>,
      tpu.vector_store %arg10[%swap3A_896], %add3A_889 {strides = array<i32>} : memref<64xi32, #tpu.memory_space<vmem>>, vector<16xi32>,
      %swap3A_898 = arith.constant 48 : index
      %swap3A_899 = tpu.vector_load %arg10[%swap3A_898] {strides = array<i32>} : memref<64xi32, #tpu.memory_space<vmem>>, vector<16xi32>,
      tpu.vector_store %arg10[%swap3A_898], %add3A_895 {strides = array<i32>} : memref<64xi32, #tpu.memory_space<vmem>>, vector<16xi32>,
      %mul3A_900 = arith.mulf %select_n3A_832, %select_n3A_872 : vector<16xf32>
      %swap3A_901 = arith.constant 16 : index
      %swap3A_902 = tpu.vector_load %arg13[%swap3A_901] {strides = array<i32>} : memref<128xf32, #tpu.memory_space<vmem>>, vector<16xf32>,
      tpu.vector_store %arg13[%swap3A_901], %mul3A_900 {strides = array<i32>} : memref<128xf32, #tpu.memory_space<vmem>>, vector<16xf32>,
      %mul3A_903 = arith.mulf %select_n3A_832, %select_n3A_881 : vector<16xf32>
      %swap3A_904 = arith.constant 48 : index
      %swap3A_905 = tpu.vector_load %arg13[%swap3A_904] {strides = array<i32>} : memref<128xf32, #tpu.memory_space<vmem>>, vector<16xf32>,
      tpu.vector_store %arg13[%swap3A_904], %mul3A_903 {strides = array<i32>} : memref<128xf32, #tpu.memory_space<vmem>>, vector<16xf32>,
      %mul3A_906 = arith.mulf %select_n3A_842, %select_n3A_872 : vector<16xf32>
      %swap3A_907 = arith.constant 80 : index
      %swap3A_908 = tpu.vector_load %arg13[%swap3A_907] {strides = array<i32>} : memref<128xf32, #tpu.memory_space<vmem>>, vector<16xf32>,
      tpu.vector_store %arg13[%swap3A_907], %mul3A_906 {strides = array<i32>} : memref<128xf32, #tpu.memory_space<vmem>>, vector<16xf32>,
      %mul3A_909 = arith.mulf %select_n3A_842, %select_n3A_881 : vector<16xf32>
      %swap3A_910 = arith.constant 112 : index
      %swap3A_911 = tpu.vector_load %arg13[%swap3A_910] {strides = array<i32>} : memref<128xf32, #tpu.memory_space<vmem>>, vector<16xf32>,
      tpu.vector_store %arg13[%swap3A_910], %mul3A_909 {strides = array<i32>} : memref<128xf32, #tpu.memory_space<vmem>>, vector<16xf32>,
      %add3A_912 = arith.constant 1.000000e+00 : f32
      %add3A_913 = vector.broadcast %add3A_912 : f32 to vector<16xf32>
      %add3A_914 = arith.addf %sub3A_722, %add3A_913 : vector<16xf32>
      %mul3A_915 = arith.constant 2.800000e+01 : f32
      %mul3A_916 = vector.broadcast %mul3A_915 : f32 to vector<16xf32>
      %mul3A_917 = arith.mulf %add3A_914, %mul3A_916 : vector<16xf32>
      %sub3A_918 = arith.constant 1.000000e+00 : f32
      %sub3A_919 = vector.broadcast %sub3A_918 : f32 to vector<16xf32>
      %sub3A_920 = arith.subf %mul3A_917, %sub3A_919 : vector<16xf32>
      %mul3A_921 = arith.constant 5.000000e-01 : f32
      %mul3A_922 = vector.broadcast %mul3A_921 : f32 to vector<16xf32>
      %mul3A_923 = arith.mulf %sub3A_920, %mul3A_922 : vector<16xf32>
      %jit3A_924 = arith.constant -2.000000e+00 : f32
      %jit3A_925 = arith.constant 2.900000e+01 : f32
      %max3A_926 = vector.broadcast %jit3A_924 : f32 to vector<16xf32>
      %max3A_927 = arith.maximumf %max3A_926, %mul3A_923 : vector<16xf32>
      %min3A_928 = vector.broadcast %jit3A_925 : f32 to vector<16xf32>
      %min3A_929 = arith.minimumf %min3A_928, %max3A_927 : vector<16xf32>
      %add3A_930 = arith.constant 1.000000e+00 : f32
      %add3A_931 = vector.broadcast %add3A_930 : f32 to vector<16xf32>
      %add3A_932 = arith.addf %sub3A_729, %add3A_931 : vector<16xf32>
      %mul3A_933 = arith.constant 2.800000e+01 : f32
      %mul3A_934 = vector.broadcast %mul3A_933 : f32 to vector<16xf32>
      %mul3A_935 = arith.mulf %add3A_932, %mul3A_934 : vector<16xf32>
      %sub3A_936 = arith.constant 1.000000e+00 : f32
      %sub3A_937 = vector.broadcast %sub3A_936 : f32 to vector<16xf32>
      %sub3A_938 = arith.subf %mul3A_935, %sub3A_937 : vector<16xf32>
      %mul3A_939 = arith.constant 5.000000e-01 : f32
      %mul3A_940 = vector.broadcast %mul3A_939 : f32 to vector<16xf32>
      %mul3A_941 = arith.mulf %sub3A_938, %mul3A_940 : vector<16xf32>
      %jit3A_942 = arith.constant -2.000000e+00 : f32
      %jit3A_943 = arith.constant 2.900000e+01 : f32
      %max3A_944 = vector.broadcast %jit3A_942 : f32 to vector<16xf32>
      %max3A_945 = arith.maximumf %max3A_944, %mul3A_941 : vector<16xf32>
      %min3A_946 = vector.broadcast %jit3A_943 : f32 to vector<16xf32>
      %min3A_947 = arith.minimumf %min3A_946, %max3A_945 : vector<16xf32>
      %convert_element_type3A_948 = arith.fptosi %min3A_929 : vector<16xf32> to vector<16xi32>
      %convert_element_type3A_949 = arith.fptosi %min3A_947 : vector<16xf32> to vector<16xi32>
      %convert_element_type3A_950 = arith.sitofp %convert_element_type3A_948 : vector<16xi32> to vector<16xf32>
      %lt3A_951 = arith.cmpf olt, %min3A_929, %convert_element_type3A_950 : vector<16xf32>
      %jit3A_952 = arith.constant 1 : i32
      %jit3A_953 = arith.constant 0 : i32
      %broadcast_in_dim3A_954 = vector.broadcast %jit3A_952 : i32 to vector<16xi32>
      %broadcast_in_dim3A_955 = vector.broadcast %jit3A_953 : i32 to vector<16xi32>
      %select_n3A_956 = arith.select %lt3A_951, %broadcast_in_dim3A_954, %broadcast_in_dim3A_955 : vector<16xi1>, vector<16xi32>
      %sub3A_957 = arith.subi %convert_element_type3A_948, %select_n3A_956 : vector<16xi32>
      %convert_element_type3A_958 = arith.sitofp %convert_element_type3A_949 : vector<16xi32> to vector<16xf32>
      %lt3A_959 = arith.cmpf olt, %min3A_947, %convert_element_type3A_958 : vector<16xf32>
      %jit3A_960 = arith.constant 1 : i32
      %jit3A_961 = arith.constant 0 : i32
      %broadcast_in_dim3A_962 = vector.broadcast %jit3A_960 : i32 to vector<16xi32>
      %broadcast_in_dim3A_963 = vector.broadcast %jit3A_961 : i32 to vector<16xi32>
      %select_n3A_964 = arith.select %lt3A_959, %broadcast_in_dim3A_962, %broadcast_in_dim3A_963 : vector<16xi1>, vector<16xi32>
      %sub3A_965 = arith.subi %convert_element_type3A_949, %select_n3A_964 : vector<16xi32>
      %convert_element_type3A_966 = arith.sitofp %sub3A_957 : vector<16xi32> to vector<16xf32>
      %sub3A_967 = arith.subf %min3A_929, %convert_element_type3A_966 : vector<16xf32>
      %convert_element_type3A_968 = arith.sitofp %sub3A_965 : vector<16xi32> to vector<16xf32>
      %sub3A_969 = arith.subf %min3A_947, %convert_element_type3A_968 : vector<16xf32>
      %sub3A_970 = arith.constant 1.000000e+00 : f32
      %sub3A_971 = vector.broadcast %sub3A_970 : f32 to vector<16xf32>
      %sub3A_972 = arith.subf %sub3A_971, %sub3A_967 : vector<16xf32>
      %sub3A_973 = arith.constant 1.000000e+00 : f32
      %sub3A_974 = vector.broadcast %sub3A_973 : f32 to vector<16xf32>
      %sub3A_975 = arith.subf %sub3A_974, %sub3A_969 : vector<16xf32>
      %ge3A_976 = arith.constant 0 : i32
      %ge3A_977 = vector.broadcast %ge3A_976 : i32 to vector<16xi32>
      %ge3A_978 = arith.cmpi sge, %sub3A_957, %ge3A_977 : vector<16xi32>
      %le3A_979 = arith.constant 27 : i32
      %le3A_980 = vector.broadcast %le3A_979 : i32 to vector<16xi32>
      %le3A_981 = arith.cmpi sle, %sub3A_957, %le3A_980 : vector<16xi32>
      %and3A_982 = arith.andi %ge3A_978, %le3A_981 : vector<16xi1>
      %jit3A_983 = arith.constant 0.000000e+00 : f32
      %broadcast_in_dim3A_984 = vector.broadcast %jit3A_983 : f32 to vector<16xf32>
      %select_n3A_985 = arith.select %and3A_982, %sub3A_972, %broadcast_in_dim3A_984 : vector<16xi1>, vector<16xf32>
      %ge3A_986 = arith.constant -1 : i32
      %ge3A_987 = vector.broadcast %ge3A_986 : i32 to vector<16xi32>
      %ge3A_988 = arith.cmpi sge, %sub3A_957, %ge3A_987 : vector<16xi32>
      %le3A_989 = arith.constant 26 : i32
      %le3A_990 = vector.broadcast %le3A_989 : i32 to vector<16xi32>
      %le3A_991 = arith.cmpi sle, %sub3A_957, %le3A_990 : vector<16xi32>
      %and3A_992 = arith.andi %ge3A_988, %le3A_991 : vector<16xi1>
      %jit3A_993 = arith.constant 0.000000e+00 : f32
      %broadcast_in_dim3A_994 = vector.broadcast %jit3A_993 : f32 to vector<16xf32>
      %select_n3A_995 = arith.select %and3A_992, %sub3A_967, %broadcast_in_dim3A_994 : vector<16xi1>, vector<16xf32>
      %ge3A_996 = arith.constant 0 : i32
      %ge3A_997 = vector.broadcast %ge3A_996 : i32 to vector<16xi32>
      %ge3A_998 = arith.cmpi sge, %sub3A_965, %ge3A_997 : vector<16xi32>
      %le3A_999 = arith.constant 27 : i32
      %le3A_1000 = vector.broadcast %le3A_999 : i32 to vector<16xi32>
      %le3A_1001 = arith.cmpi sle, %sub3A_965, %le3A_1000 : vector<16xi32>
      %and3A_1002 = arith.andi %ge3A_998, %le3A_1001 : vector<16xi1>
      %jit3A_1003 = arith.constant 0.000000e+00 : f32
      %broadcast_in_dim3A_1004 = vector.broadcast %jit3A_1003 : f32 to vector<16xf32>
      %select_n3A_1005 = arith.select %and3A_1002, %sub3A_975, %broadcast_in_dim3A_1004 : vector<16xi1>, vector<16xf32>
      %ge3A_1006 = arith.constant -1 : i32
      %ge3A_1007 = vector.broadcast %ge3A_1006 : i32 to vector<16xi32>
      %ge3A_1008 = arith.cmpi sge, %sub3A_965, %ge3A_1007 : vector<16xi32>
      %le3A_1009 = arith.constant 26 : i32
      %le3A_1010 = vector.broadcast %le3A_1009 : i32 to vector<16xi32>
      %le3A_1011 = arith.cmpi sle, %sub3A_965, %le3A_1010 : vector<16xi32>
      %and3A_1012 = arith.andi %ge3A_1008, %le3A_1011 : vector<16xi1>
      %jit3A_1013 = arith.constant 0.000000e+00 : f32
      %broadcast_in_dim3A_1014 = vector.broadcast %jit3A_1013 : f32 to vector<16xf32>
      %select_n3A_1015 = arith.select %and3A_1012, %sub3A_969, %broadcast_in_dim3A_1014 : vector<16xi1>, vector<16xf32>
      %jit3A_1016 = arith.constant 0 : i32
      %jit3A_1017 = arith.constant 27 : i32
      %max3A_1018 = vector.broadcast %jit3A_1016 : i32 to vector<16xi32>
      %max3A_1019 = arith.maxsi %max3A_1018, %sub3A_965 : vector<16xi32>
      %min3A_1020 = vector.broadcast %jit3A_1017 : i32 to vector<16xi32>
      %min3A_1021 = arith.minsi %min3A_1020, %max3A_1019 : vector<16xi32>
      %add3A_1022 = arith.constant 1 : i32
      %add3A_1023 = vector.broadcast %add3A_1022 : i32 to vector<16xi32>
      %add3A_1024 = arith.addi %sub3A_965, %add3A_1023 : vector<16xi32>
      %jit3A_1025 = arith.constant 0 : i32
      %jit3A_1026 = arith.constant 27 : i32
      %max3A_1027 = vector.broadcast %jit3A_1025 : i32 to vector<16xi32>
      %max3A_1028 = arith.maxsi %max3A_1027, %add3A_1024 : vector<16xi32>
      %min3A_1029 = vector.broadcast %jit3A_1026 : i32 to vector<16xi32>
      %min3A_1030 = arith.minsi %min3A_1029, %max3A_1028 : vector<16xi32>
      %jit3A_1031 = arith.constant 0 : i32
      %jit3A_1032 = arith.constant 26 : i32
      %max3A_1033 = vector.broadcast %jit3A_1031 : i32 to vector<16xi32>
      %max3A_1034 = arith.maxsi %max3A_1033, %sub3A_957 : vector<16xi32>
      %min3A_1035 = vector.broadcast %jit3A_1032 : i32 to vector<16xi32>
      %min3A_1036 = arith.minsi %min3A_1035, %max3A_1034 : vector<16xi32>
      %eq3A_1037 = arith.cmpi eq, %sub3A_957, %min3A_1036 : vector<16xi32>
      %sub3A_1038 = arith.constant 1 : i32
      %sub3A_1039 = vector.broadcast %sub3A_1038 : i32 to vector<16xi32>
      %sub3A_1040 = arith.subi %min3A_1036, %sub3A_1039 : vector<16xi32>
      %eq3A_1041 = arith.cmpi eq, %sub3A_957, %sub3A_1040 : vector<16xi32>
      %jit3A_1042 = arith.constant 0.000000e+00 : f32
      %broadcast_in_dim3A_1043 = vector.broadcast %jit3A_1042 : f32 to vector<16xf32>
      %select_n3A_1044 = arith.select %eq3A_1041, %select_n3A_995, %broadcast_in_dim3A_1043 : vector<16xi1>, vector<16xf32>
      %select_n3A_1045 = arith.select %eq3A_1037, %select_n3A_985, %select_n3A_1044 : vector<16xi1>, vector<16xf32>
      %add3A_1046 = arith.constant 1 : i32
      %add3A_1047 = vector.broadcast %add3A_1046 : i32 to vector<16xi32>
      %add3A_1048 = arith.addi %min3A_1036, %add3A_1047 : vector<16xi32>
      %eq3A_1049 = arith.cmpi eq, %sub3A_957, %add3A_1048 : vector<16xi32>
      %eq3A_1050 = arith.cmpi eq, %sub3A_957, %min3A_1036 : vector<16xi32>
      %jit3A_1051 = arith.constant 0.000000e+00 : f32
      %broadcast_in_dim3A_1052 = vector.broadcast %jit3A_1051 : f32 to vector<16xf32>
      %select_n3A_1053 = arith.select %eq3A_1050, %select_n3A_995, %broadcast_in_dim3A_1052 : vector<16xi1>, vector<16xf32>
      %select_n3A_1054 = arith.select %eq3A_1049, %select_n3A_985, %select_n3A_1053 : vector<16xi1>, vector<16xf32>
      %mul3A_1055 = arith.constant 784 : i32
      %mul3A_1056 = arith.muli %select_n3A, %mul3A_1055 : i32
      %mul3A_1057 = arith.constant 28 : i32
      %mul3A_1058 = vector.broadcast %mul3A_1057 : i32 to vector<16xi32>
      %mul3A_1059 = arith.muli %min3A_1021, %mul3A_1058 : vector<16xi32>
      %add3A_1060 = arith.addi %mul3A_1059, %min3A_1036 : vector<16xi32>
      %add3A_1061 = vector.broadcast %mul3A_1056 : i32 to vector<16xi32>
      %add3A_1062 = arith.addi %add3A_1060, %add3A_1061 : vector<16xi32>
      %mul3A_1063 = arith.constant 28 : i32
      %mul3A_1064 = vector.broadcast %mul3A_1063 : i32 to vector<16xi32>
      %mul3A_1065 = arith.muli %min3A_1030, %mul3A_1064 : vector<16xi32>
      %add3A_1066 = arith.addi %mul3A_1065, %min3A_1036 : vector<16xi32>
      %add3A_1067 = vector.broadcast %mul3A_1056 : i32 to vector<16xi32>
      %add3A_1068 = arith.addi %add3A_1066, %add3A_1067 : vector<16xi32>
      %swap3A_1069 = arith.constant 16 : index
      %swap3A_1070 = tpu.vector_load %arg11[%swap3A_1069] {strides = array<i32>} : memref<64xi32, #tpu.memory_space<vmem>>, vector<16xi32>,
      tpu.vector_store %arg11[%swap3A_1069], %add3A_1062 {strides = array<i32>} : memref<64xi32, #tpu.memory_space<vmem>>, vector<16xi32>,
      %swap3A_1071 = arith.constant 48 : index
      %swap3A_1072 = tpu.vector_load %arg11[%swap3A_1071] {strides = array<i32>} : memref<64xi32, #tpu.memory_space<vmem>>, vector<16xi32>,
      tpu.vector_store %arg11[%swap3A_1071], %add3A_1068 {strides = array<i32>} : memref<64xi32, #tpu.memory_space<vmem>>, vector<16xi32>,
      %mul3A_1073 = arith.mulf %select_n3A_1005, %select_n3A_1045 : vector<16xf32>
      %swap3A_1074 = arith.constant 16 : index
      %swap3A_1075 = tpu.vector_load %arg14[%swap3A_1074] {strides = array<i32>} : memref<128xf32, #tpu.memory_space<vmem>>, vector<16xf32>,
      tpu.vector_store %arg14[%swap3A_1074], %mul3A_1073 {strides = array<i32>} : memref<128xf32, #tpu.memory_space<vmem>>, vector<16xf32>,
      %mul3A_1076 = arith.mulf %select_n3A_1005, %select_n3A_1054 : vector<16xf32>
      %swap3A_1077 = arith.constant 48 : index
      %swap3A_1078 = tpu.vector_load %arg14[%swap3A_1077] {strides = array<i32>} : memref<128xf32, #tpu.memory_space<vmem>>, vector<16xf32>,
      tpu.vector_store %arg14[%swap3A_1077], %mul3A_1076 {strides = array<i32>} : memref<128xf32, #tpu.memory_space<vmem>>, vector<16xf32>,
      %mul3A_1079 = arith.mulf %select_n3A_1015, %select_n3A_1045 : vector<16xf32>
      %swap3A_1080 = arith.constant 80 : index
      %swap3A_1081 = tpu.vector_load %arg14[%swap3A_1080] {strides = array<i32>} : memref<128xf32, #tpu.memory_space<vmem>>, vector<16xf32>,
      tpu.vector_store %arg14[%swap3A_1080], %mul3A_1079 {strides = array<i32>} : memref<128xf32, #tpu.memory_space<vmem>>, vector<16xf32>,
      %mul3A_1082 = arith.mulf %select_n3A_1015, %select_n3A_1054 : vector<16xf32>
      %swap3A_1083 = arith.constant 112 : index
      %swap3A_1084 = tpu.vector_load %arg14[%swap3A_1083] {strides = array<i32>} : memref<128xf32, #tpu.memory_space<vmem>>, vector<16xf32>,
      tpu.vector_store %arg14[%swap3A_1083], %mul3A_1082 {strides = array<i32>} : memref<128xf32, #tpu.memory_space<vmem>>, vector<16xf32>,
      %add3A_1085 = arith.constant 1.000000e+00 : f32
      %add3A_1086 = vector.broadcast %add3A_1085 : f32 to vector<16xf32>
      %add3A_1087 = arith.addf %sub3A_722, %add3A_1086 : vector<16xf32>
      %mul3A_1088 = arith.constant 1.400000e+01 : f32
      %mul3A_1089 = vector.broadcast %mul3A_1088 : f32 to vector<16xf32>
      %mul3A_1090 = arith.mulf %add3A_1087, %mul3A_1089 : vector<16xf32>
      %sub3A_1091 = arith.constant 1.000000e+00 : f32
      %sub3A_1092 = vector.broadcast %sub3A_1091 : f32 to vector<16xf32>
      %sub3A_1093 = arith.subf %mul3A_1090, %sub3A_1092 : vector<16xf32>
      %mul3A_1094 = arith.constant 5.000000e-01 : f32
      %mul3A_1095 = vector.broadcast %mul3A_1094 : f32 to vector<16xf32>
      %mul3A_1096 = arith.mulf %sub3A_1093, %mul3A_1095 : vector<16xf32>
      %jit3A_1097 = arith.constant -2.000000e+00 : f32
      %jit3A_1098 = arith.constant 1.500000e+01 : f32
      %max3A_1099 = vector.broadcast %jit3A_1097 : f32 to vector<16xf32>
      %max3A_1100 = arith.maximumf %max3A_1099, %mul3A_1096 : vector<16xf32>
      %min3A_1101 = vector.broadcast %jit3A_1098 : f32 to vector<16xf32>
      %min3A_1102 = arith.minimumf %min3A_1101, %max3A_1100 : vector<16xf32>
      %add3A_1103 = arith.constant 1.000000e+00 : f32
      %add3A_1104 = vector.broadcast %add3A_1103 : f32 to vector<16xf32>
      %add3A_1105 = arith.addf %sub3A_729, %add3A_1104 : vector<16xf32>
      %mul3A_1106 = arith.constant 1.400000e+01 : f32
      %mul3A_1107 = vector.broadcast %mul3A_1106 : f32 to vector<16xf32>
      %mul3A_1108 = arith.mulf %add3A_1105, %mul3A_1107 : vector<16xf32>
      %sub3A_1109 = arith.constant 1.000000e+00 : f32
      %sub3A_1110 = vector.broadcast %sub3A_1109 : f32 to vector<16xf32>
      %sub3A_1111 = arith.subf %mul3A_1108, %sub3A_1110 : vector<16xf32>
      %mul3A_1112 = arith.constant 5.000000e-01 : f32
      %mul3A_1113 = vector.broadcast %mul3A_1112 : f32 to vector<16xf32>
      %mul3A_1114 = arith.mulf %sub3A_1111, %mul3A_1113 : vector<16xf32>
      %jit3A_1115 = arith.constant -2.000000e+00 : f32
      %jit3A_1116 = arith.constant 1.500000e+01 : f32
      %max3A_1117 = vector.broadcast %jit3A_1115 : f32 to vector<16xf32>
      %max3A_1118 = arith.maximumf %max3A_1117, %mul3A_1114 : vector<16xf32>
      %min3A_1119 = vector.broadcast %jit3A_1116 : f32 to vector<16xf32>
      %min3A_1120 = arith.minimumf %min3A_1119, %max3A_1118 : vector<16xf32>
      %convert_element_type3A_1121 = arith.fptosi %min3A_1102 : vector<16xf32> to vector<16xi32>
      %convert_element_type3A_1122 = arith.fptosi %min3A_1120 : vector<16xf32> to vector<16xi32>
      %convert_element_type3A_1123 = arith.sitofp %convert_element_type3A_1121 : vector<16xi32> to vector<16xf32>
      %lt3A_1124 = arith.cmpf olt, %min3A_1102, %convert_element_type3A_1123 : vector<16xf32>
      %jit3A_1125 = arith.constant 1 : i32
      %jit3A_1126 = arith.constant 0 : i32
      %broadcast_in_dim3A_1127 = vector.broadcast %jit3A_1125 : i32 to vector<16xi32>
      %broadcast_in_dim3A_1128 = vector.broadcast %jit3A_1126 : i32 to vector<16xi32>
      %select_n3A_1129 = arith.select %lt3A_1124, %broadcast_in_dim3A_1127, %broadcast_in_dim3A_1128 : vector<16xi1>, vector<16xi32>
      %sub3A_1130 = arith.subi %convert_element_type3A_1121, %select_n3A_1129 : vector<16xi32>
      %convert_element_type3A_1131 = arith.sitofp %convert_element_type3A_1122 : vector<16xi32> to vector<16xf32>
      %lt3A_1132 = arith.cmpf olt, %min3A_1120, %convert_element_type3A_1131 : vector<16xf32>
      %jit3A_1133 = arith.constant 1 : i32
      %jit3A_1134 = arith.constant 0 : i32
      %broadcast_in_dim3A_1135 = vector.broadcast %jit3A_1133 : i32 to vector<16xi32>
      %broadcast_in_dim3A_1136 = vector.broadcast %jit3A_1134 : i32 to vector<16xi32>
      %select_n3A_1137 = arith.select %lt3A_1132, %broadcast_in_dim3A_1135, %broadcast_in_dim3A_1136 : vector<16xi1>, vector<16xi32>
      %sub3A_1138 = arith.subi %convert_element_type3A_1122, %select_n3A_1137 : vector<16xi32>
      %convert_element_type3A_1139 = arith.sitofp %sub3A_1130 : vector<16xi32> to vector<16xf32>
      %sub3A_1140 = arith.subf %min3A_1102, %convert_element_type3A_1139 : vector<16xf32>
      %convert_element_type3A_1141 = arith.sitofp %sub3A_1138 : vector<16xi32> to vector<16xf32>
      %sub3A_1142 = arith.subf %min3A_1120, %convert_element_type3A_1141 : vector<16xf32>
      %sub3A_1143 = arith.constant 1.000000e+00 : f32
      %sub3A_1144 = vector.broadcast %sub3A_1143 : f32 to vector<16xf32>
      %sub3A_1145 = arith.subf %sub3A_1144, %sub3A_1140 : vector<16xf32>
      %sub3A_1146 = arith.constant 1.000000e+00 : f32
      %sub3A_1147 = vector.broadcast %sub3A_1146 : f32 to vector<16xf32>
      %sub3A_1148 = arith.subf %sub3A_1147, %sub3A_1142 : vector<16xf32>
      %ge3A_1149 = arith.constant 0 : i32
      %ge3A_1150 = vector.broadcast %ge3A_1149 : i32 to vector<16xi32>
      %ge3A_1151 = arith.cmpi sge, %sub3A_1130, %ge3A_1150 : vector<16xi32>
      %le3A_1152 = arith.constant 13 : i32
      %le3A_1153 = vector.broadcast %le3A_1152 : i32 to vector<16xi32>
      %le3A_1154 = arith.cmpi sle, %sub3A_1130, %le3A_1153 : vector<16xi32>
      %and3A_1155 = arith.andi %ge3A_1151, %le3A_1154 : vector<16xi1>
      %jit3A_1156 = arith.constant 0.000000e+00 : f32
      %broadcast_in_dim3A_1157 = vector.broadcast %jit3A_1156 : f32 to vector<16xf32>
      %select_n3A_1158 = arith.select %and3A_1155, %sub3A_1145, %broadcast_in_dim3A_1157 : vector<16xi1>, vector<16xf32>
      %ge3A_1159 = arith.constant -1 : i32
      %ge3A_1160 = vector.broadcast %ge3A_1159 : i32 to vector<16xi32>
      %ge3A_1161 = arith.cmpi sge, %sub3A_1130, %ge3A_1160 : vector<16xi32>
      %le3A_1162 = arith.constant 12 : i32
      %le3A_1163 = vector.broadcast %le3A_1162 : i32 to vector<16xi32>
      %le3A_1164 = arith.cmpi sle, %sub3A_1130, %le3A_1163 : vector<16xi32>
      %and3A_1165 = arith.andi %ge3A_1161, %le3A_1164 : vector<16xi1>
      %jit3A_1166 = arith.constant 0.000000e+00 : f32
      %broadcast_in_dim3A_1167 = vector.broadcast %jit3A_1166 : f32 to vector<16xf32>
      %select_n3A_1168 = arith.select %and3A_1165, %sub3A_1140, %broadcast_in_dim3A_1167 : vector<16xi1>, vector<16xf32>
      %ge3A_1169 = arith.constant 0 : i32
      %ge3A_1170 = vector.broadcast %ge3A_1169 : i32 to vector<16xi32>
      %ge3A_1171 = arith.cmpi sge, %sub3A_1138, %ge3A_1170 : vector<16xi32>
      %le3A_1172 = arith.constant 13 : i32
      %le3A_1173 = vector.broadcast %le3A_1172 : i32 to vector<16xi32>
      %le3A_1174 = arith.cmpi sle, %sub3A_1138, %le3A_1173 : vector<16xi32>
      %and3A_1175 = arith.andi %ge3A_1171, %le3A_1174 : vector<16xi1>
      %jit3A_1176 = arith.constant 0.000000e+00 : f32
      %broadcast_in_dim3A_1177 = vector.broadcast %jit3A_1176 : f32 to vector<16xf32>
      %select_n3A_1178 = arith.select %and3A_1175, %sub3A_1148, %broadcast_in_dim3A_1177 : vector<16xi1>, vector<16xf32>
      %ge3A_1179 = arith.constant -1 : i32
      %ge3A_1180 = vector.broadcast %ge3A_1179 : i32 to vector<16xi32>
      %ge3A_1181 = arith.cmpi sge, %sub3A_1138, %ge3A_1180 : vector<16xi32>
      %le3A_1182 = arith.constant 12 : i32
      %le3A_1183 = vector.broadcast %le3A_1182 : i32 to vector<16xi32>
      %le3A_1184 = arith.cmpi sle, %sub3A_1138, %le3A_1183 : vector<16xi32>
      %and3A_1185 = arith.andi %ge3A_1181, %le3A_1184 : vector<16xi1>
      %jit3A_1186 = arith.constant 0.000000e+00 : f32
      %broadcast_in_dim3A_1187 = vector.broadcast %jit3A_1186 : f32 to vector<16xf32>
      %select_n3A_1188 = arith.select %and3A_1185, %sub3A_1142, %broadcast_in_dim3A_1187 : vector<16xi1>, vector<16xf32>
      %jit3A_1189 = arith.constant 0 : i32
      %jit3A_1190 = arith.constant 13 : i32
      %max3A_1191 = vector.broadcast %jit3A_1189 : i32 to vector<16xi32>
      %max3A_1192 = arith.maxsi %max3A_1191, %sub3A_1138 : vector<16xi32>
      %min3A_1193 = vector.broadcast %jit3A_1190 : i32 to vector<16xi32>
      %min3A_1194 = arith.minsi %min3A_1193, %max3A_1192 : vector<16xi32>
      %add3A_1195 = arith.constant 1 : i32
      %add3A_1196 = vector.broadcast %add3A_1195 : i32 to vector<16xi32>
      %add3A_1197 = arith.addi %sub3A_1138, %add3A_1196 : vector<16xi32>
      %jit3A_1198 = arith.constant 0 : i32
      %jit3A_1199 = arith.constant 13 : i32
      %max3A_1200 = vector.broadcast %jit3A_1198 : i32 to vector<16xi32>
      %max3A_1201 = arith.maxsi %max3A_1200, %add3A_1197 : vector<16xi32>
      %min3A_1202 = vector.broadcast %jit3A_1199 : i32 to vector<16xi32>
      %min3A_1203 = arith.minsi %min3A_1202, %max3A_1201 : vector<16xi32>
      %jit3A_1204 = arith.constant 0 : i32
      %jit3A_1205 = arith.constant 12 : i32
      %max3A_1206 = vector.broadcast %jit3A_1204 : i32 to vector<16xi32>
      %max3A_1207 = arith.maxsi %max3A_1206, %sub3A_1130 : vector<16xi32>
      %min3A_1208 = vector.broadcast %jit3A_1205 : i32 to vector<16xi32>
      %min3A_1209 = arith.minsi %min3A_1208, %max3A_1207 : vector<16xi32>
      %eq3A_1210 = arith.cmpi eq, %sub3A_1130, %min3A_1209 : vector<16xi32>
      %sub3A_1211 = arith.constant 1 : i32
      %sub3A_1212 = vector.broadcast %sub3A_1211 : i32 to vector<16xi32>
      %sub3A_1213 = arith.subi %min3A_1209, %sub3A_1212 : vector<16xi32>
      %eq3A_1214 = arith.cmpi eq, %sub3A_1130, %sub3A_1213 : vector<16xi32>
      %jit3A_1215 = arith.constant 0.000000e+00 : f32
      %broadcast_in_dim3A_1216 = vector.broadcast %jit3A_1215 : f32 to vector<16xf32>
      %select_n3A_1217 = arith.select %eq3A_1214, %select_n3A_1168, %broadcast_in_dim3A_1216 : vector<16xi1>, vector<16xf32>
      %select_n3A_1218 = arith.select %eq3A_1210, %select_n3A_1158, %select_n3A_1217 : vector<16xi1>, vector<16xf32>
      %add3A_1219 = arith.constant 1 : i32
      %add3A_1220 = vector.broadcast %add3A_1219 : i32 to vector<16xi32>
      %add3A_1221 = arith.addi %min3A_1209, %add3A_1220 : vector<16xi32>
      %eq3A_1222 = arith.cmpi eq, %sub3A_1130, %add3A_1221 : vector<16xi32>
      %eq3A_1223 = arith.cmpi eq, %sub3A_1130, %min3A_1209 : vector<16xi32>
      %jit3A_1224 = arith.constant 0.000000e+00 : f32
      %broadcast_in_dim3A_1225 = vector.broadcast %jit3A_1224 : f32 to vector<16xf32>
      %select_n3A_1226 = arith.select %eq3A_1223, %select_n3A_1168, %broadcast_in_dim3A_1225 : vector<16xi1>, vector<16xf32>
      %select_n3A_1227 = arith.select %eq3A_1222, %select_n3A_1158, %select_n3A_1226 : vector<16xi1>, vector<16xf32>
      %mul3A_1228 = arith.constant 196 : i32
      %mul3A_1229 = arith.muli %select_n3A, %mul3A_1228 : i32
      %mul3A_1230 = arith.constant 14 : i32
      %mul3A_1231 = vector.broadcast %mul3A_1230 : i32 to vector<16xi32>
      %mul3A_1232 = arith.muli %min3A_1194, %mul3A_1231 : vector<16xi32>
      %add3A_1233 = arith.addi %mul3A_1232, %min3A_1209 : vector<16xi32>
      %add3A_1234 = vector.broadcast %mul3A_1229 : i32 to vector<16xi32>
      %add3A_1235 = arith.addi %add3A_1233, %add3A_1234 : vector<16xi32>
      %mul3A_1236 = arith.constant 14 : i32
      %mul3A_1237 = vector.broadcast %mul3A_1236 : i32 to vector<16xi32>
      %mul3A_1238 = arith.muli %min3A_1203, %mul3A_1237 : vector<16xi32>
      %add3A_1239 = arith.addi %mul3A_1238, %min3A_1209 : vector<16xi32>
      %add3A_1240 = vector.broadcast %mul3A_1229 : i32 to vector<16xi32>
      %add3A_1241 = arith.addi %add3A_1239, %add3A_1240 : vector<16xi32>
      %swap3A_1242 = arith.constant 16 : index
      %swap3A_1243 = tpu.vector_load %arg12[%swap3A_1242] {strides = array<i32>} : memref<64xi32, #tpu.memory_space<vmem>>, vector<16xi32>,
      tpu.vector_store %arg12[%swap3A_1242], %add3A_1235 {strides = array<i32>} : memref<64xi32, #tpu.memory_space<vmem>>, vector<16xi32>,
      %swap3A_1244 = arith.constant 48 : index
      %swap3A_1245 = tpu.vector_load %arg12[%swap3A_1244] {strides = array<i32>} : memref<64xi32, #tpu.memory_space<vmem>>, vector<16xi32>,
      tpu.vector_store %arg12[%swap3A_1244], %add3A_1241 {strides = array<i32>} : memref<64xi32, #tpu.memory_space<vmem>>, vector<16xi32>,
      %mul3A_1246 = arith.mulf %select_n3A_1178, %select_n3A_1218 : vector<16xf32>
      %swap3A_1247 = arith.constant 16 : index
      %swap3A_1248 = tpu.vector_load %arg15[%swap3A_1247] {strides = array<i32>} : memref<128xf32, #tpu.memory_space<vmem>>, vector<16xf32>,
      tpu.vector_store %arg15[%swap3A_1247], %mul3A_1246 {strides = array<i32>} : memref<128xf32, #tpu.memory_space<vmem>>, vector<16xf32>,
      %mul3A_1249 = arith.mulf %select_n3A_1178, %select_n3A_1227 : vector<16xf32>
      %swap3A_1250 = arith.constant 48 : index
      %swap3A_1251 = tpu.vector_load %arg15[%swap3A_1250] {strides = array<i32>} : memref<128xf32, #tpu.memory_space<vmem>>, vector<16xf32>,
      tpu.vector_store %arg15[%swap3A_1250], %mul3A_1249 {strides = array<i32>} : memref<128xf32, #tpu.memory_space<vmem>>, vector<16xf32>,
      %mul3A_1252 = arith.mulf %select_n3A_1188, %select_n3A_1218 : vector<16xf32>
      %swap3A_1253 = arith.constant 80 : index
      %swap3A_1254 = tpu.vector_load %arg15[%swap3A_1253] {strides = array<i32>} : memref<128xf32, #tpu.memory_space<vmem>>, vector<16xf32>,
      tpu.vector_store %arg15[%swap3A_1253], %mul3A_1252 {strides = array<i32>} : memref<128xf32, #tpu.memory_space<vmem>>, vector<16xf32>,
      %mul3A_1255 = arith.mulf %select_n3A_1188, %select_n3A_1227 : vector<16xf32>
      %swap3A_1256 = arith.constant 112 : index
      %swap3A_1257 = tpu.vector_load %arg15[%swap3A_1256] {strides = array<i32>} : memref<128xf32, #tpu.memory_space<vmem>>, vector<16xf32>,
      tpu.vector_store %arg15[%swap3A_1256], %mul3A_1255 {strides = array<i32>} : memref<128xf32, #tpu.memory_space<vmem>>, vector<16xf32>,
      %dma_start3A = arith.constant 0 : i32
      %dma_start3A_1258 = arith.constant 0 : i32
      %dma_start3A_1259 = tpu.memref_slice %arg4[%dma_start3A, %dma_start3A_1258] : memref<12544x192xf32, #tpu.memory_space<hbm>> -> memref<12544x192xf32, #tpu.memory_space<hbm>>
      tpu.enqueue_indirect_dma source(%dma_start3A_1259 : memref<12544x192xf32, #tpu.memory_space<hbm>>) target(%arg16 : memref<64x192xf32, #tpu.memory_space<vmem>>) offsets(%arg10 : memref<64xi32, #tpu.memory_space<vmem>>) semaphore(%arg21 : memref<!tpu.dma_semaphore, #tpu.memory_space<semaphore_mem>>)
      %dma_start3A_1260 = arith.constant 0 : i32
      %dma_start3A_1261 = arith.constant 0 : i32
      %dma_start3A_1262 = tpu.memref_slice %arg5[%dma_start3A_1260, %dma_start3A_1261] : memref<3136x384xf32, #tpu.memory_space<hbm>> -> memref<3136x384xf32, #tpu.memory_space<hbm>>
      tpu.enqueue_indirect_dma source(%dma_start3A_1262 : memref<3136x384xf32, #tpu.memory_space<hbm>>) target(%arg17 : memref<64x384xf32, #tpu.memory_space<vmem>>) offsets(%arg11 : memref<64xi32, #tpu.memory_space<vmem>>) semaphore(%arg22 : memref<!tpu.dma_semaphore, #tpu.memory_space<semaphore_mem>>)
      %dma_start3A_1263 = arith.constant 0 : i32
      %dma_start3A_1264 = arith.constant 0 : i32
      %dma_start3A_1265 = tpu.memref_slice %arg6[%dma_start3A_1263, %dma_start3A_1264] : memref<784x768xf32, #tpu.memory_space<hbm>> -> memref<784x768xf32, #tpu.memory_space<hbm>>
      tpu.enqueue_indirect_dma source(%dma_start3A_1265 : memref<784x768xf32, #tpu.memory_space<hbm>>) target(%arg18 : memref<64x768xf32, #tpu.memory_space<vmem>>) offsets(%arg12 : memref<64xi32, #tpu.memory_space<vmem>>) semaphore(%arg23 : memref<!tpu.dma_semaphore, #tpu.memory_space<semaphore_mem>>)
      %dma_wait3A = arith.constant 0 : i32
      %dma_wait3A_1266 = arith.constant 0 : i32
      %dma_wait3A_1267 = tpu.memref_slice %arg4[%dma_wait3A, %dma_wait3A_1266] : memref<12544x192xf32, #tpu.memory_space<hbm>> -> memref<12544x192xf32, #tpu.memory_space<hbm>>
      tpu.wait_indirect_dma semaphore(%arg21 : memref<!tpu.dma_semaphore, #tpu.memory_space<semaphore_mem>>) src(%dma_wait3A_1267 : memref<12544x192xf32, #tpu.memory_space<hbm>>) dst(%arg16 : memref<64x192xf32, #tpu.memory_space<vmem>>)
      %dma_wait3A_1268 = arith.constant 0 : i32
      %dma_wait3A_1269 = arith.constant 0 : i32
      %dma_wait3A_1270 = tpu.memref_slice %arg5[%dma_wait3A_1268, %dma_wait3A_1269] : memref<3136x384xf32, #tpu.memory_space<hbm>> -> memref<3136x384xf32, #tpu.memory_space<hbm>>
      tpu.wait_indirect_dma semaphore(%arg22 : memref<!tpu.dma_semaphore, #tpu.memory_space<semaphore_mem>>) src(%dma_wait3A_1270 : memref<3136x384xf32, #tpu.memory_space<hbm>>) dst(%arg17 : memref<64x384xf32, #tpu.memory_space<vmem>>)
      %dma_wait3A_1271 = arith.constant 0 : i32
      %dma_wait3A_1272 = arith.constant 0 : i32
      %dma_wait3A_1273 = tpu.memref_slice %arg6[%dma_wait3A_1271, %dma_wait3A_1272] : memref<784x768xf32, #tpu.memory_space<hbm>> -> memref<784x768xf32, #tpu.memory_space<hbm>>
      tpu.wait_indirect_dma semaphore(%arg23 : memref<!tpu.dma_semaphore, #tpu.memory_space<semaphore_mem>>) src(%dma_wait3A_1273 : memref<784x768xf32, #tpu.memory_space<hbm>>) dst(%arg18 : memref<64x768xf32, #tpu.memory_space<vmem>>)
      %scan3A_1274 = arith.constant 0 : i32
      %scan3A_1275 = arith.constant 0 : i32
      %scan3A_1276 = arith.constant 32 : i32
      %scan3A_1277 = arith.addi %scan3A_1275, %scan3A_1276 : i32
      %scan3A_1278 = arith.constant 1 : i32
      %scan3A_1279 = scf.for %scan3A_1282 = %scan3A_1275 to %scan3A_1277 step %scan3A_1278 iter_args(%scan3A_1283 = %scan3A_1274) -> (i32)  : i32 {
        %jit3A_1284 = arith.constant 16 : i32
        %div3A_1285 = arith.divsi %scan3A_1282, %jit3A_1284 : i32
        %sign3A_1286 = arith.constant 0 : i32
        %sign3A_1287 = arith.cmpi sgt, %scan3A_1282, %sign3A_1286 : i32
        %sign3A_1288 = arith.extui %sign3A_1287 : i1 to i32
        %sign3A_1289 = arith.constant 0 : i32
        %sign3A_1290 = arith.cmpi slt, %scan3A_1282, %sign3A_1289 : i32
        %sign3A_1291 = arith.extui %sign3A_1290 : i1 to i32
        %sign3A_1292 = arith.subi %sign3A_1288, %sign3A_1291 : i32
        %sign3A_1293 = arith.constant 0 : i32
        %sign3A_1294 = arith.cmpi sgt, %jit3A_1284, %sign3A_1293 : i32
        %sign3A_1295 = arith.extui %sign3A_1294 : i1 to i32
        %sign3A_1296 = arith.constant 0 : i32
        %sign3A_1297 = arith.cmpi slt, %jit3A_1284, %sign3A_1296 : i32
        %sign3A_1298 = arith.extui %sign3A_1297 : i1 to i32
        %sign3A_1299 = arith.subi %sign3A_1295, %sign3A_1298 : i32
        %ne3A_1300 = arith.cmpi ne, %sign3A_1292, %sign3A_1299 : i32
        %rem3A_1301 = arith.remsi %scan3A_1282, %jit3A_1284 : i32
        %ne3A_1302 = arith.constant 0 : i32
        %ne3A_1303 = arith.cmpi ne, %rem3A_1301, %ne3A_1302 : i32
        %and3A_1304 = arith.andi %ne3A_1300, %ne3A_1303 : i1
        %sub3A_1305 = arith.constant 1 : i32
        %sub3A_1306 = arith.subi %div3A_1285, %sub3A_1305 : i32
        %select_n3A_1307 = arith.select %and3A_1304, %sub3A_1306, %div3A_1285 : i32
        %mul3A_1308 = arith.constant 16 : i32
        %mul3A_1309 = arith.muli %select_n3A_1307, %mul3A_1308 : i32
        %jit3A_1310 = arith.constant 16 : i32
        %eq3A_1311 = arith.constant 0 : i32
        %eq3A_1312 = arith.cmpi eq, %jit3A_1310, %eq3A_1311 : i32
        %jit3A_1313 = arith.constant 1 : i32
        %select_n3A_1314 = arith.select %eq3A_1312, %jit3A_1313, %jit3A_1310 : i32
        %rem3A_1315 = arith.remsi %scan3A_1282, %select_n3A_1314 : i32
        %ne3A_1316 = arith.constant 0 : i32
        %ne3A_1317 = arith.cmpi ne, %rem3A_1315, %ne3A_1316 : i32
        %lt3A_1318 = arith.constant 0 : i32
        %lt3A_1319 = arith.cmpi slt, %rem3A_1315, %lt3A_1318 : i32
        %lt3A_1320 = arith.constant 0 : i32
        %lt3A_1321 = arith.cmpi slt, %select_n3A_1314, %lt3A_1320 : i32
        %ne3A_1322 = arith.xori %lt3A_1319, %lt3A_1321 : i1
        %and3A_1323 = arith.andi %ne3A_1322, %ne3A_1317 : i1
        %add3A_1324 = arith.addi %rem3A_1315, %select_n3A_1314 : i32
        %select_n3A_1325 = arith.select %and3A_1323, %add3A_1324, %rem3A_1315 : i32
        %broadcast_in_dim3A_1326 = vector.broadcast %select_n3A_1325 : i32 to vector<16xi32>
        %broadcast_in_dim3A_1327 = vector.broadcast %scan3A_1282 : i32 to vector<16xi32>
        %add3A_1328 = arith.constant 0 : i32
        %add3A_1329 = arith.addi %add3A_1328, %mul3A_1309 : i32
        %get3A_1330 = arith.index_cast %add3A_1329 : i32 to index
        %get3A_1331 = tpu.vector_load %arg13[%get3A_1330] {strides = array<i32>} : memref<128xf32, #tpu.memory_space<vmem>>, vector<16xf32>,
        %lt3A_1332 = arith.constant 0 : i32
        %lt3A_1333 = vector.broadcast %lt3A_1332 : i32 to vector<16xi32>
        %lt3A_1334 = arith.cmpi slt, %broadcast_in_dim3A_1326, %lt3A_1333 : vector<16xi32>
        %add3A_1335 = arith.constant 16 : i32
        %add3A_1336 = vector.broadcast %add3A_1335 : i32 to vector<16xi32>
        %add3A_1337 = arith.addi %broadcast_in_dim3A_1326, %add3A_1336 : vector<16xi32>
        %select_n3A_1338 = arith.select %lt3A_1334, %add3A_1337, %broadcast_in_dim3A_1326 : vector<16xi1>, vector<16xi32>
        %reshape3A = vector.shape_cast %select_n3A_1338 : vector<16xi32> to vector<16x1xi32>
        %gather3A_1339 = vector.shape_cast %reshape3A : vector<16x1xi32> to vector<16xi32>
        %gather3A_1340 = tpu.dynamic_gather %get3A_1331[%gather3A_1339] in [0] : vector<16xf32>, vector<16xi32> -> vector<16xf32>
        %add3A_1341 = arith.constant 32 : i32
        %add3A_1342 = arith.addi %add3A_1341, %mul3A_1309 : i32
        %get3A_1343 = arith.index_cast %add3A_1342 : i32 to index
        %get3A_1344 = tpu.vector_load %arg13[%get3A_1343] {strides = array<i32>} : memref<128xf32, #tpu.memory_space<vmem>>, vector<16xf32>,
        %lt3A_1345 = arith.constant 0 : i32
        %lt3A_1346 = vector.broadcast %lt3A_1345 : i32 to vector<16xi32>
        %lt3A_1347 = arith.cmpi slt, %broadcast_in_dim3A_1326, %lt3A_1346 : vector<16xi32>
        %add3A_1348 = arith.constant 16 : i32
        %add3A_1349 = vector.broadcast %add3A_1348 : i32 to vector<16xi32>
        %add3A_1350 = arith.addi %broadcast_in_dim3A_1326, %add3A_1349 : vector<16xi32>
        %select_n3A_1351 = arith.select %lt3A_1347, %add3A_1350, %broadcast_in_dim3A_1326 : vector<16xi1>, vector<16xi32>
        %reshape3A_1352 = vector.shape_cast %select_n3A_1351 : vector<16xi32> to vector<16x1xi32>
        %gather3A_1353 = vector.shape_cast %reshape3A_1352 : vector<16x1xi32> to vector<16xi32>
        %gather3A_1354 = tpu.dynamic_gather %get3A_1344[%gather3A_1353] in [0] : vector<16xf32>, vector<16xi32> -> vector<16xf32>
        %add3A_1355 = arith.constant 64 : i32
        %add3A_1356 = arith.addi %add3A_1355, %mul3A_1309 : i32
        %get3A_1357 = arith.index_cast %add3A_1356 : i32 to index
        %get3A_1358 = tpu.vector_load %arg13[%get3A_1357] {strides = array<i32>} : memref<128xf32, #tpu.memory_space<vmem>>, vector<16xf32>,
        %lt3A_1359 = arith.constant 0 : i32
        %lt3A_1360 = vector.broadcast %lt3A_1359 : i32 to vector<16xi32>
        %lt3A_1361 = arith.cmpi slt, %broadcast_in_dim3A_1326, %lt3A_1360 : vector<16xi32>
        %add3A_1362 = arith.constant 16 : i32
        %add3A_1363 = vector.broadcast %add3A_1362 : i32 to vector<16xi32>
        %add3A_1364 = arith.addi %broadcast_in_dim3A_1326, %add3A_1363 : vector<16xi32>
        %select_n3A_1365 = arith.select %lt3A_1361, %add3A_1364, %broadcast_in_dim3A_1326 : vector<16xi1>, vector<16xi32>
        %reshape3A_1366 = vector.shape_cast %select_n3A_1365 : vector<16xi32> to vector<16x1xi32>
        %gather3A_1367 = vector.shape_cast %reshape3A_1366 : vector<16x1xi32> to vector<16xi32>
        %gather3A_1368 = tpu.dynamic_gather %get3A_1358[%gather3A_1367] in [0] : vector<16xf32>, vector<16xi32> -> vector<16xf32>
        %add3A_1369 = arith.constant 96 : i32
        %add3A_1370 = arith.addi %add3A_1369, %mul3A_1309 : i32
        %get3A_1371 = arith.index_cast %add3A_1370 : i32 to index
        %get3A_1372 = tpu.vector_load %arg13[%get3A_1371] {strides = array<i32>} : memref<128xf32, #tpu.memory_space<vmem>>, vector<16xf32>,
        %lt3A_1373 = arith.constant 0 : i32
        %lt3A_1374 = vector.broadcast %lt3A_1373 : i32 to vector<16xi32>
        %lt3A_1375 = arith.cmpi slt, %broadcast_in_dim3A_1326, %lt3A_1374 : vector<16xi32>
        %add3A_1376 = arith.constant 16 : i32
        %add3A_1377 = vector.broadcast %add3A_1376 : i32 to vector<16xi32>
        %add3A_1378 = arith.addi %broadcast_in_dim3A_1326, %add3A_1377 : vector<16xi32>
        %select_n3A_1379 = arith.select %lt3A_1375, %add3A_1378, %broadcast_in_dim3A_1326 : vector<16xi1>, vector<16xi32>
        %reshape3A_1380 = vector.shape_cast %select_n3A_1379 : vector<16xi32> to vector<16x1xi32>
        %gather3A_1381 = vector.shape_cast %reshape3A_1380 : vector<16x1xi32> to vector<16xi32>
        %gather3A_1382 = tpu.dynamic_gather %get3A_1372[%gather3A_1381] in [0] : vector<16xf32>, vector<16xi32> -> vector<16xf32>
        %get3A_1383 = arith.index_cast %scan3A_1282 : i32 to index
        %get3A_1384 = arith.constant 0 : index
        %get3A_1385 = tpu.vector_load %arg16[%get3A_1383, %get3A_1384] {strides = array<i32>} : memref<64x192xf32, #tpu.memory_space<vmem>>, vector<16xf32>,
        %get3A_1386 = arith.index_cast %scan3A_1282 : i32 to index
        %get3A_1387 = arith.constant 96 : index
        %get3A_1388 = tpu.vector_load %arg16[%get3A_1386, %get3A_1387] {strides = array<i32>} : memref<64x192xf32, #tpu.memory_space<vmem>>, vector<16xf32>,
        %add3A_1389 = arith.constant 32 : i32
        %add3A_1390 = arith.addi %add3A_1389, %scan3A_1282 : i32
        %get3A_1391 = arith.index_cast %add3A_1390 : i32 to index
        %get3A_1392 = arith.constant 0 : index
        %get3A_1393 = tpu.vector_load %arg16[%get3A_1391, %get3A_1392] {strides = array<i32>} : memref<64x192xf32, #tpu.memory_space<vmem>>, vector<16xf32>,
        %add3A_1394 = arith.constant 32 : i32
        %add3A_1395 = arith.addi %add3A_1394, %scan3A_1282 : i32
        %get3A_1396 = arith.index_cast %add3A_1395 : i32 to index
        %get3A_1397 = arith.constant 96 : index
        %get3A_1398 = tpu.vector_load %arg16[%get3A_1396, %get3A_1397] {strides = array<i32>} : memref<64x192xf32, #tpu.memory_space<vmem>>, vector<16xf32>,
        %mul3A_1399 = arith.mulf %gather3A_1340, %get3A_1385 : vector<16xf32>
        %mul3A_1400 = arith.mulf %gather3A_1354, %get3A_1388 : vector<16xf32>
        %add3A_1401 = arith.addf %mul3A_1399, %mul3A_1400 : vector<16xf32>
        %mul3A_1402 = arith.mulf %gather3A_1368, %get3A_1393 : vector<16xf32>
        %add3A_1403 = arith.addf %add3A_1401, %mul3A_1402 : vector<16xf32>
        %mul3A_1404 = arith.mulf %gather3A_1382, %get3A_1398 : vector<16xf32>
        %add3A_1405 = arith.addf %add3A_1403, %mul3A_1404 : vector<16xf32>
        %add3A_1406 = arith.constant 3 : i32
        %add3A_1407 = vector.broadcast %add3A_1406 : i32 to vector<16xi32>
        %add3A_1408 = arith.addi %iota3A, %add3A_1407 : vector<16xi32>
        tpu.vector_store_idx %arg19[%broadcast_in_dim3A_1327, %add3A_1408], %add3A_1405 : memref<32x675xf32, #tpu.memory_space<vmem>>[vector<16xi32>, vector<16xi32>], vector<16xf32>,
        %get3A_1409 = arith.index_cast %scan3A_1282 : i32 to index
        %get3A_1410 = arith.constant 16 : index
        %get3A_1411 = tpu.vector_load %arg16[%get3A_1409, %get3A_1410] {strides = array<i32>} : memref<64x192xf32, #tpu.memory_space<vmem>>, vector<16xf32>,
        %get3A_1412 = arith.index_cast %scan3A_1282 : i32 to index
        %get3A_1413 = arith.constant 112 : index
        %get3A_1414 = tpu.vector_load %arg16[%get3A_1412, %get3A_1413] {strides = array<i32>} : memref<64x192xf32, #tpu.memory_space<vmem>>, vector<16xf32>,
        %add3A_1415 = arith.constant 32 : i32
        %add3A_1416 = arith.addi %add3A_1415, %scan3A_1282 : i32
        %get3A_1417 = arith.index_cast %add3A_1416 : i32 to index
        %get3A_1418 = arith.constant 16 : index
        %get3A_1419 = tpu.vector_load %arg16[%get3A_1417, %get3A_1418] {strides = array<i32>} : memref<64x192xf32, #tpu.memory_space<vmem>>, vector<16xf32>,
        %add3A_1420 = arith.constant 32 : i32
        %add3A_1421 = arith.addi %add3A_1420, %scan3A_1282 : i32
        %get3A_1422 = arith.index_cast %add3A_1421 : i32 to index
        %get3A_1423 = arith.constant 112 : index
        %get3A_1424 = tpu.vector_load %arg16[%get3A_1422, %get3A_1423] {strides = array<i32>} : memref<64x192xf32, #tpu.memory_space<vmem>>, vector<16xf32>,
        %mul3A_1425 = arith.mulf %gather3A_1340, %get3A_1411 : vector<16xf32>
        %mul3A_1426 = arith.mulf %gather3A_1354, %get3A_1414 : vector<16xf32>
        %add3A_1427 = arith.addf %mul3A_1425, %mul3A_1426 : vector<16xf32>
        %mul3A_1428 = arith.mulf %gather3A_1368, %get3A_1419 : vector<16xf32>
        %add3A_1429 = arith.addf %add3A_1427, %mul3A_1428 : vector<16xf32>
        %mul3A_1430 = arith.mulf %gather3A_1382, %get3A_1424 : vector<16xf32>
        %add3A_1431 = arith.addf %add3A_1429, %mul3A_1430 : vector<16xf32>
        %add3A_1432 = arith.constant 19 : i32
        %add3A_1433 = vector.broadcast %add3A_1432 : i32 to vector<16xi32>
        %add3A_1434 = arith.addi %iota3A, %add3A_1433 : vector<16xi32>
        tpu.vector_store_idx %arg19[%broadcast_in_dim3A_1327, %add3A_1434], %add3A_1431 : memref<32x675xf32, #tpu.memory_space<vmem>>[vector<16xi32>, vector<16xi32>], vector<16xf32>,
        %get3A_1435 = arith.index_cast %scan3A_1282 : i32 to index
        %get3A_1436 = arith.constant 32 : index
        %get3A_1437 = tpu.vector_load %arg16[%get3A_1435, %get3A_1436] {strides = array<i32>} : memref<64x192xf32, #tpu.memory_space<vmem>>, vector<16xf32>,
        %get3A_1438 = arith.index_cast %scan3A_1282 : i32 to index
        %get3A_1439 = arith.constant 128 : index
        %get3A_1440 = tpu.vector_load %arg16[%get3A_1438, %get3A_1439] {strides = array<i32>} : memref<64x192xf32, #tpu.memory_space<vmem>>, vector<16xf32>,
        %add3A_1441 = arith.constant 32 : i32
        %add3A_1442 = arith.addi %add3A_1441, %scan3A_1282 : i32
        %get3A_1443 = arith.index_cast %add3A_1442 : i32 to index
        %get3A_1444 = arith.constant 32 : index
        %get3A_1445 = tpu.vector_load %arg16[%get3A_1443, %get3A_1444] {strides = array<i32>} : memref<64x192xf32, #tpu.memory_space<vmem>>, vector<16xf32>,
        %add3A_1446 = arith.constant 32 : i32
        %add3A_1447 = arith.addi %add3A_1446, %scan3A_1282 : i32
        %get3A_1448 = arith.index_cast %add3A_1447 : i32 to index
        %get3A_1449 = arith.constant 128 : index
        %get3A_1450 = tpu.vector_load %arg16[%get3A_1448, %get3A_1449] {strides = array<i32>} : memref<64x192xf32, #tpu.memory_space<vmem>>, vector<16xf32>,
        %mul3A_1451 = arith.mulf %gather3A_1340, %get3A_1437 : vector<16xf32>
        %mul3A_1452 = arith.mulf %gather3A_1354, %get3A_1440 : vector<16xf32>
        %add3A_1453 = arith.addf %mul3A_1451, %mul3A_1452 : vector<16xf32>
        %mul3A_1454 = arith.mulf %gather3A_1368, %get3A_1445 : vector<16xf32>
        %add3A_1455 = arith.addf %add3A_1453, %mul3A_1454 : vector<16xf32>
        %mul3A_1456 = arith.mulf %gather3A_1382, %get3A_1450 : vector<16xf32>
        %add3A_1457 = arith.addf %add3A_1455, %mul3A_1456 : vector<16xf32>
        %add3A_1458 = arith.constant 35 : i32
        %add3A_1459 = vector.broadcast %add3A_1458 : i32 to vector<16xi32>
        %add3A_1460 = arith.addi %iota3A, %add3A_1459 : vector<16xi32>
        tpu.vector_store_idx %arg19[%broadcast_in_dim3A_1327, %add3A_1460], %add3A_1457 : memref<32x675xf32, #tpu.memory_space<vmem>>[vector<16xi32>, vector<16xi32>], vector<16xf32>,
        %get3A_1461 = arith.index_cast %scan3A_1282 : i32 to index
        %get3A_1462 = arith.constant 48 : index
        %get3A_1463 = tpu.vector_load %arg16[%get3A_1461, %get3A_1462] {strides = array<i32>} : memref<64x192xf32, #tpu.memory_space<vmem>>, vector<16xf32>,
        %get3A_1464 = arith.index_cast %scan3A_1282 : i32 to index
        %get3A_1465 = arith.constant 144 : index
        %get3A_1466 = tpu.vector_load %arg16[%get3A_1464, %get3A_1465] {strides = array<i32>} : memref<64x192xf32, #tpu.memory_space<vmem>>, vector<16xf32>,
        %add3A_1467 = arith.constant 32 : i32
        %add3A_1468 = arith.addi %add3A_1467, %scan3A_1282 : i32
        %get3A_1469 = arith.index_cast %add3A_1468 : i32 to index
        %get3A_1470 = arith.constant 48 : index
        %get3A_1471 = tpu.vector_load %arg16[%get3A_1469, %get3A_1470] {strides = array<i32>} : memref<64x192xf32, #tpu.memory_space<vmem>>, vector<16xf32>,
        %add3A_1472 = arith.constant 32 : i32
        %add3A_1473 = arith.addi %add3A_1472, %scan3A_1282 : i32
        %get3A_1474 = arith.index_cast %add3A_1473 : i32 to index
        %get3A_1475 = arith.constant 144 : index
        %get3A_1476 = tpu.vector_load %arg16[%get3A_1474, %get3A_1475] {strides = array<i32>} : memref<64x192xf32, #tpu.memory_space<vmem>>, vector<16xf32>,
        %mul3A_1477 = arith.mulf %gather3A_1340, %get3A_1463 : vector<16xf32>
        %mul3A_1478 = arith.mulf %gather3A_1354, %get3A_1466 : vector<16xf32>
        %add3A_1479 = arith.addf %mul3A_1477, %mul3A_1478 : vector<16xf32>
        %mul3A_1480 = arith.mulf %gather3A_1368, %get3A_1471 : vector<16xf32>
        %add3A_1481 = arith.addf %add3A_1479, %mul3A_1480 : vector<16xf32>
        %mul3A_1482 = arith.mulf %gather3A_1382, %get3A_1476 : vector<16xf32>
        %add3A_1483 = arith.addf %add3A_1481, %mul3A_1482 : vector<16xf32>
        %add3A_1484 = arith.constant 51 : i32
        %add3A_1485 = vector.broadcast %add3A_1484 : i32 to vector<16xi32>
        %add3A_1486 = arith.addi %iota3A, %add3A_1485 : vector<16xi32>
        tpu.vector_store_idx %arg19[%broadcast_in_dim3A_1327, %add3A_1486], %add3A_1483 : memref<32x675xf32, #tpu.memory_space<vmem>>[vector<16xi32>, vector<16xi32>], vector<16xf32>,
        %get3A_1487 = arith.index_cast %scan3A_1282 : i32 to index
        %get3A_1488 = arith.constant 64 : index
        %get3A_1489 = tpu.vector_load %arg16[%get3A_1487, %get3A_1488] {strides = array<i32>} : memref<64x192xf32, #tpu.memory_space<vmem>>, vector<16xf32>,
        %get3A_1490 = arith.index_cast %scan3A_1282 : i32 to index
        %get3A_1491 = arith.constant 160 : index
        %get3A_1492 = tpu.vector_load %arg16[%get3A_1490, %get3A_1491] {strides = array<i32>} : memref<64x192xf32, #tpu.memory_space<vmem>>, vector<16xf32>,
        %add3A_1493 = arith.constant 32 : i32
        %add3A_1494 = arith.addi %add3A_1493, %scan3A_1282 : i32
        %get3A_1495 = arith.index_cast %add3A_1494 : i32 to index
        %get3A_1496 = arith.constant 64 : index
        %get3A_1497 = tpu.vector_load %arg16[%get3A_1495, %get3A_1496] {strides = array<i32>} : memref<64x192xf32, #tpu.memory_space<vmem>>, vector<16xf32>,
        %add3A_1498 = arith.constant 32 : i32
        %add3A_1499 = arith.addi %add3A_1498, %scan3A_1282 : i32
        %get3A_1500 = arith.index_cast %add3A_1499 : i32 to index
        %get3A_1501 = arith.constant 160 : index
        %get3A_1502 = tpu.vector_load %arg16[%get3A_1500, %get3A_1501] {strides = array<i32>} : memref<64x192xf32, #tpu.memory_space<vmem>>, vector<16xf32>,
        %mul3A_1503 = arith.mulf %gather3A_1340, %get3A_1489 : vector<16xf32>
        %mul3A_1504 = arith.mulf %gather3A_1354, %get3A_1492 : vector<16xf32>
        %add3A_1505 = arith.addf %mul3A_1503, %mul3A_1504 : vector<16xf32>
        %mul3A_1506 = arith.mulf %gather3A_1368, %get3A_1497 : vector<16xf32>
        %add3A_1507 = arith.addf %add3A_1505, %mul3A_1506 : vector<16xf32>
        %mul3A_1508 = arith.mulf %gather3A_1382, %get3A_1502 : vector<16xf32>
        %add3A_1509 = arith.addf %add3A_1507, %mul3A_1508 : vector<16xf32>
        %add3A_1510 = arith.constant 67 : i32
        %add3A_1511 = vector.broadcast %add3A_1510 : i32 to vector<16xi32>
        %add3A_1512 = arith.addi %iota3A, %add3A_1511 : vector<16xi32>
        tpu.vector_store_idx %arg19[%broadcast_in_dim3A_1327, %add3A_1512], %add3A_1509 : memref<32x675xf32, #tpu.memory_space<vmem>>[vector<16xi32>, vector<16xi32>], vector<16xf32>,
        %get3A_1513 = arith.index_cast %scan3A_1282 : i32 to index
        %get3A_1514 = arith.constant 80 : index
        %get3A_1515 = tpu.vector_load %arg16[%get3A_1513, %get3A_1514] {strides = array<i32>} : memref<64x192xf32, #tpu.memory_space<vmem>>, vector<16xf32>,
        %get3A_1516 = arith.index_cast %scan3A_1282 : i32 to index
        %get3A_1517 = arith.constant 176 : index
        %get3A_1518 = tpu.vector_load %arg16[%get3A_1516, %get3A_1517] {strides = array<i32>} : memref<64x192xf32, #tpu.memory_space<vmem>>, vector<16xf32>,
        %add3A_1519 = arith.constant 32 : i32
        %add3A_1520 = arith.addi %add3A_1519, %scan3A_1282 : i32
        %get3A_1521 = arith.index_cast %add3A_1520 : i32 to index
        %get3A_1522 = arith.constant 80 : index
        %get3A_1523 = tpu.vector_load %arg16[%get3A_1521, %get3A_1522] {strides = array<i32>} : memref<64x192xf32, #tpu.memory_space<vmem>>, vector<16xf32>,
        %add3A_1524 = arith.constant 32 : i32
        %add3A_1525 = arith.addi %add3A_1524, %scan3A_1282 : i32
        %get3A_1526 = arith.index_cast %add3A_1525 : i32 to index
        %get3A_1527 = arith.constant 176 : index
        %get3A_1528 = tpu.vector_load %arg16[%get3A_1526, %get3A_1527] {strides = array<i32>} : memref<64x192xf32, #tpu.memory_space<vmem>>, vector<16xf32>,
        %mul3A_1529 = arith.mulf %gather3A_1340, %get3A_1515 : vector<16xf32>
        %mul3A_1530 = arith.mulf %gather3A_1354, %get3A_1518 : vector<16xf32>
        %add3A_1531 = arith.addf %mul3A_1529, %mul3A_1530 : vector<16xf32>
        %mul3A_1532 = arith.mulf %gather3A_1368, %get3A_1523 : vector<16xf32>
        %add3A_1533 = arith.addf %add3A_1531, %mul3A_1532 : vector<16xf32>
        %mul3A_1534 = arith.mulf %gather3A_1382, %get3A_1528 : vector<16xf32>
        %add3A_1535 = arith.addf %add3A_1533, %mul3A_1534 : vector<16xf32>
        %add3A_1536 = arith.constant 83 : i32
        %add3A_1537 = vector.broadcast %add3A_1536 : i32 to vector<16xi32>
        %add3A_1538 = arith.addi %iota3A, %add3A_1537 : vector<16xi32>
        tpu.vector_store_idx %arg19[%broadcast_in_dim3A_1327, %add3A_1538], %add3A_1535 : memref<32x675xf32, #tpu.memory_space<vmem>>[vector<16xi32>, vector<16xi32>], vector<16xf32>,
        %add3A_1539 = arith.constant 0 : i32
        %add3A_1540 = arith.addi %add3A_1539, %mul3A_1309 : i32
        %get3A_1541 = arith.index_cast %add3A_1540 : i32 to index
        %get3A_1542 = tpu.vector_load %arg14[%get3A_1541] {strides = array<i32>} : memref<128xf32, #tpu.memory_space<vmem>>, vector<16xf32>,
        %lt3A_1543 = arith.constant 0 : i32
        %lt3A_1544 = vector.broadcast %lt3A_1543 : i32 to vector<16xi32>
        %lt3A_1545 = arith.cmpi slt, %broadcast_in_dim3A_1326, %lt3A_1544 : vector<16xi32>
        %add3A_1546 = arith.constant 16 : i32
        %add3A_1547 = vector.broadcast %add3A_1546 : i32 to vector<16xi32>
        %add3A_1548 = arith.addi %broadcast_in_dim3A_1326, %add3A_1547 : vector<16xi32>
        %select_n3A_1549 = arith.select %lt3A_1545, %add3A_1548, %broadcast_in_dim3A_1326 : vector<16xi1>, vector<16xi32>
        %reshape3A_1550 = vector.shape_cast %select_n3A_1549 : vector<16xi32> to vector<16x1xi32>
        %gather3A_1551 = vector.shape_cast %reshape3A_1550 : vector<16x1xi32> to vector<16xi32>
        %gather3A_1552 = tpu.dynamic_gather %get3A_1542[%gather3A_1551] in [0] : vector<16xf32>, vector<16xi32> -> vector<16xf32>
        %add3A_1553 = arith.constant 32 : i32
        %add3A_1554 = arith.addi %add3A_1553, %mul3A_1309 : i32
        %get3A_1555 = arith.index_cast %add3A_1554 : i32 to index
        %get3A_1556 = tpu.vector_load %arg14[%get3A_1555] {strides = array<i32>} : memref<128xf32, #tpu.memory_space<vmem>>, vector<16xf32>,
        %lt3A_1557 = arith.constant 0 : i32
        %lt3A_1558 = vector.broadcast %lt3A_1557 : i32 to vector<16xi32>
        %lt3A_1559 = arith.cmpi slt, %broadcast_in_dim3A_1326, %lt3A_1558 : vector<16xi32>
        %add3A_1560 = arith.constant 16 : i32
        %add3A_1561 = vector.broadcast %add3A_1560 : i32 to vector<16xi32>
        %add3A_1562 = arith.addi %broadcast_in_dim3A_1326, %add3A_1561 : vector<16xi32>
        %select_n3A_1563 = arith.select %lt3A_1559, %add3A_1562, %broadcast_in_dim3A_1326 : vector<16xi1>, vector<16xi32>
        %reshape3A_1564 = vector.shape_cast %select_n3A_1563 : vector<16xi32> to vector<16x1xi32>
        %gather3A_1565 = vector.shape_cast %reshape3A_1564 : vector<16x1xi32> to vector<16xi32>
        %gather3A_1566 = tpu.dynamic_gather %get3A_1556[%gather3A_1565] in [0] : vector<16xf32>, vector<16xi32> -> vector<16xf32>
        %add3A_1567 = arith.constant 64 : i32
        %add3A_1568 = arith.addi %add3A_1567, %mul3A_1309 : i32
        %get3A_1569 = arith.index_cast %add3A_1568 : i32 to index
        %get3A_1570 = tpu.vector_load %arg14[%get3A_1569] {strides = array<i32>} : memref<128xf32, #tpu.memory_space<vmem>>, vector<16xf32>,
        %lt3A_1571 = arith.constant 0 : i32
        %lt3A_1572 = vector.broadcast %lt3A_1571 : i32 to vector<16xi32>
        %lt3A_1573 = arith.cmpi slt, %broadcast_in_dim3A_1326, %lt3A_1572 : vector<16xi32>
        %add3A_1574 = arith.constant 16 : i32
        %add3A_1575 = vector.broadcast %add3A_1574 : i32 to vector<16xi32>
        %add3A_1576 = arith.addi %broadcast_in_dim3A_1326, %add3A_1575 : vector<16xi32>
        %select_n3A_1577 = arith.select %lt3A_1573, %add3A_1576, %broadcast_in_dim3A_1326 : vector<16xi1>, vector<16xi32>
        %reshape3A_1578 = vector.shape_cast %select_n3A_1577 : vector<16xi32> to vector<16x1xi32>
        %gather3A_1579 = vector.shape_cast %reshape3A_1578 : vector<16x1xi32> to vector<16xi32>
        %gather3A_1580 = tpu.dynamic_gather %get3A_1570[%gather3A_1579] in [0] : vector<16xf32>, vector<16xi32> -> vector<16xf32>
        %add3A_1581 = arith.constant 96 : i32
        %add3A_1582 = arith.addi %add3A_1581, %mul3A_1309 : i32
        %get3A_1583 = arith.index_cast %add3A_1582 : i32 to index
        %get3A_1584 = tpu.vector_load %arg14[%get3A_1583] {strides = array<i32>} : memref<128xf32, #tpu.memory_space<vmem>>, vector<16xf32>,
        %lt3A_1585 = arith.constant 0 : i32
        %lt3A_1586 = vector.broadcast %lt3A_1585 : i32 to vector<16xi32>
        %lt3A_1587 = arith.cmpi slt, %broadcast_in_dim3A_1326, %lt3A_1586 : vector<16xi32>
        %add3A_1588 = arith.constant 16 : i32
        %add3A_1589 = vector.broadcast %add3A_1588 : i32 to vector<16xi32>
        %add3A_1590 = arith.addi %broadcast_in_dim3A_1326, %add3A_1589 : vector<16xi32>
        %select_n3A_1591 = arith.select %lt3A_1587, %add3A_1590, %broadcast_in_dim3A_1326 : vector<16xi1>, vector<16xi32>
        %reshape3A_1592 = vector.shape_cast %select_n3A_1591 : vector<16xi32> to vector<16x1xi32>
        %gather3A_1593 = vector.shape_cast %reshape3A_1592 : vector<16x1xi32> to vector<16xi32>
        %gather3A_1594 = tpu.dynamic_gather %get3A_1584[%gather3A_1593] in [0] : vector<16xf32>, vector<16xi32> -> vector<16xf32>
        %get3A_1595 = arith.index_cast %scan3A_1282 : i32 to index
        %get3A_1596 = arith.constant 0 : index
        %get3A_1597 = tpu.vector_load %arg17[%get3A_1595, %get3A_1596] {strides = array<i32>} : memref<64x384xf32, #tpu.memory_space<vmem>>, vector<16xf32>,
        %get3A_1598 = arith.index_cast %scan3A_1282 : i32 to index
        %get3A_1599 = arith.constant 192 : index
        %get3A_1600 = tpu.vector_load %arg17[%get3A_1598, %get3A_1599] {strides = array<i32>} : memref<64x384xf32, #tpu.memory_space<vmem>>, vector<16xf32>,
        %add3A_1601 = arith.constant 32 : i32
        %add3A_1602 = arith.addi %add3A_1601, %scan3A_1282 : i32
        %get3A_1603 = arith.index_cast %add3A_1602 : i32 to index
        %get3A_1604 = arith.constant 0 : index
        %get3A_1605 = tpu.vector_load %arg17[%get3A_1603, %get3A_1604] {strides = array<i32>} : memref<64x384xf32, #tpu.memory_space<vmem>>, vector<16xf32>,
        %add3A_1606 = arith.constant 32 : i32
        %add3A_1607 = arith.addi %add3A_1606, %scan3A_1282 : i32
        %get3A_1608 = arith.index_cast %add3A_1607 : i32 to index
        %get3A_1609 = arith.constant 192 : index
        %get3A_1610 = tpu.vector_load %arg17[%get3A_1608, %get3A_1609] {strides = array<i32>} : memref<64x384xf32, #tpu.memory_space<vmem>>, vector<16xf32>,
        %mul3A_1611 = arith.mulf %gather3A_1552, %get3A_1597 : vector<16xf32>
        %mul3A_1612 = arith.mulf %gather3A_1566, %get3A_1600 : vector<16xf32>
        %add3A_1613 = arith.addf %mul3A_1611, %mul3A_1612 : vector<16xf32>
        %mul3A_1614 = arith.mulf %gather3A_1580, %get3A_1605 : vector<16xf32>
        %add3A_1615 = arith.addf %add3A_1613, %mul3A_1614 : vector<16xf32>
        %mul3A_1616 = arith.mulf %gather3A_1594, %get3A_1610 : vector<16xf32>
        %add3A_1617 = arith.addf %add3A_1615, %mul3A_1616 : vector<16xf32>
        %add3A_1618 = arith.constant 99 : i32
        %add3A_1619 = vector.broadcast %add3A_1618 : i32 to vector<16xi32>
        %add3A_1620 = arith.addi %iota3A, %add3A_1619 : vector<16xi32>
        tpu.vector_store_idx %arg19[%broadcast_in_dim3A_1327, %add3A_1620], %add3A_1617 : memref<32x675xf32, #tpu.memory_space<vmem>>[vector<16xi32>, vector<16xi32>], vector<16xf32>,
        %get3A_1621 = arith.index_cast %scan3A_1282 : i32 to index
        %get3A_1622 = arith.constant 16 : index
        %get3A_1623 = tpu.vector_load %arg17[%get3A_1621, %get3A_1622] {strides = array<i32>} : memref<64x384xf32, #tpu.memory_space<vmem>>, vector<16xf32>,
        %get3A_1624 = arith.index_cast %scan3A_1282 : i32 to index
        %get3A_1625 = arith.constant 208 : index
        %get3A_1626 = tpu.vector_load %arg17[%get3A_1624, %get3A_1625] {strides = array<i32>} : memref<64x384xf32, #tpu.memory_space<vmem>>, vector<16xf32>,
        %add3A_1627 = arith.constant 32 : i32
        %add3A_1628 = arith.addi %add3A_1627, %scan3A_1282 : i32
        %get3A_1629 = arith.index_cast %add3A_1628 : i32 to index
        %get3A_1630 = arith.constant 16 : index
        %get3A_1631 = tpu.vector_load %arg17[%get3A_1629, %get3A_1630] {strides = array<i32>} : memref<64x384xf32, #tpu.memory_space<vmem>>, vector<16xf32>,
        %add3A_1632 = arith.constant 32 : i32
        %add3A_1633 = arith.addi %add3A_1632, %scan3A_1282 : i32
        %get3A_1634 = arith.index_cast %add3A_1633 : i32 to index
        %get3A_1635 = arith.constant 208 : index
        %get3A_1636 = tpu.vector_load %arg17[%get3A_1634, %get3A_1635] {strides = array<i32>} : memref<64x384xf32, #tpu.memory_space<vmem>>, vector<16xf32>,
        %mul3A_1637 = arith.mulf %gather3A_1552, %get3A_1623 : vector<16xf32>
        %mul3A_1638 = arith.mulf %gather3A_1566, %get3A_1626 : vector<16xf32>
        %add3A_1639 = arith.addf %mul3A_1637, %mul3A_1638 : vector<16xf32>
        %mul3A_1640 = arith.mulf %gather3A_1580, %get3A_1631 : vector<16xf32>
        %add3A_1641 = arith.addf %add3A_1639, %mul3A_1640 : vector<16xf32>
        %mul3A_1642 = arith.mulf %gather3A_1594, %get3A_1636 : vector<16xf32>
        %add3A_1643 = arith.addf %add3A_1641, %mul3A_1642 : vector<16xf32>
        %add3A_1644 = arith.constant 115 : i32
        %add3A_1645 = vector.broadcast %add3A_1644 : i32 to vector<16xi32>
        %add3A_1646 = arith.addi %iota3A, %add3A_1645 : vector<16xi32>
        tpu.vector_store_idx %arg19[%broadcast_in_dim3A_1327, %add3A_1646], %add3A_1643 : memref<32x675xf32, #tpu.memory_space<vmem>>[vector<16xi32>, vector<16xi32>], vector<16xf32>,
        %get3A_1647 = arith.index_cast %scan3A_1282 : i32 to index
        %get3A_1648 = arith.constant 32 : index
        %get3A_1649 = tpu.vector_load %arg17[%get3A_1647, %get3A_1648] {strides = array<i32>} : memref<64x384xf32, #tpu.memory_space<vmem>>, vector<16xf32>,
        %get3A_1650 = arith.index_cast %scan3A_1282 : i32 to index
        %get3A_1651 = arith.constant 224 : index
        %get3A_1652 = tpu.vector_load %arg17[%get3A_1650, %get3A_1651] {strides = array<i32>} : memref<64x384xf32, #tpu.memory_space<vmem>>, vector<16xf32>,
        %add3A_1653 = arith.constant 32 : i32
        %add3A_1654 = arith.addi %add3A_1653, %scan3A_1282 : i32
        %get3A_1655 = arith.index_cast %add3A_1654 : i32 to index
        %get3A_1656 = arith.constant 32 : index
        %get3A_1657 = tpu.vector_load %arg17[%get3A_1655, %get3A_1656] {strides = array<i32>} : memref<64x384xf32, #tpu.memory_space<vmem>>, vector<16xf32>,
        %add3A_1658 = arith.constant 32 : i32
        %add3A_1659 = arith.addi %add3A_1658, %scan3A_1282 : i32
        %get3A_1660 = arith.index_cast %add3A_1659 : i32 to index
        %get3A_1661 = arith.constant 224 : index
        %get3A_1662 = tpu.vector_load %arg17[%get3A_1660, %get3A_1661] {strides = array<i32>} : memref<64x384xf32, #tpu.memory_space<vmem>>, vector<16xf32>,
        %mul3A_1663 = arith.mulf %gather3A_1552, %get3A_1649 : vector<16xf32>
        %mul3A_1664 = arith.mulf %gather3A_1566, %get3A_1652 : vector<16xf32>
        %add3A_1665 = arith.addf %mul3A_1663, %mul3A_1664 : vector<16xf32>
        %mul3A_1666 = arith.mulf %gather3A_1580, %get3A_1657 : vector<16xf32>
        %add3A_1667 = arith.addf %add3A_1665, %mul3A_1666 : vector<16xf32>
        %mul3A_1668 = arith.mulf %gather3A_1594, %get3A_1662 : vector<16xf32>
        %add3A_1669 = arith.addf %add3A_1667, %mul3A_1668 : vector<16xf32>
        %add3A_1670 = arith.constant 131 : i32
        %add3A_1671 = vector.broadcast %add3A_1670 : i32 to vector<16xi32>
        %add3A_1672 = arith.addi %iota3A, %add3A_1671 : vector<16xi32>
        tpu.vector_store_idx %arg19[%broadcast_in_dim3A_1327, %add3A_1672], %add3A_1669 : memref<32x675xf32, #tpu.memory_space<vmem>>[vector<16xi32>, vector<16xi32>], vector<16xf32>,
        %get3A_1673 = arith.index_cast %scan3A_1282 : i32 to index
        %get3A_1674 = arith.constant 48 : index
        %get3A_1675 = tpu.vector_load %arg17[%get3A_1673, %get3A_1674] {strides = array<i32>} : memref<64x384xf32, #tpu.memory_space<vmem>>, vector<16xf32>,
        %get3A_1676 = arith.index_cast %scan3A_1282 : i32 to index
        %get3A_1677 = arith.constant 240 : index
        %get3A_1678 = tpu.vector_load %arg17[%get3A_1676, %get3A_1677] {strides = array<i32>} : memref<64x384xf32, #tpu.memory_space<vmem>>, vector<16xf32>,
        %add3A_1679 = arith.constant 32 : i32
        %add3A_1680 = arith.addi %add3A_1679, %scan3A_1282 : i32
        %get3A_1681 = arith.index_cast %add3A_1680 : i32 to index
        %get3A_1682 = arith.constant 48 : index
        %get3A_1683 = tpu.vector_load %arg17[%get3A_1681, %get3A_1682] {strides = array<i32>} : memref<64x384xf32, #tpu.memory_space<vmem>>, vector<16xf32>,
        %add3A_1684 = arith.constant 32 : i32
        %add3A_1685 = arith.addi %add3A_1684, %scan3A_1282 : i32
        %get3A_1686 = arith.index_cast %add3A_1685 : i32 to index
        %get3A_1687 = arith.constant 240 : index
        %get3A_1688 = tpu.vector_load %arg17[%get3A_1686, %get3A_1687] {strides = array<i32>} : memref<64x384xf32, #tpu.memory_space<vmem>>, vector<16xf32>,
        %mul3A_1689 = arith.mulf %gather3A_1552, %get3A_1675 : vector<16xf32>
        %mul3A_1690 = arith.mulf %gather3A_1566, %get3A_1678 : vector<16xf32>
        %add3A_1691 = arith.addf %mul3A_1689, %mul3A_1690 : vector<16xf32>
        %mul3A_1692 = arith.mulf %gather3A_1580, %get3A_1683 : vector<16xf32>
        %add3A_1693 = arith.addf %add3A_1691, %mul3A_1692 : vector<16xf32>
        %mul3A_1694 = arith.mulf %gather3A_1594, %get3A_1688 : vector<16xf32>
        %add3A_1695 = arith.addf %add3A_1693, %mul3A_1694 : vector<16xf32>
        %add3A_1696 = arith.constant 147 : i32
        %add3A_1697 = vector.broadcast %add3A_1696 : i32 to vector<16xi32>
        %add3A_1698 = arith.addi %iota3A, %add3A_1697 : vector<16xi32>
        tpu.vector_store_idx %arg19[%broadcast_in_dim3A_1327, %add3A_1698], %add3A_1695 : memref<32x675xf32, #tpu.memory_space<vmem>>[vector<16xi32>, vector<16xi32>], vector<16xf32>,
        %get3A_1699 = arith.index_cast %scan3A_1282 : i32 to index
        %get3A_1700 = arith.constant 64 : index
        %get3A_1701 = tpu.vector_load %arg17[%get3A_1699, %get3A_1700] {strides = array<i32>} : memref<64x384xf32, #tpu.memory_space<vmem>>, vector<16xf32>,
        %get3A_1702 = arith.index_cast %scan3A_1282 : i32 to index
        %get3A_1703 = arith.constant 256 : index
        %get3A_1704 = tpu.vector_load %arg17[%get3A_1702, %get3A_1703] {strides = array<i32>} : memref<64x384xf32, #tpu.memory_space<vmem>>, vector<16xf32>,
        %add3A_1705 = arith.constant 32 : i32
        %add3A_1706 = arith.addi %add3A_1705, %scan3A_1282 : i32
        %get3A_1707 = arith.index_cast %add3A_1706 : i32 to index
        %get3A_1708 = arith.constant 64 : index
        %get3A_1709 = tpu.vector_load %arg17[%get3A_1707, %get3A_1708] {strides = array<i32>} : memref<64x384xf32, #tpu.memory_space<vmem>>, vector<16xf32>,
        %add3A_1710 = arith.constant 32 : i32
        %add3A_1711 = arith.addi %add3A_1710, %scan3A_1282 : i32
        %get3A_1712 = arith.index_cast %add3A_1711 : i32 to index
        %get3A_1713 = arith.constant 256 : index
        %get3A_1714 = tpu.vector_load %arg17[%get3A_1712, %get3A_1713] {strides = array<i32>} : memref<64x384xf32, #tpu.memory_space<vmem>>, vector<16xf32>,
        %mul3A_1715 = arith.mulf %gather3A_1552, %get3A_1701 : vector<16xf32>
        %mul3A_1716 = arith.mulf %gather3A_1566, %get3A_1704 : vector<16xf32>
        %add3A_1717 = arith.addf %mul3A_1715, %mul3A_1716 : vector<16xf32>
        %mul3A_1718 = arith.mulf %gather3A_1580, %get3A_1709 : vector<16xf32>
        %add3A_1719 = arith.addf %add3A_1717, %mul3A_1718 : vector<16xf32>
        %mul3A_1720 = arith.mulf %gather3A_1594, %get3A_1714 : vector<16xf32>
        %add3A_1721 = arith.addf %add3A_1719, %mul3A_1720 : vector<16xf32>
        %add3A_1722 = arith.constant 163 : i32
        %add3A_1723 = vector.broadcast %add3A_1722 : i32 to vector<16xi32>
        %add3A_1724 = arith.addi %iota3A, %add3A_1723 : vector<16xi32>
        tpu.vector_store_idx %arg19[%broadcast_in_dim3A_1327, %add3A_1724], %add3A_1721 : memref<32x675xf32, #tpu.memory_space<vmem>>[vector<16xi32>, vector<16xi32>], vector<16xf32>,
        %get3A_1725 = arith.index_cast %scan3A_1282 : i32 to index
        %get3A_1726 = arith.constant 80 : index
        %get3A_1727 = tpu.vector_load %arg17[%get3A_1725, %get3A_1726] {strides = array<i32>} : memref<64x384xf32, #tpu.memory_space<vmem>>, vector<16xf32>,
        %get3A_1728 = arith.index_cast %scan3A_1282 : i32 to index
        %get3A_1729 = arith.constant 272 : index
        %get3A_1730 = tpu.vector_load %arg17[%get3A_1728, %get3A_1729] {strides = array<i32>} : memref<64x384xf32, #tpu.memory_space<vmem>>, vector<16xf32>,
        %add3A_1731 = arith.constant 32 : i32
        %add3A_1732 = arith.addi %add3A_1731, %scan3A_1282 : i32
        %get3A_1733 = arith.index_cast %add3A_1732 : i32 to index
        %get3A_1734 = arith.constant 80 : index
        %get3A_1735 = tpu.vector_load %arg17[%get3A_1733, %get3A_1734] {strides = array<i32>} : memref<64x384xf32, #tpu.memory_space<vmem>>, vector<16xf32>,
        %add3A_1736 = arith.constant 32 : i32
        %add3A_1737 = arith.addi %add3A_1736, %scan3A_1282 : i32
        %get3A_1738 = arith.index_cast %add3A_1737 : i32 to index
        %get3A_1739 = arith.constant 272 : index
        %get3A_1740 = tpu.vector_load %arg17[%get3A_1738, %get3A_1739] {strides = array<i32>} : memref<64x384xf32, #tpu.memory_space<vmem>>, vector<16xf32>,
        %mul3A_1741 = arith.mulf %gather3A_1552, %get3A_1727 : vector<16xf32>
        %mul3A_1742 = arith.mulf %gather3A_1566, %get3A_1730 : vector<16xf32>
        %add3A_1743 = arith.addf %mul3A_1741, %mul3A_1742 : vector<16xf32>
        %mul3A_1744 = arith.mulf %gather3A_1580, %get3A_1735 : vector<16xf32>
        %add3A_1745 = arith.addf %add3A_1743, %mul3A_1744 : vector<16xf32>
        %mul3A_1746 = arith.mulf %gather3A_1594, %get3A_1740 : vector<16xf32>
        %add3A_1747 = arith.addf %add3A_1745, %mul3A_1746 : vector<16xf32>
        %add3A_1748 = arith.constant 179 : i32
        %add3A_1749 = vector.broadcast %add3A_1748 : i32 to vector<16xi32>
        %add3A_1750 = arith.addi %iota3A, %add3A_1749 : vector<16xi32>
        tpu.vector_store_idx %arg19[%broadcast_in_dim3A_1327, %add3A_1750], %add3A_1747 : memref<32x675xf32, #tpu.memory_space<vmem>>[vector<16xi32>, vector<16xi32>], vector<16xf32>,
        %get3A_1751 = arith.index_cast %scan3A_1282 : i32 to index
        %get3A_1752 = arith.constant 96 : index
        %get3A_1753 = tpu.vector_load %arg17[%get3A_1751, %get3A_1752] {strides = array<i32>} : memref<64x384xf32, #tpu.memory_space<vmem>>, vector<16xf32>,
        %get3A_1754 = arith.index_cast %scan3A_1282 : i32 to index
        %get3A_1755 = arith.constant 288 : index
        %get3A_1756 = tpu.vector_load %arg17[%get3A_1754, %get3A_1755] {strides = array<i32>} : memref<64x384xf32, #tpu.memory_space<vmem>>, vector<16xf32>,
        %add3A_1757 = arith.constant 32 : i32
        %add3A_1758 = arith.addi %add3A_1757, %scan3A_1282 : i32
        %get3A_1759 = arith.index_cast %add3A_1758 : i32 to index
        %get3A_1760 = arith.constant 96 : index
        %get3A_1761 = tpu.vector_load %arg17[%get3A_1759, %get3A_1760] {strides = array<i32>} : memref<64x384xf32, #tpu.memory_space<vmem>>, vector<16xf32>,
        %add3A_1762 = arith.constant 32 : i32
        %add3A_1763 = arith.addi %add3A_1762, %scan3A_1282 : i32
        %get3A_1764 = arith.index_cast %add3A_1763 : i32 to index
        %get3A_1765 = arith.constant 288 : index
        %get3A_1766 = tpu.vector_load %arg17[%get3A_1764, %get3A_1765] {strides = array<i32>} : memref<64x384xf32, #tpu.memory_space<vmem>>, vector<16xf32>,
        %mul3A_1767 = arith.mulf %gather3A_1552, %get3A_1753 : vector<16xf32>
        %mul3A_1768 = arith.mulf %gather3A_1566, %get3A_1756 : vector<16xf32>
        %add3A_1769 = arith.addf %mul3A_1767, %mul3A_1768 : vector<16xf32>
        %mul3A_1770 = arith.mulf %gather3A_1580, %get3A_1761 : vector<16xf32>
        %add3A_1771 = arith.addf %add3A_1769, %mul3A_1770 : vector<16xf32>
        %mul3A_1772 = arith.mulf %gather3A_1594, %get3A_1766 : vector<16xf32>
        %add3A_1773 = arith.addf %add3A_1771, %mul3A_1772 : vector<16xf32>
        %add3A_1774 = arith.constant 195 : i32
        %add3A_1775 = vector.broadcast %add3A_1774 : i32 to vector<16xi32>
        %add3A_1776 = arith.addi %iota3A, %add3A_1775 : vector<16xi32>
        tpu.vector_store_idx %arg19[%broadcast_in_dim3A_1327, %add3A_1776], %add3A_1773 : memref<32x675xf32, #tpu.memory_space<vmem>>[vector<16xi32>, vector<16xi32>], vector<16xf32>,
        %get3A_1777 = arith.index_cast %scan3A_1282 : i32 to index
        %get3A_1778 = arith.constant 112 : index
        %get3A_1779 = tpu.vector_load %arg17[%get3A_1777, %get3A_1778] {strides = array<i32>} : memref<64x384xf32, #tpu.memory_space<vmem>>, vector<16xf32>,
        %get3A_1780 = arith.index_cast %scan3A_1282 : i32 to index
        %get3A_1781 = arith.constant 304 : index
        %get3A_1782 = tpu.vector_load %arg17[%get3A_1780, %get3A_1781] {strides = array<i32>} : memref<64x384xf32, #tpu.memory_space<vmem>>, vector<16xf32>,
        %add3A_1783 = arith.constant 32 : i32
        %add3A_1784 = arith.addi %add3A_1783, %scan3A_1282 : i32
        %get3A_1785 = arith.index_cast %add3A_1784 : i32 to index
        %get3A_1786 = arith.constant 112 : index
        %get3A_1787 = tpu.vector_load %arg17[%get3A_1785, %get3A_1786] {strides = array<i32>} : memref<64x384xf32, #tpu.memory_space<vmem>>, vector<16xf32>,
        %add3A_1788 = arith.constant 32 : i32
        %add3A_1789 = arith.addi %add3A_1788, %scan3A_1282 : i32
        %get3A_1790 = arith.index_cast %add3A_1789 : i32 to index
        %get3A_1791 = arith.constant 304 : index
        %get3A_1792 = tpu.vector_load %arg17[%get3A_1790, %get3A_1791] {strides = array<i32>} : memref<64x384xf32, #tpu.memory_space<vmem>>, vector<16xf32>,
        %mul3A_1793 = arith.mulf %gather3A_1552, %get3A_1779 : vector<16xf32>
        %mul3A_1794 = arith.mulf %gather3A_1566, %get3A_1782 : vector<16xf32>
        %add3A_1795 = arith.addf %mul3A_1793, %mul3A_1794 : vector<16xf32>
        %mul3A_1796 = arith.mulf %gather3A_1580, %get3A_1787 : vector<16xf32>
        %add3A_1797 = arith.addf %add3A_1795, %mul3A_1796 : vector<16xf32>
        %mul3A_1798 = arith.mulf %gather3A_1594, %get3A_1792 : vector<16xf32>
        %add3A_1799 = arith.addf %add3A_1797, %mul3A_1798 : vector<16xf32>
        %add3A_1800 = arith.constant 211 : i32
        %add3A_1801 = vector.broadcast %add3A_1800 : i32 to vector<16xi32>
        %add3A_1802 = arith.addi %iota3A, %add3A_1801 : vector<16xi32>
        tpu.vector_store_idx %arg19[%broadcast_in_dim3A_1327, %add3A_1802], %add3A_1799 : memref<32x675xf32, #tpu.memory_space<vmem>>[vector<16xi32>, vector<16xi32>], vector<16xf32>,
        %get3A_1803 = arith.index_cast %scan3A_1282 : i32 to index
        %get3A_1804 = arith.constant 128 : index
        %get3A_1805 = tpu.vector_load %arg17[%get3A_1803, %get3A_1804] {strides = array<i32>} : memref<64x384xf32, #tpu.memory_space<vmem>>, vector<16xf32>,
        %get3A_1806 = arith.index_cast %scan3A_1282 : i32 to index
        %get3A_1807 = arith.constant 320 : index
        %get3A_1808 = tpu.vector_load %arg17[%get3A_1806, %get3A_1807] {strides = array<i32>} : memref<64x384xf32, #tpu.memory_space<vmem>>, vector<16xf32>,
        %add3A_1809 = arith.constant 32 : i32
        %add3A_1810 = arith.addi %add3A_1809, %scan3A_1282 : i32
        %get3A_1811 = arith.index_cast %add3A_1810 : i32 to index
        %get3A_1812 = arith.constant 128 : index
        %get3A_1813 = tpu.vector_load %arg17[%get3A_1811, %get3A_1812] {strides = array<i32>} : memref<64x384xf32, #tpu.memory_space<vmem>>, vector<16xf32>,
        %add3A_1814 = arith.constant 32 : i32
        %add3A_1815 = arith.addi %add3A_1814, %scan3A_1282 : i32
        %get3A_1816 = arith.index_cast %add3A_1815 : i32 to index
        %get3A_1817 = arith.constant 320 : index
        %get3A_1818 = tpu.vector_load %arg17[%get3A_1816, %get3A_1817] {strides = array<i32>} : memref<64x384xf32, #tpu.memory_space<vmem>>, vector<16xf32>,
        %mul3A_1819 = arith.mulf %gather3A_1552, %get3A_1805 : vector<16xf32>
        %mul3A_1820 = arith.mulf %gather3A_1566, %get3A_1808 : vector<16xf32>
        %add3A_1821 = arith.addf %mul3A_1819, %mul3A_1820 : vector<16xf32>
        %mul3A_1822 = arith.mulf %gather3A_1580, %get3A_1813 : vector<16xf32>
        %add3A_1823 = arith.addf %add3A_1821, %mul3A_1822 : vector<16xf32>
        %mul3A_1824 = arith.mulf %gather3A_1594, %get3A_1818 : vector<16xf32>
        %add3A_1825 = arith.addf %add3A_1823, %mul3A_1824 : vector<16xf32>
        %add3A_1826 = arith.constant 227 : i32
        %add3A_1827 = vector.broadcast %add3A_1826 : i32 to vector<16xi32>
        %add3A_1828 = arith.addi %iota3A, %add3A_1827 : vector<16xi32>
        tpu.vector_store_idx %arg19[%broadcast_in_dim3A_1327, %add3A_1828], %add3A_1825 : memref<32x675xf32, #tpu.memory_space<vmem>>[vector<16xi32>, vector<16xi32>], vector<16xf32>,
        %get3A_1829 = arith.index_cast %scan3A_1282 : i32 to index
        %get3A_1830 = arith.constant 144 : index
        %get3A_1831 = tpu.vector_load %arg17[%get3A_1829, %get3A_1830] {strides = array<i32>} : memref<64x384xf32, #tpu.memory_space<vmem>>, vector<16xf32>,
        %get3A_1832 = arith.index_cast %scan3A_1282 : i32 to index
        %get3A_1833 = arith.constant 336 : index
        %get3A_1834 = tpu.vector_load %arg17[%get3A_1832, %get3A_1833] {strides = array<i32>} : memref<64x384xf32, #tpu.memory_space<vmem>>, vector<16xf32>,
        %add3A_1835 = arith.constant 32 : i32
        %add3A_1836 = arith.addi %add3A_1835, %scan3A_1282 : i32
        %get3A_1837 = arith.index_cast %add3A_1836 : i32 to index
        %get3A_1838 = arith.constant 144 : index
        %get3A_1839 = tpu.vector_load %arg17[%get3A_1837, %get3A_1838] {strides = array<i32>} : memref<64x384xf32, #tpu.memory_space<vmem>>, vector<16xf32>,
        %add3A_1840 = arith.constant 32 : i32
        %add3A_1841 = arith.addi %add3A_1840, %scan3A_1282 : i32
        %get3A_1842 = arith.index_cast %add3A_1841 : i32 to index
        %get3A_1843 = arith.constant 336 : index
        %get3A_1844 = tpu.vector_load %arg17[%get3A_1842, %get3A_1843] {strides = array<i32>} : memref<64x384xf32, #tpu.memory_space<vmem>>, vector<16xf32>,
        %mul3A_1845 = arith.mulf %gather3A_1552, %get3A_1831 : vector<16xf32>
        %mul3A_1846 = arith.mulf %gather3A_1566, %get3A_1834 : vector<16xf32>
        %add3A_1847 = arith.addf %mul3A_1845, %mul3A_1846 : vector<16xf32>
        %mul3A_1848 = arith.mulf %gather3A_1580, %get3A_1839 : vector<16xf32>
        %add3A_1849 = arith.addf %add3A_1847, %mul3A_1848 : vector<16xf32>
        %mul3A_1850 = arith.mulf %gather3A_1594, %get3A_1844 : vector<16xf32>
        %add3A_1851 = arith.addf %add3A_1849, %mul3A_1850 : vector<16xf32>
        %add3A_1852 = arith.constant 243 : i32
        %add3A_1853 = vector.broadcast %add3A_1852 : i32 to vector<16xi32>
        %add3A_1854 = arith.addi %iota3A, %add3A_1853 : vector<16xi32>
        tpu.vector_store_idx %arg19[%broadcast_in_dim3A_1327, %add3A_1854], %add3A_1851 : memref<32x675xf32, #tpu.memory_space<vmem>>[vector<16xi32>, vector<16xi32>], vector<16xf32>,
        %get3A_1855 = arith.index_cast %scan3A_1282 : i32 to index
        %get3A_1856 = arith.constant 160 : index
        %get3A_1857 = tpu.vector_load %arg17[%get3A_1855, %get3A_1856] {strides = array<i32>} : memref<64x384xf32, #tpu.memory_space<vmem>>, vector<16xf32>,
        %get3A_1858 = arith.index_cast %scan3A_1282 : i32 to index
        %get3A_1859 = arith.constant 352 : index
        %get3A_1860 = tpu.vector_load %arg17[%get3A_1858, %get3A_1859] {strides = array<i32>} : memref<64x384xf32, #tpu.memory_space<vmem>>, vector<16xf32>,
        %add3A_1861 = arith.constant 32 : i32
        %add3A_1862 = arith.addi %add3A_1861, %scan3A_1282 : i32
        %get3A_1863 = arith.index_cast %add3A_1862 : i32 to index
        %get3A_1864 = arith.constant 160 : index
        %get3A_1865 = tpu.vector_load %arg17[%get3A_1863, %get3A_1864] {strides = array<i32>} : memref<64x384xf32, #tpu.memory_space<vmem>>, vector<16xf32>,
        %add3A_1866 = arith.constant 32 : i32
        %add3A_1867 = arith.addi %add3A_1866, %scan3A_1282 : i32
        %get3A_1868 = arith.index_cast %add3A_1867 : i32 to index
        %get3A_1869 = arith.constant 352 : index
        %get3A_1870 = tpu.vector_load %arg17[%get3A_1868, %get3A_1869] {strides = array<i32>} : memref<64x384xf32, #tpu.memory_space<vmem>>, vector<16xf32>,
        %mul3A_1871 = arith.mulf %gather3A_1552, %get3A_1857 : vector<16xf32>
        %mul3A_1872 = arith.mulf %gather3A_1566, %get3A_1860 : vector<16xf32>
        %add3A_1873 = arith.addf %mul3A_1871, %mul3A_1872 : vector<16xf32>
        %mul3A_1874 = arith.mulf %gather3A_1580, %get3A_1865 : vector<16xf32>
        %add3A_1875 = arith.addf %add3A_1873, %mul3A_1874 : vector<16xf32>
        %mul3A_1876 = arith.mulf %gather3A_1594, %get3A_1870 : vector<16xf32>
        %add3A_1877 = arith.addf %add3A_1875, %mul3A_1876 : vector<16xf32>
        %add3A_1878 = arith.constant 259 : i32
        %add3A_1879 = vector.broadcast %add3A_1878 : i32 to vector<16xi32>
        %add3A_1880 = arith.addi %iota3A, %add3A_1879 : vector<16xi32>
        tpu.vector_store_idx %arg19[%broadcast_in_dim3A_1327, %add3A_1880], %add3A_1877 : memref<32x675xf32, #tpu.memory_space<vmem>>[vector<16xi32>, vector<16xi32>], vector<16xf32>,
        %get3A_1881 = arith.index_cast %scan3A_1282 : i32 to index
        %get3A_1882 = arith.constant 176 : index
        %get3A_1883 = tpu.vector_load %arg17[%get3A_1881, %get3A_1882] {strides = array<i32>} : memref<64x384xf32, #tpu.memory_space<vmem>>, vector<16xf32>,
        %get3A_1884 = arith.index_cast %scan3A_1282 : i32 to index
        %get3A_1885 = arith.constant 368 : index
        %get3A_1886 = tpu.vector_load %arg17[%get3A_1884, %get3A_1885] {strides = array<i32>} : memref<64x384xf32, #tpu.memory_space<vmem>>, vector<16xf32>,
        %add3A_1887 = arith.constant 32 : i32
        %add3A_1888 = arith.addi %add3A_1887, %scan3A_1282 : i32
        %get3A_1889 = arith.index_cast %add3A_1888 : i32 to index
        %get3A_1890 = arith.constant 176 : index
        %get3A_1891 = tpu.vector_load %arg17[%get3A_1889, %get3A_1890] {strides = array<i32>} : memref<64x384xf32, #tpu.memory_space<vmem>>, vector<16xf32>,
        %add3A_1892 = arith.constant 32 : i32
        %add3A_1893 = arith.addi %add3A_1892, %scan3A_1282 : i32
        %get3A_1894 = arith.index_cast %add3A_1893 : i32 to index
        %get3A_1895 = arith.constant 368 : index
        %get3A_1896 = tpu.vector_load %arg17[%get3A_1894, %get3A_1895] {strides = array<i32>} : memref<64x384xf32, #tpu.memory_space<vmem>>, vector<16xf32>,
        %mul3A_1897 = arith.mulf %gather3A_1552, %get3A_1883 : vector<16xf32>
        %mul3A_1898 = arith.mulf %gather3A_1566, %get3A_1886 : vector<16xf32>
        %add3A_1899 = arith.addf %mul3A_1897, %mul3A_1898 : vector<16xf32>
        %mul3A_1900 = arith.mulf %gather3A_1580, %get3A_1891 : vector<16xf32>
        %add3A_1901 = arith.addf %add3A_1899, %mul3A_1900 : vector<16xf32>
        %mul3A_1902 = arith.mulf %gather3A_1594, %get3A_1896 : vector<16xf32>
        %add3A_1903 = arith.addf %add3A_1901, %mul3A_1902 : vector<16xf32>
        %add3A_1904 = arith.constant 275 : i32
        %add3A_1905 = vector.broadcast %add3A_1904 : i32 to vector<16xi32>
        %add3A_1906 = arith.addi %iota3A, %add3A_1905 : vector<16xi32>
        tpu.vector_store_idx %arg19[%broadcast_in_dim3A_1327, %add3A_1906], %add3A_1903 : memref<32x675xf32, #tpu.memory_space<vmem>>[vector<16xi32>, vector<16xi32>], vector<16xf32>,
        %add3A_1907 = arith.constant 0 : i32
        %add3A_1908 = arith.addi %add3A_1907, %mul3A_1309 : i32
        %get3A_1909 = arith.index_cast %add3A_1908 : i32 to index
        %get3A_1910 = tpu.vector_load %arg15[%get3A_1909] {strides = array<i32>} : memref<128xf32, #tpu.memory_space<vmem>>, vector<16xf32>,
        %lt3A_1911 = arith.constant 0 : i32
        %lt3A_1912 = vector.broadcast %lt3A_1911 : i32 to vector<16xi32>
        %lt3A_1913 = arith.cmpi slt, %broadcast_in_dim3A_1326, %lt3A_1912 : vector<16xi32>
        %add3A_1914 = arith.constant 16 : i32
        %add3A_1915 = vector.broadcast %add3A_1914 : i32 to vector<16xi32>
        %add3A_1916 = arith.addi %broadcast_in_dim3A_1326, %add3A_1915 : vector<16xi32>
        %select_n3A_1917 = arith.select %lt3A_1913, %add3A_1916, %broadcast_in_dim3A_1326 : vector<16xi1>, vector<16xi32>
        %reshape3A_1918 = vector.shape_cast %select_n3A_1917 : vector<16xi32> to vector<16x1xi32>
        %gather3A_1919 = vector.shape_cast %reshape3A_1918 : vector<16x1xi32> to vector<16xi32>
        %gather3A_1920 = tpu.dynamic_gather %get3A_1910[%gather3A_1919] in [0] : vector<16xf32>, vector<16xi32> -> vector<16xf32>
        %add3A_1921 = arith.constant 32 : i32
        %add3A_1922 = arith.addi %add3A_1921, %mul3A_1309 : i32
        %get3A_1923 = arith.index_cast %add3A_1922 : i32 to index
        %get3A_1924 = tpu.vector_load %arg15[%get3A_1923] {strides = array<i32>} : memref<128xf32, #tpu.memory_space<vmem>>, vector<16xf32>,
        %lt3A_1925 = arith.constant 0 : i32
        %lt3A_1926 = vector.broadcast %lt3A_1925 : i32 to vector<16xi32>
        %lt3A_1927 = arith.cmpi slt, %broadcast_in_dim3A_1326, %lt3A_1926 : vector<16xi32>
        %add3A_1928 = arith.constant 16 : i32
        %add3A_1929 = vector.broadcast %add3A_1928 : i32 to vector<16xi32>
        %add3A_1930 = arith.addi %broadcast_in_dim3A_1326, %add3A_1929 : vector<16xi32>
        %select_n3A_1931 = arith.select %lt3A_1927, %add3A_1930, %broadcast_in_dim3A_1326 : vector<16xi1>, vector<16xi32>
        %reshape3A_1932 = vector.shape_cast %select_n3A_1931 : vector<16xi32> to vector<16x1xi32>
        %gather3A_1933 = vector.shape_cast %reshape3A_1932 : vector<16x1xi32> to vector<16xi32>
        %gather3A_1934 = tpu.dynamic_gather %get3A_1924[%gather3A_1933] in [0] : vector<16xf32>, vector<16xi32> -> vector<16xf32>
        %add3A_1935 = arith.constant 64 : i32
        %add3A_1936 = arith.addi %add3A_1935, %mul3A_1309 : i32
        %get3A_1937 = arith.index_cast %add3A_1936 : i32 to index
        %get3A_1938 = tpu.vector_load %arg15[%get3A_1937] {strides = array<i32>} : memref<128xf32, #tpu.memory_space<vmem>>, vector<16xf32>,
        %lt3A_1939 = arith.constant 0 : i32
        %lt3A_1940 = vector.broadcast %lt3A_1939 : i32 to vector<16xi32>
        %lt3A_1941 = arith.cmpi slt, %broadcast_in_dim3A_1326, %lt3A_1940 : vector<16xi32>
        %add3A_1942 = arith.constant 16 : i32
        %add3A_1943 = vector.broadcast %add3A_1942 : i32 to vector<16xi32>
        %add3A_1944 = arith.addi %broadcast_in_dim3A_1326, %add3A_1943 : vector<16xi32>
        %select_n3A_1945 = arith.select %lt3A_1941, %add3A_1944, %broadcast_in_dim3A_1326 : vector<16xi1>, vector<16xi32>
        %reshape3A_1946 = vector.shape_cast %select_n3A_1945 : vector<16xi32> to vector<16x1xi32>
        %gather3A_1947 = vector.shape_cast %reshape3A_1946 : vector<16x1xi32> to vector<16xi32>
        %gather3A_1948 = tpu.dynamic_gather %get3A_1938[%gather3A_1947] in [0] : vector<16xf32>, vector<16xi32> -> vector<16xf32>
        %add3A_1949 = arith.constant 96 : i32
        %add3A_1950 = arith.addi %add3A_1949, %mul3A_1309 : i32
        %get3A_1951 = arith.index_cast %add3A_1950 : i32 to index
        %get3A_1952 = tpu.vector_load %arg15[%get3A_1951] {strides = array<i32>} : memref<128xf32, #tpu.memory_space<vmem>>, vector<16xf32>,
        %lt3A_1953 = arith.constant 0 : i32
        %lt3A_1954 = vector.broadcast %lt3A_1953 : i32 to vector<16xi32>
        %lt3A_1955 = arith.cmpi slt, %broadcast_in_dim3A_1326, %lt3A_1954 : vector<16xi32>
        %add3A_1956 = arith.constant 16 : i32
        %add3A_1957 = vector.broadcast %add3A_1956 : i32 to vector<16xi32>
        %add3A_1958 = arith.addi %broadcast_in_dim3A_1326, %add3A_1957 : vector<16xi32>
        %select_n3A_1959 = arith.select %lt3A_1955, %add3A_1958, %broadcast_in_dim3A_1326 : vector<16xi1>, vector<16xi32>
        %reshape3A_1960 = vector.shape_cast %select_n3A_1959 : vector<16xi32> to vector<16x1xi32>
        %gather3A_1961 = vector.shape_cast %reshape3A_1960 : vector<16x1xi32> to vector<16xi32>
        %gather3A_1962 = tpu.dynamic_gather %get3A_1952[%gather3A_1961] in [0] : vector<16xf32>, vector<16xi32> -> vector<16xf32>
        %get3A_1963 = arith.index_cast %scan3A_1282 : i32 to index
        %get3A_1964 = arith.constant 0 : index
        %get3A_1965 = tpu.vector_load %arg18[%get3A_1963, %get3A_1964] {strides = array<i32>} : memref<64x768xf32, #tpu.memory_space<vmem>>, vector<16xf32>,
        %get3A_1966 = arith.index_cast %scan3A_1282 : i32 to index
        %get3A_1967 = arith.constant 384 : index
        %get3A_1968 = tpu.vector_load %arg18[%get3A_1966, %get3A_1967] {strides = array<i32>} : memref<64x768xf32, #tpu.memory_space<vmem>>, vector<16xf32>,
        %add3A_1969 = arith.constant 32 : i32
        %add3A_1970 = arith.addi %add3A_1969, %scan3A_1282 : i32
        %get3A_1971 = arith.index_cast %add3A_1970 : i32 to index
        %get3A_1972 = arith.constant 0 : index
        %get3A_1973 = tpu.vector_load %arg18[%get3A_1971, %get3A_1972] {strides = array<i32>} : memref<64x768xf32, #tpu.memory_space<vmem>>, vector<16xf32>,
        %add3A_1974 = arith.constant 32 : i32
        %add3A_1975 = arith.addi %add3A_1974, %scan3A_1282 : i32
        %get3A_1976 = arith.index_cast %add3A_1975 : i32 to index
        %get3A_1977 = arith.constant 384 : index
        %get3A_1978 = tpu.vector_load %arg18[%get3A_1976, %get3A_1977] {strides = array<i32>} : memref<64x768xf32, #tpu.memory_space<vmem>>, vector<16xf32>,
        %mul3A_1979 = arith.mulf %gather3A_1920, %get3A_1965 : vector<16xf32>
        %mul3A_1980 = arith.mulf %gather3A_1934, %get3A_1968 : vector<16xf32>
        %add3A_1981 = arith.addf %mul3A_1979, %mul3A_1980 : vector<16xf32>
        %mul3A_1982 = arith.mulf %gather3A_1948, %get3A_1973 : vector<16xf32>
        %add3A_1983 = arith.addf %add3A_1981, %mul3A_1982 : vector<16xf32>
        %mul3A_1984 = arith.mulf %gather3A_1962, %get3A_1978 : vector<16xf32>
        %add3A_1985 = arith.addf %add3A_1983, %mul3A_1984 : vector<16xf32>
        %add3A_1986 = arith.constant 291 : i32
        %add3A_1987 = vector.broadcast %add3A_1986 : i32 to vector<16xi32>
        %add3A_1988 = arith.addi %iota3A, %add3A_1987 : vector<16xi32>
        tpu.vector_store_idx %arg19[%broadcast_in_dim3A_1327, %add3A_1988], %add3A_1985 : memref<32x675xf32, #tpu.memory_space<vmem>>[vector<16xi32>, vector<16xi32>], vector<16xf32>,
        %get3A_1989 = arith.index_cast %scan3A_1282 : i32 to index
        %get3A_1990 = arith.constant 16 : index
        %get3A_1991 = tpu.vector_load %arg18[%get3A_1989, %get3A_1990] {strides = array<i32>} : memref<64x768xf32, #tpu.memory_space<vmem>>, vector<16xf32>,
        %get3A_1992 = arith.index_cast %scan3A_1282 : i32 to index
        %get3A_1993 = arith.constant 400 : index
        %get3A_1994 = tpu.vector_load %arg18[%get3A_1992, %get3A_1993] {strides = array<i32>} : memref<64x768xf32, #tpu.memory_space<vmem>>, vector<16xf32>,
        %add3A_1995 = arith.constant 32 : i32
        %add3A_1996 = arith.addi %add3A_1995, %scan3A_1282 : i32
        %get3A_1997 = arith.index_cast %add3A_1996 : i32 to index
        %get3A_1998 = arith.constant 16 : index
        %get3A_1999 = tpu.vector_load %arg18[%get3A_1997, %get3A_1998] {strides = array<i32>} : memref<64x768xf32, #tpu.memory_space<vmem>>, vector<16xf32>,
        %add3A_2000 = arith.constant 32 : i32
        %add3A_2001 = arith.addi %add3A_2000, %scan3A_1282 : i32
        %get3A_2002 = arith.index_cast %add3A_2001 : i32 to index
        %get3A_2003 = arith.constant 400 : index
        %get3A_2004 = tpu.vector_load %arg18[%get3A_2002, %get3A_2003] {strides = array<i32>} : memref<64x768xf32, #tpu.memory_space<vmem>>, vector<16xf32>,
        %mul3A_2005 = arith.mulf %gather3A_1920, %get3A_1991 : vector<16xf32>
        %mul3A_2006 = arith.mulf %gather3A_1934, %get3A_1994 : vector<16xf32>
        %add3A_2007 = arith.addf %mul3A_2005, %mul3A_2006 : vector<16xf32>
        %mul3A_2008 = arith.mulf %gather3A_1948, %get3A_1999 : vector<16xf32>
        %add3A_2009 = arith.addf %add3A_2007, %mul3A_2008 : vector<16xf32>
        %mul3A_2010 = arith.mulf %gather3A_1962, %get3A_2004 : vector<16xf32>
        %add3A_2011 = arith.addf %add3A_2009, %mul3A_2010 : vector<16xf32>
        %add3A_2012 = arith.constant 307 : i32
        %add3A_2013 = vector.broadcast %add3A_2012 : i32 to vector<16xi32>
        %add3A_2014 = arith.addi %iota3A, %add3A_2013 : vector<16xi32>
        tpu.vector_store_idx %arg19[%broadcast_in_dim3A_1327, %add3A_2014], %add3A_2011 : memref<32x675xf32, #tpu.memory_space<vmem>>[vector<16xi32>, vector<16xi32>], vector<16xf32>,
        %get3A_2015 = arith.index_cast %scan3A_1282 : i32 to index
        %get3A_2016 = arith.constant 32 : index
        %get3A_2017 = tpu.vector_load %arg18[%get3A_2015, %get3A_2016] {strides = array<i32>} : memref<64x768xf32, #tpu.memory_space<vmem>>, vector<16xf32>,
        %get3A_2018 = arith.index_cast %scan3A_1282 : i32 to index
        %get3A_2019 = arith.constant 416 : index
        %get3A_2020 = tpu.vector_load %arg18[%get3A_2018, %get3A_2019] {strides = array<i32>} : memref<64x768xf32, #tpu.memory_space<vmem>>, vector<16xf32>,
        %add3A_2021 = arith.constant 32 : i32
        %add3A_2022 = arith.addi %add3A_2021, %scan3A_1282 : i32
        %get3A_2023 = arith.index_cast %add3A_2022 : i32 to index
        %get3A_2024 = arith.constant 32 : index
        %get3A_2025 = tpu.vector_load %arg18[%get3A_2023, %get3A_2024] {strides = array<i32>} : memref<64x768xf32, #tpu.memory_space<vmem>>, vector<16xf32>,
        %add3A_2026 = arith.constant 32 : i32
        %add3A_2027 = arith.addi %add3A_2026, %scan3A_1282 : i32
        %get3A_2028 = arith.index_cast %add3A_2027 : i32 to index
        %get3A_2029 = arith.constant 416 : index
        %get3A_2030 = tpu.vector_load %arg18[%get3A_2028, %get3A_2029] {strides = array<i32>} : memref<64x768xf32, #tpu.memory_space<vmem>>, vector<16xf32>,
        %mul3A_2031 = arith.mulf %gather3A_1920, %get3A_2017 : vector<16xf32>
        %mul3A_2032 = arith.mulf %gather3A_1934, %get3A_2020 : vector<16xf32>
        %add3A_2033 = arith.addf %mul3A_2031, %mul3A_2032 : vector<16xf32>
        %mul3A_2034 = arith.mulf %gather3A_1948, %get3A_2025 : vector<16xf32>
        %add3A_2035 = arith.addf %add3A_2033, %mul3A_2034 : vector<16xf32>
        %mul3A_2036 = arith.mulf %gather3A_1962, %get3A_2030 : vector<16xf32>
        %add3A_2037 = arith.addf %add3A_2035, %mul3A_2036 : vector<16xf32>
        %add3A_2038 = arith.constant 323 : i32
        %add3A_2039 = vector.broadcast %add3A_2038 : i32 to vector<16xi32>
        %add3A_2040 = arith.addi %iota3A, %add3A_2039 : vector<16xi32>
        tpu.vector_store_idx %arg19[%broadcast_in_dim3A_1327, %add3A_2040], %add3A_2037 : memref<32x675xf32, #tpu.memory_space<vmem>>[vector<16xi32>, vector<16xi32>], vector<16xf32>,
        %get3A_2041 = arith.index_cast %scan3A_1282 : i32 to index
        %get3A_2042 = arith.constant 48 : index
        %get3A_2043 = tpu.vector_load %arg18[%get3A_2041, %get3A_2042] {strides = array<i32>} : memref<64x768xf32, #tpu.memory_space<vmem>>, vector<16xf32>,
        %get3A_2044 = arith.index_cast %scan3A_1282 : i32 to index
        %get3A_2045 = arith.constant 432 : index
        %get3A_2046 = tpu.vector_load %arg18[%get3A_2044, %get3A_2045] {strides = array<i32>} : memref<64x768xf32, #tpu.memory_space<vmem>>, vector<16xf32>,
        %add3A_2047 = arith.constant 32 : i32
        %add3A_2048 = arith.addi %add3A_2047, %scan3A_1282 : i32
        %get3A_2049 = arith.index_cast %add3A_2048 : i32 to index
        %get3A_2050 = arith.constant 48 : index
        %get3A_2051 = tpu.vector_load %arg18[%get3A_2049, %get3A_2050] {strides = array<i32>} : memref<64x768xf32, #tpu.memory_space<vmem>>, vector<16xf32>,
        %add3A_2052 = arith.constant 32 : i32
        %add3A_2053 = arith.addi %add3A_2052, %scan3A_1282 : i32
        %get3A_2054 = arith.index_cast %add3A_2053 : i32 to index
        %get3A_2055 = arith.constant 432 : index
        %get3A_2056 = tpu.vector_load %arg18[%get3A_2054, %get3A_2055] {strides = array<i32>} : memref<64x768xf32, #tpu.memory_space<vmem>>, vector<16xf32>,
        %mul3A_2057 = arith.mulf %gather3A_1920, %get3A_2043 : vector<16xf32>
        %mul3A_2058 = arith.mulf %gather3A_1934, %get3A_2046 : vector<16xf32>
        %add3A_2059 = arith.addf %mul3A_2057, %mul3A_2058 : vector<16xf32>
        %mul3A_2060 = arith.mulf %gather3A_1948, %get3A_2051 : vector<16xf32>
        %add3A_2061 = arith.addf %add3A_2059, %mul3A_2060 : vector<16xf32>
        %mul3A_2062 = arith.mulf %gather3A_1962, %get3A_2056 : vector<16xf32>
        %add3A_2063 = arith.addf %add3A_2061, %mul3A_2062 : vector<16xf32>
        %add3A_2064 = arith.constant 339 : i32
        %add3A_2065 = vector.broadcast %add3A_2064 : i32 to vector<16xi32>
        %add3A_2066 = arith.addi %iota3A, %add3A_2065 : vector<16xi32>
        tpu.vector_store_idx %arg19[%broadcast_in_dim3A_1327, %add3A_2066], %add3A_2063 : memref<32x675xf32, #tpu.memory_space<vmem>>[vector<16xi32>, vector<16xi32>], vector<16xf32>,
        %get3A_2067 = arith.index_cast %scan3A_1282 : i32 to index
        %get3A_2068 = arith.constant 64 : index
        %get3A_2069 = tpu.vector_load %arg18[%get3A_2067, %get3A_2068] {strides = array<i32>} : memref<64x768xf32, #tpu.memory_space<vmem>>, vector<16xf32>,
        %get3A_2070 = arith.index_cast %scan3A_1282 : i32 to index
        %get3A_2071 = arith.constant 448 : index
        %get3A_2072 = tpu.vector_load %arg18[%get3A_2070, %get3A_2071] {strides = array<i32>} : memref<64x768xf32, #tpu.memory_space<vmem>>, vector<16xf32>,
        %add3A_2073 = arith.constant 32 : i32
        %add3A_2074 = arith.addi %add3A_2073, %scan3A_1282 : i32
        %get3A_2075 = arith.index_cast %add3A_2074 : i32 to index
        %get3A_2076 = arith.constant 64 : index
        %get3A_2077 = tpu.vector_load %arg18[%get3A_2075, %get3A_2076] {strides = array<i32>} : memref<64x768xf32, #tpu.memory_space<vmem>>, vector<16xf32>,
        %add3A_2078 = arith.constant 32 : i32
        %add3A_2079 = arith.addi %add3A_2078, %scan3A_1282 : i32
        %get3A_2080 = arith.index_cast %add3A_2079 : i32 to index
        %get3A_2081 = arith.constant 448 : index
        %get3A_2082 = tpu.vector_load %arg18[%get3A_2080, %get3A_2081] {strides = array<i32>} : memref<64x768xf32, #tpu.memory_space<vmem>>, vector<16xf32>,
        %mul3A_2083 = arith.mulf %gather3A_1920, %get3A_2069 : vector<16xf32>
        %mul3A_2084 = arith.mulf %gather3A_1934, %get3A_2072 : vector<16xf32>
        %add3A_2085 = arith.addf %mul3A_2083, %mul3A_2084 : vector<16xf32>
        %mul3A_2086 = arith.mulf %gather3A_1948, %get3A_2077 : vector<16xf32>
        %add3A_2087 = arith.addf %add3A_2085, %mul3A_2086 : vector<16xf32>
        %mul3A_2088 = arith.mulf %gather3A_1962, %get3A_2082 : vector<16xf32>
        %add3A_2089 = arith.addf %add3A_2087, %mul3A_2088 : vector<16xf32>
        %add3A_2090 = arith.constant 355 : i32
        %add3A_2091 = vector.broadcast %add3A_2090 : i32 to vector<16xi32>
        %add3A_2092 = arith.addi %iota3A, %add3A_2091 : vector<16xi32>
        tpu.vector_store_idx %arg19[%broadcast_in_dim3A_1327, %add3A_2092], %add3A_2089 : memref<32x675xf32, #tpu.memory_space<vmem>>[vector<16xi32>, vector<16xi32>], vector<16xf32>,
        %get3A_2093 = arith.index_cast %scan3A_1282 : i32 to index
        %get3A_2094 = arith.constant 80 : index
        %get3A_2095 = tpu.vector_load %arg18[%get3A_2093, %get3A_2094] {strides = array<i32>} : memref<64x768xf32, #tpu.memory_space<vmem>>, vector<16xf32>,
        %get3A_2096 = arith.index_cast %scan3A_1282 : i32 to index
        %get3A_2097 = arith.constant 464 : index
        %get3A_2098 = tpu.vector_load %arg18[%get3A_2096, %get3A_2097] {strides = array<i32>} : memref<64x768xf32, #tpu.memory_space<vmem>>, vector<16xf32>,
        %add3A_2099 = arith.constant 32 : i32
        %add3A_2100 = arith.addi %add3A_2099, %scan3A_1282 : i32
        %get3A_2101 = arith.index_cast %add3A_2100 : i32 to index
        %get3A_2102 = arith.constant 80 : index
        %get3A_2103 = tpu.vector_load %arg18[%get3A_2101, %get3A_2102] {strides = array<i32>} : memref<64x768xf32, #tpu.memory_space<vmem>>, vector<16xf32>,
        %add3A_2104 = arith.constant 32 : i32
        %add3A_2105 = arith.addi %add3A_2104, %scan3A_1282 : i32
        %get3A_2106 = arith.index_cast %add3A_2105 : i32 to index
        %get3A_2107 = arith.constant 464 : index
        %get3A_2108 = tpu.vector_load %arg18[%get3A_2106, %get3A_2107] {strides = array<i32>} : memref<64x768xf32, #tpu.memory_space<vmem>>, vector<16xf32>,
        %mul3A_2109 = arith.mulf %gather3A_1920, %get3A_2095 : vector<16xf32>
        %mul3A_2110 = arith.mulf %gather3A_1934, %get3A_2098 : vector<16xf32>
        %add3A_2111 = arith.addf %mul3A_2109, %mul3A_2110 : vector<16xf32>
        %mul3A_2112 = arith.mulf %gather3A_1948, %get3A_2103 : vector<16xf32>
        %add3A_2113 = arith.addf %add3A_2111, %mul3A_2112 : vector<16xf32>
        %mul3A_2114 = arith.mulf %gather3A_1962, %get3A_2108 : vector<16xf32>
        %add3A_2115 = arith.addf %add3A_2113, %mul3A_2114 : vector<16xf32>
        %add3A_2116 = arith.constant 371 : i32
        %add3A_2117 = vector.broadcast %add3A_2116 : i32 to vector<16xi32>
        %add3A_2118 = arith.addi %iota3A, %add3A_2117 : vector<16xi32>
        tpu.vector_store_idx %arg19[%broadcast_in_dim3A_1327, %add3A_2118], %add3A_2115 : memref<32x675xf32, #tpu.memory_space<vmem>>[vector<16xi32>, vector<16xi32>], vector<16xf32>,
        %get3A_2119 = arith.index_cast %scan3A_1282 : i32 to index
        %get3A_2120 = arith.constant 96 : index
        %get3A_2121 = tpu.vector_load %arg18[%get3A_2119, %get3A_2120] {strides = array<i32>} : memref<64x768xf32, #tpu.memory_space<vmem>>, vector<16xf32>,
        %get3A_2122 = arith.index_cast %scan3A_1282 : i32 to index
        %get3A_2123 = arith.constant 480 : index
        %get3A_2124 = tpu.vector_load %arg18[%get3A_2122, %get3A_2123] {strides = array<i32>} : memref<64x768xf32, #tpu.memory_space<vmem>>, vector<16xf32>,
        %add3A_2125 = arith.constant 32 : i32
        %add3A_2126 = arith.addi %add3A_2125, %scan3A_1282 : i32
        %get3A_2127 = arith.index_cast %add3A_2126 : i32 to index
        %get3A_2128 = arith.constant 96 : index
        %get3A_2129 = tpu.vector_load %arg18[%get3A_2127, %get3A_2128] {strides = array<i32>} : memref<64x768xf32, #tpu.memory_space<vmem>>, vector<16xf32>,
        %add3A_2130 = arith.constant 32 : i32
        %add3A_2131 = arith.addi %add3A_2130, %scan3A_1282 : i32
        %get3A_2132 = arith.index_cast %add3A_2131 : i32 to index
        %get3A_2133 = arith.constant 480 : index
        %get3A_2134 = tpu.vector_load %arg18[%get3A_2132, %get3A_2133] {strides = array<i32>} : memref<64x768xf32, #tpu.memory_space<vmem>>, vector<16xf32>,
        %mul3A_2135 = arith.mulf %gather3A_1920, %get3A_2121 : vector<16xf32>
        %mul3A_2136 = arith.mulf %gather3A_1934, %get3A_2124 : vector<16xf32>
        %add3A_2137 = arith.addf %mul3A_2135, %mul3A_2136 : vector<16xf32>
        %mul3A_2138 = arith.mulf %gather3A_1948, %get3A_2129 : vector<16xf32>
        %add3A_2139 = arith.addf %add3A_2137, %mul3A_2138 : vector<16xf32>
        %mul3A_2140 = arith.mulf %gather3A_1962, %get3A_2134 : vector<16xf32>
        %add3A_2141 = arith.addf %add3A_2139, %mul3A_2140 : vector<16xf32>
        %add3A_2142 = arith.constant 387 : i32
        %add3A_2143 = vector.broadcast %add3A_2142 : i32 to vector<16xi32>
        %add3A_2144 = arith.addi %iota3A, %add3A_2143 : vector<16xi32>
        tpu.vector_store_idx %arg19[%broadcast_in_dim3A_1327, %add3A_2144], %add3A_2141 : memref<32x675xf32, #tpu.memory_space<vmem>>[vector<16xi32>, vector<16xi32>], vector<16xf32>,
        %get3A_2145 = arith.index_cast %scan3A_1282 : i32 to index
        %get3A_2146 = arith.constant 112 : index
        %get3A_2147 = tpu.vector_load %arg18[%get3A_2145, %get3A_2146] {strides = array<i32>} : memref<64x768xf32, #tpu.memory_space<vmem>>, vector<16xf32>,
        %get3A_2148 = arith.index_cast %scan3A_1282 : i32 to index
        %get3A_2149 = arith.constant 496 : index
        %get3A_2150 = tpu.vector_load %arg18[%get3A_2148, %get3A_2149] {strides = array<i32>} : memref<64x768xf32, #tpu.memory_space<vmem>>, vector<16xf32>,
        %add3A_2151 = arith.constant 32 : i32
        %add3A_2152 = arith.addi %add3A_2151, %scan3A_1282 : i32
        %get3A_2153 = arith.index_cast %add3A_2152 : i32 to index
        %get3A_2154 = arith.constant 112 : index
        %get3A_2155 = tpu.vector_load %arg18[%get3A_2153, %get3A_2154] {strides = array<i32>} : memref<64x768xf32, #tpu.memory_space<vmem>>, vector<16xf32>,
        %add3A_2156 = arith.constant 32 : i32
        %add3A_2157 = arith.addi %add3A_2156, %scan3A_1282 : i32
        %get3A_2158 = arith.index_cast %add3A_2157 : i32 to index
        %get3A_2159 = arith.constant 496 : index
        %get3A_2160 = tpu.vector_load %arg18[%get3A_2158, %get3A_2159] {strides = array<i32>} : memref<64x768xf32, #tpu.memory_space<vmem>>, vector<16xf32>,
        %mul3A_2161 = arith.mulf %gather3A_1920, %get3A_2147 : vector<16xf32>
        %mul3A_2162 = arith.mulf %gather3A_1934, %get3A_2150 : vector<16xf32>
        %add3A_2163 = arith.addf %mul3A_2161, %mul3A_2162 : vector<16xf32>
        %mul3A_2164 = arith.mulf %gather3A_1948, %get3A_2155 : vector<16xf32>
        %add3A_2165 = arith.addf %add3A_2163, %mul3A_2164 : vector<16xf32>
        %mul3A_2166 = arith.mulf %gather3A_1962, %get3A_2160 : vector<16xf32>
        %add3A_2167 = arith.addf %add3A_2165, %mul3A_2166 : vector<16xf32>
        %add3A_2168 = arith.constant 403 : i32
        %add3A_2169 = vector.broadcast %add3A_2168 : i32 to vector<16xi32>
        %add3A_2170 = arith.addi %iota3A, %add3A_2169 : vector<16xi32>
        tpu.vector_store_idx %arg19[%broadcast_in_dim3A_1327, %add3A_2170], %add3A_2167 : memref<32x675xf32, #tpu.memory_space<vmem>>[vector<16xi32>, vector<16xi32>], vector<16xf32>,
        %get3A_2171 = arith.index_cast %scan3A_1282 : i32 to index
        %get3A_2172 = arith.constant 128 : index
        %get3A_2173 = tpu.vector_load %arg18[%get3A_2171, %get3A_2172] {strides = array<i32>} : memref<64x768xf32, #tpu.memory_space<vmem>>, vector<16xf32>,
        %get3A_2174 = arith.index_cast %scan3A_1282 : i32 to index
        %get3A_2175 = arith.constant 512 : index
        %get3A_2176 = tpu.vector_load %arg18[%get3A_2174, %get3A_2175] {strides = array<i32>} : memref<64x768xf32, #tpu.memory_space<vmem>>, vector<16xf32>,
        %add3A_2177 = arith.constant 32 : i32
        %add3A_2178 = arith.addi %add3A_2177, %scan3A_1282 : i32
        %get3A_2179 = arith.index_cast %add3A_2178 : i32 to index
        %get3A_2180 = arith.constant 128 : index
        %get3A_2181 = tpu.vector_load %arg18[%get3A_2179, %get3A_2180] {strides = array<i32>} : memref<64x768xf32, #tpu.memory_space<vmem>>, vector<16xf32>,
        %add3A_2182 = arith.constant 32 : i32
        %add3A_2183 = arith.addi %add3A_2182, %scan3A_1282 : i32
        %get3A_2184 = arith.index_cast %add3A_2183 : i32 to index
        %get3A_2185 = arith.constant 512 : index
        %get3A_2186 = tpu.vector_load %arg18[%get3A_2184, %get3A_2185] {strides = array<i32>} : memref<64x768xf32, #tpu.memory_space<vmem>>, vector<16xf32>,
        %mul3A_2187 = arith.mulf %gather3A_1920, %get3A_2173 : vector<16xf32>
        %mul3A_2188 = arith.mulf %gather3A_1934, %get3A_2176 : vector<16xf32>
        %add3A_2189 = arith.addf %mul3A_2187, %mul3A_2188 : vector<16xf32>
        %mul3A_2190 = arith.mulf %gather3A_1948, %get3A_2181 : vector<16xf32>
        %add3A_2191 = arith.addf %add3A_2189, %mul3A_2190 : vector<16xf32>
        %mul3A_2192 = arith.mulf %gather3A_1962, %get3A_2186 : vector<16xf32>
        %add3A_2193 = arith.addf %add3A_2191, %mul3A_2192 : vector<16xf32>
        %add3A_2194 = arith.constant 419 : i32
        %add3A_2195 = vector.broadcast %add3A_2194 : i32 to vector<16xi32>
        %add3A_2196 = arith.addi %iota3A, %add3A_2195 : vector<16xi32>
        tpu.vector_store_idx %arg19[%broadcast_in_dim3A_1327, %add3A_2196], %add3A_2193 : memref<32x675xf32, #tpu.memory_space<vmem>>[vector<16xi32>, vector<16xi32>], vector<16xf32>,
        %get3A_2197 = arith.index_cast %scan3A_1282 : i32 to index
        %get3A_2198 = arith.constant 144 : index
        %get3A_2199 = tpu.vector_load %arg18[%get3A_2197, %get3A_2198] {strides = array<i32>} : memref<64x768xf32, #tpu.memory_space<vmem>>, vector<16xf32>,
        %get3A_2200 = arith.index_cast %scan3A_1282 : i32 to index
        %get3A_2201 = arith.constant 528 : index
        %get3A_2202 = tpu.vector_load %arg18[%get3A_2200, %get3A_2201] {strides = array<i32>} : memref<64x768xf32, #tpu.memory_space<vmem>>, vector<16xf32>,
        %add3A_2203 = arith.constant 32 : i32
        %add3A_2204 = arith.addi %add3A_2203, %scan3A_1282 : i32
        %get3A_2205 = arith.index_cast %add3A_2204 : i32 to index
        %get3A_2206 = arith.constant 144 : index
        %get3A_2207 = tpu.vector_load %arg18[%get3A_2205, %get3A_2206] {strides = array<i32>} : memref<64x768xf32, #tpu.memory_space<vmem>>, vector<16xf32>,
        %add3A_2208 = arith.constant 32 : i32
        %add3A_2209 = arith.addi %add3A_2208, %scan3A_1282 : i32
        %get3A_2210 = arith.index_cast %add3A_2209 : i32 to index
        %get3A_2211 = arith.constant 528 : index
        %get3A_2212 = tpu.vector_load %arg18[%get3A_2210, %get3A_2211] {strides = array<i32>} : memref<64x768xf32, #tpu.memory_space<vmem>>, vector<16xf32>,
        %mul3A_2213 = arith.mulf %gather3A_1920, %get3A_2199 : vector<16xf32>
        %mul3A_2214 = arith.mulf %gather3A_1934, %get3A_2202 : vector<16xf32>
        %add3A_2215 = arith.addf %mul3A_2213, %mul3A_2214 : vector<16xf32>
        %mul3A_2216 = arith.mulf %gather3A_1948, %get3A_2207 : vector<16xf32>
        %add3A_2217 = arith.addf %add3A_2215, %mul3A_2216 : vector<16xf32>
        %mul3A_2218 = arith.mulf %gather3A_1962, %get3A_2212 : vector<16xf32>
        %add3A_2219 = arith.addf %add3A_2217, %mul3A_2218 : vector<16xf32>
        %add3A_2220 = arith.constant 435 : i32
        %add3A_2221 = vector.broadcast %add3A_2220 : i32 to vector<16xi32>
        %add3A_2222 = arith.addi %iota3A, %add3A_2221 : vector<16xi32>
        tpu.vector_store_idx %arg19[%broadcast_in_dim3A_1327, %add3A_2222], %add3A_2219 : memref<32x675xf32, #tpu.memory_space<vmem>>[vector<16xi32>, vector<16xi32>], vector<16xf32>,
        %get3A_2223 = arith.index_cast %scan3A_1282 : i32 to index
        %get3A_2224 = arith.constant 160 : index
        %get3A_2225 = tpu.vector_load %arg18[%get3A_2223, %get3A_2224] {strides = array<i32>} : memref<64x768xf32, #tpu.memory_space<vmem>>, vector<16xf32>,
        %get3A_2226 = arith.index_cast %scan3A_1282 : i32 to index
        %get3A_2227 = arith.constant 544 : index
        %get3A_2228 = tpu.vector_load %arg18[%get3A_2226, %get3A_2227] {strides = array<i32>} : memref<64x768xf32, #tpu.memory_space<vmem>>, vector<16xf32>,
        %add3A_2229 = arith.constant 32 : i32
        %add3A_2230 = arith.addi %add3A_2229, %scan3A_1282 : i32
        %get3A_2231 = arith.index_cast %add3A_2230 : i32 to index
        %get3A_2232 = arith.constant 160 : index
        %get3A_2233 = tpu.vector_load %arg18[%get3A_2231, %get3A_2232] {strides = array<i32>} : memref<64x768xf32, #tpu.memory_space<vmem>>, vector<16xf32>,
        %add3A_2234 = arith.constant 32 : i32
        %add3A_2235 = arith.addi %add3A_2234, %scan3A_1282 : i32
        %get3A_2236 = arith.index_cast %add3A_2235 : i32 to index
        %get3A_2237 = arith.constant 544 : index
        %get3A_2238 = tpu.vector_load %arg18[%get3A_2236, %get3A_2237] {strides = array<i32>} : memref<64x768xf32, #tpu.memory_space<vmem>>, vector<16xf32>,
        %mul3A_2239 = arith.mulf %gather3A_1920, %get3A_2225 : vector<16xf32>
        %mul3A_2240 = arith.mulf %gather3A_1934, %get3A_2228 : vector<16xf32>
        %add3A_2241 = arith.addf %mul3A_2239, %mul3A_2240 : vector<16xf32>
        %mul3A_2242 = arith.mulf %gather3A_1948, %get3A_2233 : vector<16xf32>
        %add3A_2243 = arith.addf %add3A_2241, %mul3A_2242 : vector<16xf32>
        %mul3A_2244 = arith.mulf %gather3A_1962, %get3A_2238 : vector<16xf32>
        %add3A_2245 = arith.addf %add3A_2243, %mul3A_2244 : vector<16xf32>
        %add3A_2246 = arith.constant 451 : i32
        %add3A_2247 = vector.broadcast %add3A_2246 : i32 to vector<16xi32>
        %add3A_2248 = arith.addi %iota3A, %add3A_2247 : vector<16xi32>
        tpu.vector_store_idx %arg19[%broadcast_in_dim3A_1327, %add3A_2248], %add3A_2245 : memref<32x675xf32, #tpu.memory_space<vmem>>[vector<16xi32>, vector<16xi32>], vector<16xf32>,
        %get3A_2249 = arith.index_cast %scan3A_1282 : i32 to index
        %get3A_2250 = arith.constant 176 : index
        %get3A_2251 = tpu.vector_load %arg18[%get3A_2249, %get3A_2250] {strides = array<i32>} : memref<64x768xf32, #tpu.memory_space<vmem>>, vector<16xf32>,
        %get3A_2252 = arith.index_cast %scan3A_1282 : i32 to index
        %get3A_2253 = arith.constant 560 : index
        %get3A_2254 = tpu.vector_load %arg18[%get3A_2252, %get3A_2253] {strides = array<i32>} : memref<64x768xf32, #tpu.memory_space<vmem>>, vector<16xf32>,
        %add3A_2255 = arith.constant 32 : i32
        %add3A_2256 = arith.addi %add3A_2255, %scan3A_1282 : i32
        %get3A_2257 = arith.index_cast %add3A_2256 : i32 to index
        %get3A_2258 = arith.constant 176 : index
        %get3A_2259 = tpu.vector_load %arg18[%get3A_2257, %get3A_2258] {strides = array<i32>} : memref<64x768xf32, #tpu.memory_space<vmem>>, vector<16xf32>,
        %add3A_2260 = arith.constant 32 : i32
        %add3A_2261 = arith.addi %add3A_2260, %scan3A_1282 : i32
        %get3A_2262 = arith.index_cast %add3A_2261 : i32 to index
        %get3A_2263 = arith.constant 560 : index
        %get3A_2264 = tpu.vector_load %arg18[%get3A_2262, %get3A_2263] {strides = array<i32>} : memref<64x768xf32, #tpu.memory_space<vmem>>, vector<16xf32>,
        %mul3A_2265 = arith.mulf %gather3A_1920, %get3A_2251 : vector<16xf32>
        %mul3A_2266 = arith.mulf %gather3A_1934, %get3A_2254 : vector<16xf32>
        %add3A_2267 = arith.addf %mul3A_2265, %mul3A_2266 : vector<16xf32>
        %mul3A_2268 = arith.mulf %gather3A_1948, %get3A_2259 : vector<16xf32>
        %add3A_2269 = arith.addf %add3A_2267, %mul3A_2268 : vector<16xf32>
        %mul3A_2270 = arith.mulf %gather3A_1962, %get3A_2264 : vector<16xf32>
        %add3A_2271 = arith.addf %add3A_2269, %mul3A_2270 : vector<16xf32>
        %add3A_2272 = arith.constant 467 : i32
        %add3A_2273 = vector.broadcast %add3A_2272 : i32 to vector<16xi32>
        %add3A_2274 = arith.addi %iota3A, %add3A_2273 : vector<16xi32>
        tpu.vector_store_idx %arg19[%broadcast_in_dim3A_1327, %add3A_2274], %add3A_2271 : memref<32x675xf32, #tpu.memory_space<vmem>>[vector<16xi32>, vector<16xi32>], vector<16xf32>,
        %get3A_2275 = arith.index_cast %scan3A_1282 : i32 to index
        %get3A_2276 = arith.constant 192 : index
        %get3A_2277 = tpu.vector_load %arg18[%get3A_2275, %get3A_2276] {strides = array<i32>} : memref<64x768xf32, #tpu.memory_space<vmem>>, vector<16xf32>,
        %get3A_2278 = arith.index_cast %scan3A_1282 : i32 to index
        %get3A_2279 = arith.constant 576 : index
        %get3A_2280 = tpu.vector_load %arg18[%get3A_2278, %get3A_2279] {strides = array<i32>} : memref<64x768xf32, #tpu.memory_space<vmem>>, vector<16xf32>,
        %add3A_2281 = arith.constant 32 : i32
        %add3A_2282 = arith.addi %add3A_2281, %scan3A_1282 : i32
        %get3A_2283 = arith.index_cast %add3A_2282 : i32 to index
        %get3A_2284 = arith.constant 192 : index
        %get3A_2285 = tpu.vector_load %arg18[%get3A_2283, %get3A_2284] {strides = array<i32>} : memref<64x768xf32, #tpu.memory_space<vmem>>, vector<16xf32>,
        %add3A_2286 = arith.constant 32 : i32
        %add3A_2287 = arith.addi %add3A_2286, %scan3A_1282 : i32
        %get3A_2288 = arith.index_cast %add3A_2287 : i32 to index
        %get3A_2289 = arith.constant 576 : index
        %get3A_2290 = tpu.vector_load %arg18[%get3A_2288, %get3A_2289] {strides = array<i32>} : memref<64x768xf32, #tpu.memory_space<vmem>>, vector<16xf32>,
        %mul3A_2291 = arith.mulf %gather3A_1920, %get3A_2277 : vector<16xf32>
        %mul3A_2292 = arith.mulf %gather3A_1934, %get3A_2280 : vector<16xf32>
        %add3A_2293 = arith.addf %mul3A_2291, %mul3A_2292 : vector<16xf32>
        %mul3A_2294 = arith.mulf %gather3A_1948, %get3A_2285 : vector<16xf32>
        %add3A_2295 = arith.addf %add3A_2293, %mul3A_2294 : vector<16xf32>
        %mul3A_2296 = arith.mulf %gather3A_1962, %get3A_2290 : vector<16xf32>
        %add3A_2297 = arith.addf %add3A_2295, %mul3A_2296 : vector<16xf32>
        %add3A_2298 = arith.constant 483 : i32
        %add3A_2299 = vector.broadcast %add3A_2298 : i32 to vector<16xi32>
        %add3A_2300 = arith.addi %iota3A, %add3A_2299 : vector<16xi32>
        tpu.vector_store_idx %arg19[%broadcast_in_dim3A_1327, %add3A_2300], %add3A_2297 : memref<32x675xf32, #tpu.memory_space<vmem>>[vector<16xi32>, vector<16xi32>], vector<16xf32>,
        %get3A_2301 = arith.index_cast %scan3A_1282 : i32 to index
        %get3A_2302 = arith.constant 208 : index
        %get3A_2303 = tpu.vector_load %arg18[%get3A_2301, %get3A_2302] {strides = array<i32>} : memref<64x768xf32, #tpu.memory_space<vmem>>, vector<16xf32>,
        %get3A_2304 = arith.index_cast %scan3A_1282 : i32 to index
        %get3A_2305 = arith.constant 592 : index
        %get3A_2306 = tpu.vector_load %arg18[%get3A_2304, %get3A_2305] {strides = array<i32>} : memref<64x768xf32, #tpu.memory_space<vmem>>, vector<16xf32>,
        %add3A_2307 = arith.constant 32 : i32
        %add3A_2308 = arith.addi %add3A_2307, %scan3A_1282 : i32
        %get3A_2309 = arith.index_cast %add3A_2308 : i32 to index
        %get3A_2310 = arith.constant 208 : index
        %get3A_2311 = tpu.vector_load %arg18[%get3A_2309, %get3A_2310] {strides = array<i32>} : memref<64x768xf32, #tpu.memory_space<vmem>>, vector<16xf32>,
        %add3A_2312 = arith.constant 32 : i32
        %add3A_2313 = arith.addi %add3A_2312, %scan3A_1282 : i32
        %get3A_2314 = arith.index_cast %add3A_2313 : i32 to index
        %get3A_2315 = arith.constant 592 : index
        %get3A_2316 = tpu.vector_load %arg18[%get3A_2314, %get3A_2315] {strides = array<i32>} : memref<64x768xf32, #tpu.memory_space<vmem>>, vector<16xf32>,
        %mul3A_2317 = arith.mulf %gather3A_1920, %get3A_2303 : vector<16xf32>
        %mul3A_2318 = arith.mulf %gather3A_1934, %get3A_2306 : vector<16xf32>
        %add3A_2319 = arith.addf %mul3A_2317, %mul3A_2318 : vector<16xf32>
        %mul3A_2320 = arith.mulf %gather3A_1948, %get3A_2311 : vector<16xf32>
        %add3A_2321 = arith.addf %add3A_2319, %mul3A_2320 : vector<16xf32>
        %mul3A_2322 = arith.mulf %gather3A_1962, %get3A_2316 : vector<16xf32>
        %add3A_2323 = arith.addf %add3A_2321, %mul3A_2322 : vector<16xf32>
        %add3A_2324 = arith.constant 499 : i32
        %add3A_2325 = vector.broadcast %add3A_2324 : i32 to vector<16xi32>
        %add3A_2326 = arith.addi %iota3A, %add3A_2325 : vector<16xi32>
        tpu.vector_store_idx %arg19[%broadcast_in_dim3A_1327, %add3A_2326], %add3A_2323 : memref<32x675xf32, #tpu.memory_space<vmem>>[vector<16xi32>, vector<16xi32>], vector<16xf32>,
        %get3A_2327 = arith.index_cast %scan3A_1282 : i32 to index
        %get3A_2328 = arith.constant 224 : index
        %get3A_2329 = tpu.vector_load %arg18[%get3A_2327, %get3A_2328] {strides = array<i32>} : memref<64x768xf32, #tpu.memory_space<vmem>>, vector<16xf32>,
        %get3A_2330 = arith.index_cast %scan3A_1282 : i32 to index
        %get3A_2331 = arith.constant 608 : index
        %get3A_2332 = tpu.vector_load %arg18[%get3A_2330, %get3A_2331] {strides = array<i32>} : memref<64x768xf32, #tpu.memory_space<vmem>>, vector<16xf32>,
        %add3A_2333 = arith.constant 32 : i32
        %add3A_2334 = arith.addi %add3A_2333, %scan3A_1282 : i32
        %get3A_2335 = arith.index_cast %add3A_2334 : i32 to index
        %get3A_2336 = arith.constant 224 : index
        %get3A_2337 = tpu.vector_load %arg18[%get3A_2335, %get3A_2336] {strides = array<i32>} : memref<64x768xf32, #tpu.memory_space<vmem>>, vector<16xf32>,
        %add3A_2338 = arith.constant 32 : i32
        %add3A_2339 = arith.addi %add3A_2338, %scan3A_1282 : i32
        %get3A_2340 = arith.index_cast %add3A_2339 : i32 to index
        %get3A_2341 = arith.constant 608 : index
        %get3A_2342 = tpu.vector_load %arg18[%get3A_2340, %get3A_2341] {strides = array<i32>} : memref<64x768xf32, #tpu.memory_space<vmem>>, vector<16xf32>,
        %mul3A_2343 = arith.mulf %gather3A_1920, %get3A_2329 : vector<16xf32>
        %mul3A_2344 = arith.mulf %gather3A_1934, %get3A_2332 : vector<16xf32>
        %add3A_2345 = arith.addf %mul3A_2343, %mul3A_2344 : vector<16xf32>
        %mul3A_2346 = arith.mulf %gather3A_1948, %get3A_2337 : vector<16xf32>
        %add3A_2347 = arith.addf %add3A_2345, %mul3A_2346 : vector<16xf32>
        %mul3A_2348 = arith.mulf %gather3A_1962, %get3A_2342 : vector<16xf32>
        %add3A_2349 = arith.addf %add3A_2347, %mul3A_2348 : vector<16xf32>
        %add3A_2350 = arith.constant 515 : i32
        %add3A_2351 = vector.broadcast %add3A_2350 : i32 to vector<16xi32>
        %add3A_2352 = arith.addi %iota3A, %add3A_2351 : vector<16xi32>
        tpu.vector_store_idx %arg19[%broadcast_in_dim3A_1327, %add3A_2352], %add3A_2349 : memref<32x675xf32, #tpu.memory_space<vmem>>[vector<16xi32>, vector<16xi32>], vector<16xf32>,
        %get3A_2353 = arith.index_cast %scan3A_1282 : i32 to index
        %get3A_2354 = arith.constant 240 : index
        %get3A_2355 = tpu.vector_load %arg18[%get3A_2353, %get3A_2354] {strides = array<i32>} : memref<64x768xf32, #tpu.memory_space<vmem>>, vector<16xf32>,
        %get3A_2356 = arith.index_cast %scan3A_1282 : i32 to index
        %get3A_2357 = arith.constant 624 : index
        %get3A_2358 = tpu.vector_load %arg18[%get3A_2356, %get3A_2357] {strides = array<i32>} : memref<64x768xf32, #tpu.memory_space<vmem>>, vector<16xf32>,
        %add3A_2359 = arith.constant 32 : i32
        %add3A_2360 = arith.addi %add3A_2359, %scan3A_1282 : i32
        %get3A_2361 = arith.index_cast %add3A_2360 : i32 to index
        %get3A_2362 = arith.constant 240 : index
        %get3A_2363 = tpu.vector_load %arg18[%get3A_2361, %get3A_2362] {strides = array<i32>} : memref<64x768xf32, #tpu.memory_space<vmem>>, vector<16xf32>,
        %add3A_2364 = arith.constant 32 : i32
        %add3A_2365 = arith.addi %add3A_2364, %scan3A_1282 : i32
        %get3A_2366 = arith.index_cast %add3A_2365 : i32 to index
        %get3A_2367 = arith.constant 624 : index
        %get3A_2368 = tpu.vector_load %arg18[%get3A_2366, %get3A_2367] {strides = array<i32>} : memref<64x768xf32, #tpu.memory_space<vmem>>, vector<16xf32>,
        %mul3A_2369 = arith.mulf %gather3A_1920, %get3A_2355 : vector<16xf32>
        %mul3A_2370 = arith.mulf %gather3A_1934, %get3A_2358 : vector<16xf32>
        %add3A_2371 = arith.addf %mul3A_2369, %mul3A_2370 : vector<16xf32>
        %mul3A_2372 = arith.mulf %gather3A_1948, %get3A_2363 : vector<16xf32>
        %add3A_2373 = arith.addf %add3A_2371, %mul3A_2372 : vector<16xf32>
        %mul3A_2374 = arith.mulf %gather3A_1962, %get3A_2368 : vector<16xf32>
        %add3A_2375 = arith.addf %add3A_2373, %mul3A_2374 : vector<16xf32>
        %add3A_2376 = arith.constant 531 : i32
        %add3A_2377 = vector.broadcast %add3A_2376 : i32 to vector<16xi32>
        %add3A_2378 = arith.addi %iota3A, %add3A_2377 : vector<16xi32>
        tpu.vector_store_idx %arg19[%broadcast_in_dim3A_1327, %add3A_2378], %add3A_2375 : memref<32x675xf32, #tpu.memory_space<vmem>>[vector<16xi32>, vector<16xi32>], vector<16xf32>,
        %get3A_2379 = arith.index_cast %scan3A_1282 : i32 to index
        %get3A_2380 = arith.constant 256 : index
        %get3A_2381 = tpu.vector_load %arg18[%get3A_2379, %get3A_2380] {strides = array<i32>} : memref<64x768xf32, #tpu.memory_space<vmem>>, vector<16xf32>,
        %get3A_2382 = arith.index_cast %scan3A_1282 : i32 to index
        %get3A_2383 = arith.constant 640 : index
        %get3A_2384 = tpu.vector_load %arg18[%get3A_2382, %get3A_2383] {strides = array<i32>} : memref<64x768xf32, #tpu.memory_space<vmem>>, vector<16xf32>,
        %add3A_2385 = arith.constant 32 : i32
        %add3A_2386 = arith.addi %add3A_2385, %scan3A_1282 : i32
        %get3A_2387 = arith.index_cast %add3A_2386 : i32 to index
        %get3A_2388 = arith.constant 256 : index
        %get3A_2389 = tpu.vector_load %arg18[%get3A_2387, %get3A_2388] {strides = array<i32>} : memref<64x768xf32, #tpu.memory_space<vmem>>, vector<16xf32>,
        %add3A_2390 = arith.constant 32 : i32
        %add3A_2391 = arith.addi %add3A_2390, %scan3A_1282 : i32
        %get3A_2392 = arith.index_cast %add3A_2391 : i32 to index
        %get3A_2393 = arith.constant 640 : index
        %get3A_2394 = tpu.vector_load %arg18[%get3A_2392, %get3A_2393] {strides = array<i32>} : memref<64x768xf32, #tpu.memory_space<vmem>>, vector<16xf32>,
        %mul3A_2395 = arith.mulf %gather3A_1920, %get3A_2381 : vector<16xf32>
        %mul3A_2396 = arith.mulf %gather3A_1934, %get3A_2384 : vector<16xf32>
        %add3A_2397 = arith.addf %mul3A_2395, %mul3A_2396 : vector<16xf32>
        %mul3A_2398 = arith.mulf %gather3A_1948, %get3A_2389 : vector<16xf32>
        %add3A_2399 = arith.addf %add3A_2397, %mul3A_2398 : vector<16xf32>
        %mul3A_2400 = arith.mulf %gather3A_1962, %get3A_2394 : vector<16xf32>
        %add3A_2401 = arith.addf %add3A_2399, %mul3A_2400 : vector<16xf32>
        %add3A_2402 = arith.constant 547 : i32
        %add3A_2403 = vector.broadcast %add3A_2402 : i32 to vector<16xi32>
        %add3A_2404 = arith.addi %iota3A, %add3A_2403 : vector<16xi32>
        tpu.vector_store_idx %arg19[%broadcast_in_dim3A_1327, %add3A_2404], %add3A_2401 : memref<32x675xf32, #tpu.memory_space<vmem>>[vector<16xi32>, vector<16xi32>], vector<16xf32>,
        %get3A_2405 = arith.index_cast %scan3A_1282 : i32 to index
        %get3A_2406 = arith.constant 272 : index
        %get3A_2407 = tpu.vector_load %arg18[%get3A_2405, %get3A_2406] {strides = array<i32>} : memref<64x768xf32, #tpu.memory_space<vmem>>, vector<16xf32>,
        %get3A_2408 = arith.index_cast %scan3A_1282 : i32 to index
        %get3A_2409 = arith.constant 656 : index
        %get3A_2410 = tpu.vector_load %arg18[%get3A_2408, %get3A_2409] {strides = array<i32>} : memref<64x768xf32, #tpu.memory_space<vmem>>, vector<16xf32>,
        %add3A_2411 = arith.constant 32 : i32
        %add3A_2412 = arith.addi %add3A_2411, %scan3A_1282 : i32
        %get3A_2413 = arith.index_cast %add3A_2412 : i32 to index
        %get3A_2414 = arith.constant 272 : index
        %get3A_2415 = tpu.vector_load %arg18[%get3A_2413, %get3A_2414] {strides = array<i32>} : memref<64x768xf32, #tpu.memory_space<vmem>>, vector<16xf32>,
        %add3A_2416 = arith.constant 32 : i32
        %add3A_2417 = arith.addi %add3A_2416, %scan3A_1282 : i32
        %get3A_2418 = arith.index_cast %add3A_2417 : i32 to index
        %get3A_2419 = arith.constant 656 : index
        %get3A_2420 = tpu.vector_load %arg18[%get3A_2418, %get3A_2419] {strides = array<i32>} : memref<64x768xf32, #tpu.memory_space<vmem>>, vector<16xf32>,
        %mul3A_2421 = arith.mulf %gather3A_1920, %get3A_2407 : vector<16xf32>
        %mul3A_2422 = arith.mulf %gather3A_1934, %get3A_2410 : vector<16xf32>
        %add3A_2423 = arith.addf %mul3A_2421, %mul3A_2422 : vector<16xf32>
        %mul3A_2424 = arith.mulf %gather3A_1948, %get3A_2415 : vector<16xf32>
        %add3A_2425 = arith.addf %add3A_2423, %mul3A_2424 : vector<16xf32>
        %mul3A_2426 = arith.mulf %gather3A_1962, %get3A_2420 : vector<16xf32>
        %add3A_2427 = arith.addf %add3A_2425, %mul3A_2426 : vector<16xf32>
        %add3A_2428 = arith.constant 563 : i32
        %add3A_2429 = vector.broadcast %add3A_2428 : i32 to vector<16xi32>
        %add3A_2430 = arith.addi %iota3A, %add3A_2429 : vector<16xi32>
        tpu.vector_store_idx %arg19[%broadcast_in_dim3A_1327, %add3A_2430], %add3A_2427 : memref<32x675xf32, #tpu.memory_space<vmem>>[vector<16xi32>, vector<16xi32>], vector<16xf32>,
        %get3A_2431 = arith.index_cast %scan3A_1282 : i32 to index
        %get3A_2432 = arith.constant 288 : index
        %get3A_2433 = tpu.vector_load %arg18[%get3A_2431, %get3A_2432] {strides = array<i32>} : memref<64x768xf32, #tpu.memory_space<vmem>>, vector<16xf32>,
        %get3A_2434 = arith.index_cast %scan3A_1282 : i32 to index
        %get3A_2435 = arith.constant 672 : index
        %get3A_2436 = tpu.vector_load %arg18[%get3A_2434, %get3A_2435] {strides = array<i32>} : memref<64x768xf32, #tpu.memory_space<vmem>>, vector<16xf32>,
        %add3A_2437 = arith.constant 32 : i32
        %add3A_2438 = arith.addi %add3A_2437, %scan3A_1282 : i32
        %get3A_2439 = arith.index_cast %add3A_2438 : i32 to index
        %get3A_2440 = arith.constant 288 : index
        %get3A_2441 = tpu.vector_load %arg18[%get3A_2439, %get3A_2440] {strides = array<i32>} : memref<64x768xf32, #tpu.memory_space<vmem>>, vector<16xf32>,
        %add3A_2442 = arith.constant 32 : i32
        %add3A_2443 = arith.addi %add3A_2442, %scan3A_1282 : i32
        %get3A_2444 = arith.index_cast %add3A_2443 : i32 to index
        %get3A_2445 = arith.constant 672 : index
        %get3A_2446 = tpu.vector_load %arg18[%get3A_2444, %get3A_2445] {strides = array<i32>} : memref<64x768xf32, #tpu.memory_space<vmem>>, vector<16xf32>,
        %mul3A_2447 = arith.mulf %gather3A_1920, %get3A_2433 : vector<16xf32>
        %mul3A_2448 = arith.mulf %gather3A_1934, %get3A_2436 : vector<16xf32>
        %add3A_2449 = arith.addf %mul3A_2447, %mul3A_2448 : vector<16xf32>
        %mul3A_2450 = arith.mulf %gather3A_1948, %get3A_2441 : vector<16xf32>
        %add3A_2451 = arith.addf %add3A_2449, %mul3A_2450 : vector<16xf32>
        %mul3A_2452 = arith.mulf %gather3A_1962, %get3A_2446 : vector<16xf32>
        %add3A_2453 = arith.addf %add3A_2451, %mul3A_2452 : vector<16xf32>
        %add3A_2454 = arith.constant 579 : i32
        %add3A_2455 = vector.broadcast %add3A_2454 : i32 to vector<16xi32>
        %add3A_2456 = arith.addi %iota3A, %add3A_2455 : vector<16xi32>
        tpu.vector_store_idx %arg19[%broadcast_in_dim3A_1327, %add3A_2456], %add3A_2453 : memref<32x675xf32, #tpu.memory_space<vmem>>[vector<16xi32>, vector<16xi32>], vector<16xf32>,
        %get3A_2457 = arith.index_cast %scan3A_1282 : i32 to index
        %get3A_2458 = arith.constant 304 : index
        %get3A_2459 = tpu.vector_load %arg18[%get3A_2457, %get3A_2458] {strides = array<i32>} : memref<64x768xf32, #tpu.memory_space<vmem>>, vector<16xf32>,
        %get3A_2460 = arith.index_cast %scan3A_1282 : i32 to index
        %get3A_2461 = arith.constant 688 : index
        %get3A_2462 = tpu.vector_load %arg18[%get3A_2460, %get3A_2461] {strides = array<i32>} : memref<64x768xf32, #tpu.memory_space<vmem>>, vector<16xf32>,
        %add3A_2463 = arith.constant 32 : i32
        %add3A_2464 = arith.addi %add3A_2463, %scan3A_1282 : i32
        %get3A_2465 = arith.index_cast %add3A_2464 : i32 to index
        %get3A_2466 = arith.constant 304 : index
        %get3A_2467 = tpu.vector_load %arg18[%get3A_2465, %get3A_2466] {strides = array<i32>} : memref<64x768xf32, #tpu.memory_space<vmem>>, vector<16xf32>,
        %add3A_2468 = arith.constant 32 : i32
        %add3A_2469 = arith.addi %add3A_2468, %scan3A_1282 : i32
        %get3A_2470 = arith.index_cast %add3A_2469 : i32 to index
        %get3A_2471 = arith.constant 688 : index
        %get3A_2472 = tpu.vector_load %arg18[%get3A_2470, %get3A_2471] {strides = array<i32>} : memref<64x768xf32, #tpu.memory_space<vmem>>, vector<16xf32>,
        %mul3A_2473 = arith.mulf %gather3A_1920, %get3A_2459 : vector<16xf32>
        %mul3A_2474 = arith.mulf %gather3A_1934, %get3A_2462 : vector<16xf32>
        %add3A_2475 = arith.addf %mul3A_2473, %mul3A_2474 : vector<16xf32>
        %mul3A_2476 = arith.mulf %gather3A_1948, %get3A_2467 : vector<16xf32>
        %add3A_2477 = arith.addf %add3A_2475, %mul3A_2476 : vector<16xf32>
        %mul3A_2478 = arith.mulf %gather3A_1962, %get3A_2472 : vector<16xf32>
        %add3A_2479 = arith.addf %add3A_2477, %mul3A_2478 : vector<16xf32>
        %add3A_2480 = arith.constant 595 : i32
        %add3A_2481 = vector.broadcast %add3A_2480 : i32 to vector<16xi32>
        %add3A_2482 = arith.addi %iota3A, %add3A_2481 : vector<16xi32>
        tpu.vector_store_idx %arg19[%broadcast_in_dim3A_1327, %add3A_2482], %add3A_2479 : memref<32x675xf32, #tpu.memory_space<vmem>>[vector<16xi32>, vector<16xi32>], vector<16xf32>,
        %get3A_2483 = arith.index_cast %scan3A_1282 : i32 to index
        %get3A_2484 = arith.constant 320 : index
        %get3A_2485 = tpu.vector_load %arg18[%get3A_2483, %get3A_2484] {strides = array<i32>} : memref<64x768xf32, #tpu.memory_space<vmem>>, vector<16xf32>,
        %get3A_2486 = arith.index_cast %scan3A_1282 : i32 to index
        %get3A_2487 = arith.constant 704 : index
        %get3A_2488 = tpu.vector_load %arg18[%get3A_2486, %get3A_2487] {strides = array<i32>} : memref<64x768xf32, #tpu.memory_space<vmem>>, vector<16xf32>,
        %add3A_2489 = arith.constant 32 : i32
        %add3A_2490 = arith.addi %add3A_2489, %scan3A_1282 : i32
        %get3A_2491 = arith.index_cast %add3A_2490 : i32 to index
        %get3A_2492 = arith.constant 320 : index
        %get3A_2493 = tpu.vector_load %arg18[%get3A_2491, %get3A_2492] {strides = array<i32>} : memref<64x768xf32, #tpu.memory_space<vmem>>, vector<16xf32>,
        %add3A_2494 = arith.constant 32 : i32
        %add3A_2495 = arith.addi %add3A_2494, %scan3A_1282 : i32
        %get3A_2496 = arith.index_cast %add3A_2495 : i32 to index
        %get3A_2497 = arith.constant 704 : index
        %get3A_2498 = tpu.vector_load %arg18[%get3A_2496, %get3A_2497] {strides = array<i32>} : memref<64x768xf32, #tpu.memory_space<vmem>>, vector<16xf32>,
        %mul3A_2499 = arith.mulf %gather3A_1920, %get3A_2485 : vector<16xf32>
        %mul3A_2500 = arith.mulf %gather3A_1934, %get3A_2488 : vector<16xf32>
        %add3A_2501 = arith.addf %mul3A_2499, %mul3A_2500 : vector<16xf32>
        %mul3A_2502 = arith.mulf %gather3A_1948, %get3A_2493 : vector<16xf32>
        %add3A_2503 = arith.addf %add3A_2501, %mul3A_2502 : vector<16xf32>
        %mul3A_2504 = arith.mulf %gather3A_1962, %get3A_2498 : vector<16xf32>
        %add3A_2505 = arith.addf %add3A_2503, %mul3A_2504 : vector<16xf32>
        %add3A_2506 = arith.constant 611 : i32
        %add3A_2507 = vector.broadcast %add3A_2506 : i32 to vector<16xi32>
        %add3A_2508 = arith.addi %iota3A, %add3A_2507 : vector<16xi32>
        tpu.vector_store_idx %arg19[%broadcast_in_dim3A_1327, %add3A_2508], %add3A_2505 : memref<32x675xf32, #tpu.memory_space<vmem>>[vector<16xi32>, vector<16xi32>], vector<16xf32>,
        %get3A_2509 = arith.index_cast %scan3A_1282 : i32 to index
        %get3A_2510 = arith.constant 336 : index
        %get3A_2511 = tpu.vector_load %arg18[%get3A_2509, %get3A_2510] {strides = array<i32>} : memref<64x768xf32, #tpu.memory_space<vmem>>, vector<16xf32>,
        %get3A_2512 = arith.index_cast %scan3A_1282 : i32 to index
        %get3A_2513 = arith.constant 720 : index
        %get3A_2514 = tpu.vector_load %arg18[%get3A_2512, %get3A_2513] {strides = array<i32>} : memref<64x768xf32, #tpu.memory_space<vmem>>, vector<16xf32>,
        %add3A_2515 = arith.constant 32 : i32
        %add3A_2516 = arith.addi %add3A_2515, %scan3A_1282 : i32
        %get3A_2517 = arith.index_cast %add3A_2516 : i32 to index
        %get3A_2518 = arith.constant 336 : index
        %get3A_2519 = tpu.vector_load %arg18[%get3A_2517, %get3A_2518] {strides = array<i32>} : memref<64x768xf32, #tpu.memory_space<vmem>>, vector<16xf32>,
        %add3A_2520 = arith.constant 32 : i32
        %add3A_2521 = arith.addi %add3A_2520, %scan3A_1282 : i32
        %get3A_2522 = arith.index_cast %add3A_2521 : i32 to index
        %get3A_2523 = arith.constant 720 : index
        %get3A_2524 = tpu.vector_load %arg18[%get3A_2522, %get3A_2523] {strides = array<i32>} : memref<64x768xf32, #tpu.memory_space<vmem>>, vector<16xf32>,
        %mul3A_2525 = arith.mulf %gather3A_1920, %get3A_2511 : vector<16xf32>
        %mul3A_2526 = arith.mulf %gather3A_1934, %get3A_2514 : vector<16xf32>
        %add3A_2527 = arith.addf %mul3A_2525, %mul3A_2526 : vector<16xf32>
        %mul3A_2528 = arith.mulf %gather3A_1948, %get3A_2519 : vector<16xf32>
        %add3A_2529 = arith.addf %add3A_2527, %mul3A_2528 : vector<16xf32>
        %mul3A_2530 = arith.mulf %gather3A_1962, %get3A_2524 : vector<16xf32>
        %add3A_2531 = arith.addf %add3A_2529, %mul3A_2530 : vector<16xf32>
        %add3A_2532 = arith.constant 627 : i32
        %add3A_2533 = vector.broadcast %add3A_2532 : i32 to vector<16xi32>
        %add3A_2534 = arith.addi %iota3A, %add3A_2533 : vector<16xi32>
        tpu.vector_store_idx %arg19[%broadcast_in_dim3A_1327, %add3A_2534], %add3A_2531 : memref<32x675xf32, #tpu.memory_space<vmem>>[vector<16xi32>, vector<16xi32>], vector<16xf32>,
        %get3A_2535 = arith.index_cast %scan3A_1282 : i32 to index
        %get3A_2536 = arith.constant 352 : index
        %get3A_2537 = tpu.vector_load %arg18[%get3A_2535, %get3A_2536] {strides = array<i32>} : memref<64x768xf32, #tpu.memory_space<vmem>>, vector<16xf32>,
        %get3A_2538 = arith.index_cast %scan3A_1282 : i32 to index
        %get3A_2539 = arith.constant 736 : index
        %get3A_2540 = tpu.vector_load %arg18[%get3A_2538, %get3A_2539] {strides = array<i32>} : memref<64x768xf32, #tpu.memory_space<vmem>>, vector<16xf32>,
        %add3A_2541 = arith.constant 32 : i32
        %add3A_2542 = arith.addi %add3A_2541, %scan3A_1282 : i32
        %get3A_2543 = arith.index_cast %add3A_2542 : i32 to index
        %get3A_2544 = arith.constant 352 : index
        %get3A_2545 = tpu.vector_load %arg18[%get3A_2543, %get3A_2544] {strides = array<i32>} : memref<64x768xf32, #tpu.memory_space<vmem>>, vector<16xf32>,
        %add3A_2546 = arith.constant 32 : i32
        %add3A_2547 = arith.addi %add3A_2546, %scan3A_1282 : i32
        %get3A_2548 = arith.index_cast %add3A_2547 : i32 to index
        %get3A_2549 = arith.constant 736 : index
        %get3A_2550 = tpu.vector_load %arg18[%get3A_2548, %get3A_2549] {strides = array<i32>} : memref<64x768xf32, #tpu.memory_space<vmem>>, vector<16xf32>,
        %mul3A_2551 = arith.mulf %gather3A_1920, %get3A_2537 : vector<16xf32>
        %mul3A_2552 = arith.mulf %gather3A_1934, %get3A_2540 : vector<16xf32>
        %add3A_2553 = arith.addf %mul3A_2551, %mul3A_2552 : vector<16xf32>
        %mul3A_2554 = arith.mulf %gather3A_1948, %get3A_2545 : vector<16xf32>
        %add3A_2555 = arith.addf %add3A_2553, %mul3A_2554 : vector<16xf32>
        %mul3A_2556 = arith.mulf %gather3A_1962, %get3A_2550 : vector<16xf32>
        %add3A_2557 = arith.addf %add3A_2555, %mul3A_2556 : vector<16xf32>
        %add3A_2558 = arith.constant 643 : i32
        %add3A_2559 = vector.broadcast %add3A_2558 : i32 to vector<16xi32>
        %add3A_2560 = arith.addi %iota3A, %add3A_2559 : vector<16xi32>
        tpu.vector_store_idx %arg19[%broadcast_in_dim3A_1327, %add3A_2560], %add3A_2557 : memref<32x675xf32, #tpu.memory_space<vmem>>[vector<16xi32>, vector<16xi32>], vector<16xf32>,
        %get3A_2561 = arith.index_cast %scan3A_1282 : i32 to index
        %get3A_2562 = arith.constant 368 : index
        %get3A_2563 = tpu.vector_load %arg18[%get3A_2561, %get3A_2562] {strides = array<i32>} : memref<64x768xf32, #tpu.memory_space<vmem>>, vector<16xf32>,
        %get3A_2564 = arith.index_cast %scan3A_1282 : i32 to index
        %get3A_2565 = arith.constant 752 : index
        %get3A_2566 = tpu.vector_load %arg18[%get3A_2564, %get3A_2565] {strides = array<i32>} : memref<64x768xf32, #tpu.memory_space<vmem>>, vector<16xf32>,
        %add3A_2567 = arith.constant 32 : i32
        %add3A_2568 = arith.addi %add3A_2567, %scan3A_1282 : i32
        %get3A_2569 = arith.index_cast %add3A_2568 : i32 to index
        %get3A_2570 = arith.constant 368 : index
        %get3A_2571 = tpu.vector_load %arg18[%get3A_2569, %get3A_2570] {strides = array<i32>} : memref<64x768xf32, #tpu.memory_space<vmem>>, vector<16xf32>,
        %add3A_2572 = arith.constant 32 : i32
        %add3A_2573 = arith.addi %add3A_2572, %scan3A_1282 : i32
        %get3A_2574 = arith.index_cast %add3A_2573 : i32 to index
        %get3A_2575 = arith.constant 752 : index
        %get3A_2576 = tpu.vector_load %arg18[%get3A_2574, %get3A_2575] {strides = array<i32>} : memref<64x768xf32, #tpu.memory_space<vmem>>, vector<16xf32>,
        %mul3A_2577 = arith.mulf %gather3A_1920, %get3A_2563 : vector<16xf32>
        %mul3A_2578 = arith.mulf %gather3A_1934, %get3A_2566 : vector<16xf32>
        %add3A_2579 = arith.addf %mul3A_2577, %mul3A_2578 : vector<16xf32>
        %mul3A_2580 = arith.mulf %gather3A_1948, %get3A_2571 : vector<16xf32>
        %add3A_2581 = arith.addf %add3A_2579, %mul3A_2580 : vector<16xf32>
        %mul3A_2582 = arith.mulf %gather3A_1962, %get3A_2576 : vector<16xf32>
        %add3A_2583 = arith.addf %add3A_2581, %mul3A_2582 : vector<16xf32>
        %add3A_2584 = arith.constant 659 : i32
        %add3A_2585 = vector.broadcast %add3A_2584 : i32 to vector<16xi32>
        %add3A_2586 = arith.addi %iota3A, %add3A_2585 : vector<16xi32>
        tpu.vector_store_idx %arg19[%broadcast_in_dim3A_1327, %add3A_2586], %add3A_2583 : memref<32x675xf32, #tpu.memory_space<vmem>>[vector<16xi32>, vector<16xi32>], vector<16xf32>,
        %scan3A_2587 = arith.constant 0 : i32
        scf.yield %scan3A_2587 : i32
      }
      %scan3A_1280 = arith.constant 32 : i32
      %add3A_1281 = arith.addi %mul3A_2, %mul3A_26 : i32
      "tpu.region"() ({
        %run_scoped3A = tpu.sem_alloc : memref<!tpu.dma_semaphore, #tpu.memory_space<semaphore_mem>>
        %dma_start3A_1282 = arith.constant 0 : i32
        %dma_start3A_1283 = tpu.memref_slice %arg7[%add3A_1281, %dma_start3A_1282] : memref<32768x675xf32, #tpu.memory_space<hbm>> -> memref<32x675xf32, #tpu.memory_space<hbm>>
        %dma_start3A_1284 = arith.constant 0 : i32
        %dma_start3A_1285 = tpu.memref_slice %arg7[%add3A_1281, %dma_start3A_1284] : memref<32768x675xf32, #tpu.memory_space<hbm>> -> memref<32x675xf32, #tpu.memory_space<hbm>>
        tpu.enqueue_dma source(%arg19 : memref<32x675xf32, #tpu.memory_space<vmem>>) target(%dma_start3A_1285 : memref<32x675xf32, #tpu.memory_space<hbm>>) target_semaphore(%run_scoped3A : memref<!tpu.dma_semaphore, #tpu.memory_space<semaphore_mem>>)
        %dma_wait3A_1286 = arith.constant 0 : i32
        %dma_wait3A_1287 = tpu.memref_slice %arg7[%add3A_1281, %dma_wait3A_1286] : memref<32768x675xf32, #tpu.memory_space<hbm>> -> memref<32x675xf32, #tpu.memory_space<hbm>>
        %dma_wait3A_1288 = arith.constant 0 : i32
        %dma_wait3A_1289 = tpu.memref_slice %arg7[%add3A_1281, %dma_wait3A_1288] : memref<32768x675xf32, #tpu.memory_space<hbm>> -> memref<32x675xf32, #tpu.memory_space<hbm>>
        tpu.wait_dma2 semaphore(%run_scoped3A : memref<!tpu.dma_semaphore, #tpu.memory_space<semaphore_mem>>) src(%arg19 : memref<32x675xf32, #tpu.memory_space<vmem>>) dst(%dma_wait3A_1289 : memref<32x675xf32, #tpu.memory_space<hbm>>)
        tpu.yield
      }) : () -> ()
    }
    %scan3A_23 = arith.constant 32 : i32
    return
  }
}

</mosaic_0001>

<sc_bundles>
// kernel: kernel.3.cloned.1.call-start
scs
__scs_entry_jumppad:
0x0: {  	(pc) =	sbr.rel $0x88, $3  }
0x1: {  	(tag) =	ssettag $0x0;
	lr =	simm.s32 $0x1  }
0x2: {  	[smem:$0x3F9C] =	sst lr;
	_ =	strace $0xD0000000  }
0x3: {  	_ = 	snop  }
0x4: {  	_ = 	snop  }
0x5: {  	_ = 	snop  }
0x6: {  	_ = 	snop  }
0x7: {  	_ = 	snop  }
__scs_overlays_trampoline_lowered:
0x8: {  	[smem:$0x3FAB] =	sst s0  }
0x9: {  	[smem:$0x3FAC] =	sst s1  }
0xa: {  	[smem:$0x3FAD] =	sst s2  }
0xb: {  	[smem:$0x3FAE] =	sst s3  }
0xc: {  	[smem:$0x3FAF] =	sst s4  }
0xd: {  	[smem:$0x3FB0] =	sst s5  }
0xe: {  	[smem:$0x3FB1] =	sst s6  }
0xf: {  	[smem:$0x3FB2] =	sst s7  }
0x10: {  	[smem:$0x3FB3] =	sst s8  }
0x11: {  	[smem:$0x3FB4] =	sst s9;
	s0 =	simm.s32 @!p0 $0x0  }
0x12: {  	s1 =	sld [smem:$0x3F9A];
	s0 =	simm.s32 @p0 $0x1  }
0x13: {  	[smem:$0x3FB5] =	sst s0;
	s0 =	simm.s32 @!p1 $0x0  }
0x14: {  	s2 =	sld [smem:$0x3F99];
	s0 =	simm.s32 @p1 $0x1  }
0x15: {  	[smem:$0x3FB6] =	sst s0;
	s0 =	simm.s32 @!p2 $0x0  }
0x16: {  	s3 =	sld [smem:$0x3FDB];
	s0 =	simm.s32 @p2 $0x1  }
0x17: {  	s4 =	simm.s32 $0x1BF5;
	[smem:$0x3FB8] =	sst s0  }
0x18: {  	s0 =	sld [smem:$0x3F9B];
	_ =	swait.ge [sflag:s4], $0x0  }
0x19: {  	s7 =	sld [smem:$0x3F9C]  }
0x1a: {  	s8 =	sadd.s32 $0xFFFFE003, lr  }
0x1b: {  	s9 =	sadd.s32 $0xFFFFFEF7, lr;
	s5 =	simm.s32 $0xFFFFFFFF;
	p2 =	slt.u32 s8, $0xFFFFF086  }
0x1c: {  	p1 =	slt.u32 s9, $0xF7A;
	s5 =	simm.s32 @!p2 $0x0  }
0x1d: {  	s5 =	simm.s32 @p1 $0x1;
	p0 =	seq.s32 s7, s2  }
0x1e: {  	s7 =	smul.u32 @!p0 $0xF7A, s2;
	p2 =	seq.s32 @!p0 s5, $0x0  }
0x1f: {  	s9 =	smul.u32 $0xF7A, s1;
	s8 =	simm.s32 @!p0 $0x1BF5;
	p2 =	por !p2, p0  }
0x20: {  	[sflag:s8] =	ssyncset.s32 @!p0 $0xFFFFF086;
	s6 =	sadd.s32 @!p0 s3, s7;
	s7 =	simm.s32 @!p0 $0x108  }
0x21: {  	s3 =	sadd.s32 s3, s9;
	s6 =	sadd.s32 @!p0 $0x88, s6;
	s7 =	simm.s32 @p2 $0x1082  }
0x22: {  	[simem:s7], [sflag:s8] =	dma.local @!p0 [hbm:s6], $0xF7A  }
0x23: {  	s9 =	sor.u32 $0xD0000000, s2;
	s6 =	simm.s32 $0x108;
	_ =	swait.ge @!p0 [sflag:s8], $0x0  }
0x24: {  	s3 =	sadd.s32 $0x88, s3;
	s6 =	simm.s32 @!p1 $0x1082;
	[sflag:s4] =	ssyncset.s32 $0xFFFFF086  }
0x25: {  	[simem:s6], [sflag:s4] =	dma.local [hbm:s3], $0xF7A  }
0x26: {  	[smem:$0x3F9C] =	sst s1;
	(tag) =	ssettag s2;
	_ =	strace s9  }
0x27: {  	s1 =	sld [smem:$0x3FAC]  }
0x28: {  	s2 =	sld [smem:$0x3FAD]  }
0x29: {  	s4 =	sld [smem:$0x3FAF]  }
0x2a: {  	p0 =	seq.s32 s5, $0x0;
	s5 =	sld [smem:$0x3FB0]  }
0x2b: {  	s6 =	sld [smem:$0x3FB1]  }
0x2c: {  	s7 =	sld [smem:$0x3FB2]  }
0x2d: {  	s3 =	simm.s32 $0x108;
	s8 =	sld [smem:$0x3FB3]  }
0x2e: {  	s3 =	simm.s32 @!p0 $0x1082;
	s9 =	sld [smem:$0x3FB4]  }
0x2f: {  	lr =	sadd.s32 s0, s3;
	s0 =	sld [smem:$0x3FAB]  }
0x30: {  	s3 =	sld [smem:$0x3FAE]  }
0x31: {  	[smem:$0x3FB7] =	sst s10  }
0x32: {  	s10 =	sld [smem:$0x3FB5];
	_ =	sdelay $0x3  }
0x33: {  	p0 =	seq.s32 s10, $0x1;
	s10 =	sld [smem:$0x3FB7];
	_ =	sdelay $0x3  }
0x34: {  	[smem:$0x3FB7] =	sst s10  }
0x35: {  	s10 =	sld [smem:$0x3FB6];
	_ =	sdelay $0x3  }
0x36: {  	p1 =	seq.s32 s10, $0x1;
	s10 =	sld [smem:$0x3FB7];
	_ =	sdelay $0x3  }
0x37: {  	[smem:$0x3FB7] =	sst s10  }
0x38: {  	s10 =	sld [smem:$0x3FB8]  }
0x39: {  	_ = 	snop;
	(pc) =	sbr.ind lr, $3  }
0x3a: {  	_ = 	snop  }
0x3b: {  	_ = 	snop  }
0x3c: {  	p2 =	seq.s32 s10, $0x1;
	s10 =	sld [smem:$0x3FB7]  }
0x3d: {  	_ =	shalt  }
0x3e: {  	_ =	shalt  }
0x3f: {  	_ =	shalt  }
0x40: {  	_ =	shalt  }
0x41: {  	_ =	shalt  }
0x42: {  	_ =	shalt  }
0x43: {  	_ =	shalt  }
0x44: {  	_ =	shalt  }
0x45: {  	_ =	shalt  }
0x46: {  	_ =	shalt  }
0x47: {  	_ =	shalt  }
0x48: {  	_ =	shalt  }
0x49: {  	_ =	shalt  }
0x4a: {  	_ =	shalt  }
0x4b: {  	_ =	shalt  }
0x4c: {  	_ =	shalt  }
0x4d: {  	_ =	shalt  }
0x4e: {  	_ =	shalt  }
0x4f: {  	_ =	shalt  }
0x50: {  	_ =	shalt  }
0x51: {  	_ =	shalt  }
0x52: {  	_ =	shalt  }
0x53: {  	_ =	shalt  }
0x54: {  	_ =	shalt  }
0x55: {  	_ =	shalt  }
0x56: {  	_ =	shalt  }
0x57: {  	_ =	shalt  }
0x58: {  	_ =	shalt  }
0x59: {  	_ =	shalt  }
0x5a: {  	_ =	shalt  }
0x5b: {  	_ =	shalt  }
0x5c: {  	_ =	shalt  }
0x5d: {  	_ =	shalt  }
0x5e: {  	_ =	shalt  }
0x5f: {  	_ =	shalt  }
0x60: {  	_ =	shalt  }
0x61: {  	_ =	shalt  }
0x62: {  	_ =	shalt  }
0x63: {  	_ =	shalt  }
0x64: {  	_ =	shalt  }
0x65: {  	_ =	shalt  }
0x66: {  	_ =	shalt  }
0x67: {  	_ =	shalt  }
0x68: {  	_ =	shalt  }
0x69: {  	_ =	shalt  }
0x6a: {  	_ =	shalt  }
0x6b: {  	_ =	shalt  }
0x6c: {  	_ =	shalt  }
0x6d: {  	_ =	shalt  }
0x6e: {  	_ =	shalt  }
0x6f: {  	_ =	shalt  }
0x70: {  	_ =	shalt  }
0x71: {  	_ =	shalt  }
0x72: {  	_ =	shalt  }
0x73: {  	_ =	shalt  }
0x74: {  	_ =	shalt  }
0x75: {  	_ =	shalt  }
0x76: {  	_ =	shalt  }
0x77: {  	_ =	shalt  }
0x78: {  	_ =	shalt  }
0x79: {  	_ =	shalt  }
0x7a: {  	_ =	shalt  }
0x7b: {  	_ =	shalt  }
0x7c: {  	_ =	shalt  }
0x7d: {  	_ =	shalt  }
0x7e: {  	_ =	shalt  }
0x7f: {  	_ =	shalt  }
0x80: {  	_ =	shalt  }
0x81: {  	_ =	shalt  }
0x82: {  	_ =	shalt  }
0x83: {  	_ =	shalt  }
0x84: {  	_ =	shalt  }
0x85: {  	_ =	shalt  }
0x86: {  	_ =	shalt  }
0x87: {  	_ =	shalt  }
.Lfunc_end0:
.L_simem_size_0:
called_computation.1_lowered:
.L_overlay_start_0:
0x88: {  	s2 =	sld [smem:$0x3FD9]  }
0x89: {  	s3 =	sld [smem:$0x3FFE];
	_ =	sdelay $0x1  }
0x8a: {  	s1 =	srdreg.scid  }
0x8b: {  	s0 =	sand.u32 $0x1, s1  }
0x8c: {  	s17 =	sshll.u32 s0, $0xA;
	s2 =	sadd.s32 s3, s2  }
0x8d: {  	s2 =	sadd.s32 s2, s17  }
0x8e: {  	[smem:$0x3FC3] =	sst s2  }
0x8f: {  	_ = 	snop  }
0x90: {  	s2 =	sld [smem:$0x3FD0];
	(tm) =	ssettm $0x1  }
0x91: {  	s18 =	sld [smem:$0x3FFB];
	_ =	sdelay $0x3  }
0x92: {  	_ =	strace s18  }
0x93: {  	s3 =	sld [smem:$0x3FFC];
	_ =	sdelay $0x3  }
0x94: {  	_ =	strace s3  }
0x95: {  	s3 =	sld [smem:$0x3FFD];
	_ =	sdelay $0x3  }
0x96: {  	_ =	strace s3  }
0x97: {  	_ =	strace $0x8FFFFFFF  }
0x98: {  	s19 =	sld [smem:$0x3FDB];
	_ =	sdelay $0x1  }
0x99: {  	s4 =	simm.s32 $_scs_section_size  }
0x9a: {  	s5 =	simm.s32 $_size__tile_overlayer_lowered;
	s6 =	simm.s32 $_tile_overlayer_lowered  }
0x9b: {  	s22 =	simm.s32 $0x1BFF;
	s21 =	sshll.u32 s6, $0x1;
	s3 =	sadd.s32 s4, s19  }
0x9c: {  	s7 =	simm.s32 $0x0;
	s20 =	sshll.u32 s5, $0x1;
	s5 =	sadd.s32 s21, s3  }
0x9d: {  	[timem:s7], [sflag:s22] =	dma.local [hbm:s5], s20  }
0x9e: {  	_ =	swait.ge [sflag:s22], s20  }
0x9f: {  	s4 =	ssub.s32 $0x0, s20;
	[sflag:s22] =	ssyncset.done $0x0  }
0xa0: {  	[sflag:s22] =	ssyncadd.s32 s4;
	_ =	sdelay $0x1  }
0xa1: {  	s23 =	simm.s32 $0x1B8B  }
0xa2: {  	_ =	swait.ge [sflag:s23], $0x1  }
0xa3: {  	[sflag:s23] =	ssyncset.done $0x0  }
0xa4: {  	s25 =	simm.s32 $0x1B8E;
	s24 =	sld [smem:$0x3FFE];
	[sflag:s23] =	ssyncadd.s32 $0xFFFFFFFF  }
0xa5: {  	s26 =	simm.s32 $execute0_lowered;
	[smem:$0x3FD2] =	sst s25  }
0xa6: {  	s5 =	sshll.u32 s26, $0x1;
	_ =	strace $0x80000046;
	[dreg:$0x1] =	wrdreg $0xFFFFFFFF  }
0xa7: {  	s28 =	simm.s32 $_size_execute0_lowered;
	s3 =	sadd.s32 s3, s5;
	[dreg:$0x0] =	wrdreg $0x0  }
0xa8: {  	s5 =	sshll.u32 s28, $0x1;
	[dreg:$0x2] =	wrdreg s3  }
0xa9: {  	[dreg:$0x3] =	wrdreg s5  }
0xaa: {  	[dreg:$0x4] =	wrdreg $0xC0  }
0xab: {  	_ =	task [dreg:s7], $0x5FFFF  }
0xac: {  	[dreg:$0x1] =	wrdreg $0xFFFFFFFF  }
0xad: {  	[dreg:$0x0] =	wrdreg $0x60  }
0xae: {  	[dreg:$0x2] =	wrdreg s2  }
0xaf: {  	[dreg:$0x3] =	wrdreg s24  }
0xb0: {  	[dreg:$0x4] =	wrdreg $0x9  }
0xb1: {  	_ =	task.clear_ibuf [dreg:s7], $0x5FFFF;
	_ =	strace $0x90000046  }
0xb2: {  	s29 =	simm.s32 $0x9;
	_ =	strace $0x80000048  }
0xb3: {  	_ =	swait.ge [sflag:s29], $0x1  }
0xb4: {  	[sflag:s29] =	ssyncadd.s32 $0xFFFFFFFF  }
0xb5: {  	_ =	strace $0x90000048  }
0xb6: {  	_ =	sfence  }
0xb7: {  	s30 =	sld [smem:$0x0];
	_ =	sdelay $0x2  }
0xb8: {  	s31 =	sshll.u32 s1, $0xD;
	s1 =	sshrl.u32 s1, $0x2  }
0xb9: {  	s3 =	sand.u32 $0x4000, s31;
	s1 =	sadd.s32 s1, s30  }
0xba: {  	s0 =	sor.u32 s3, s0;
	s1 =	sshll.u32 s1, $0x11  }
0xbb: {  	s0 =	sor.u32 s1, s0  }
0xbc: {  	s0 =	sadd.s32 $0x8F2B, s0  }
0xbd: {  	[sflag:s0] =	ssyncadd.remote.s32 $0x1  }
0xbe: {  	_ =	sfence.sel $0xFFFF  }
0xbf: {  	[dreg:$0x0] =	wrdreg $0xFFFFFFFF;
	(pc) =	sbr.abs _section_cstart, $3  }
0xc0: {  	[dreg:$0x1] =	wrdreg $0xFFFFFFFF  }
0xc1: {  	_ =	task.clear_ibuf [dreg:s7], $0x2FFFF;
	_ =	strace $0x9FFFFFFF  }
0xc2: {  	(tm) =	ssettm $0x7FFFFFFF  }
0xc3: {  	_ =	shalt  }
tec
execute0_lowered:
.L_overlay_start_1:
0x0: {  	(tag) =	ssettag $0x1  }
0x1: {  	s0 =	rddreg [dreg:$0x0];
	s11 =	stileid.u32  }
0x2: {  	s1 =	rddreg [dreg:$0x1];
	s2 =	simm.s32 $0x0;
	s4 =	srdreg.scid  }
0x3: {  	s12 =	simm.s32 $0x2000;
	s14 =	simm.s32 $0x40;
	s15 =	simm.s32 $0x20C0  }
0x4: {  	s17 =	simm.s32 $0x2100;
	s18 =	simm.s32 $0x5300;
	s19 =	simm.s32 $0x2140  }
0x5: {  	s20 =	simm.s32 $0xB300;
	s21 =	simm.s32 $0x1;
	s22 =	simm.s32 $0x2  }
0x6: {  	s23 =	simm.s32 $0x3;
	s24 =	simm.s32 $0x0;
	s10 =	sshrl.u32 s11, $0x2  }
0x7: {  	[smem:$0x7FF] =	sst s2;
	s7 =	sand.u32 $0x1, s4;
	s4 =	sadd.s32 $0x13600, s1  }
0x8: {  	s5 =	sadd.s32 $0x1000, s1;
	s6 =	sadd.s32 $0x81A00, s1;
	s3 =	smul.u32 $0x18, s10  }
0x9: {  	v0 =	vlaneseq.u32;
	s11 =	sshll.u32 s11, $0xB;
	_ =	strace $0x80000047;
	s13 =	smul.u32 $0xC40, s10  }
0xa: {  	v2 =	vmul.u32 $0x2A8, v0;
	s8 =	ssub.s32 $0x2, s7;
	s7 =	sshll.u32 s7, $0xA;
	s16 =	smul.u32 $0x310, s10  }
0xb: {  	v8 =	vimm.s32 $0x0;
	s31 =	smul.u32 $0xC4, s10;
	s30 =	sshrl.u32 s8, $0x1;
	s7 =	sor.u32 s7, s11  }
0xc: {  	v5 =	vmul.u32 $0x8, v0;
	s11 =	simm.s32 $0x4;
	v6 =	vor.u32 $0x1, v2;
	v7 =	vor.u32 $0x2, v2;
	s9 =	sadd.s32 s3, s1;
	s3 =	sadd.s32 $0x38200, s1  }
0xd: {  	v9 =	vadd.s32 $0x2A80, v2;
	v10 =	vadd.s32 $0x2A81, v2;
	s1 =	ssub.s32 s8, s30;
	s8 =	sadd.s32 s0, s7;
	v1 =	vmov s13;
	s13 =	simm.s32 $0x17300  }
0xe: {  	v11 =	vadd.s32 $0x2A82, v2;
	v3 =	vmov s16;
	v4 =	vmov s31;
	s16 =	simm.s32 $0x2300;
	s9 =	sadd.s32 $0xE00, s9;
	s10 =	smax.u32 s1, $0x1  }
.LBB2_1:
0xf: {  	[tilespmem:s2], [sflag:$0x4] =	stream.linear.gather [hbm4b:s8+s2], $0x2000, $0x38;
	[tilespmem:$0x1C800] =	vst v63  }
0x10: {  	_ =	swait.ge [sflag:s11], $0x2000  }
0x11: {  	[sflag:s11] =	ssyncset.done $0x0  }
0x12: {  	[sflag:s11] =	ssyncadd.s32 $0xFFFFE000  }
0x13: {  	[tilespmem:s12], [sflag:$0x4] =	stream.linear.gather [hbm4b:s9+s2], $0xC0, $0x38;
	[tilespmem:$0x1C800] =	vst v63  }
0x14: {  	_ =	swait.ge [sflag:s11], $0xC0  }
0x15: {  	[sflag:s11] =	ssyncset.done $0x0  }
0x16: {  	s25 =	simm.s32 $0x0;
	[sflag:s11] =	ssyncadd.s32 $0xFFFFFF40  }
.LBB2_2:
0x17: {  	s26 =	sshll.u32 s25, $0x5  }
0x18: {  	v12 =	vmov s26  }
0x19: {  	v12 =	vshll.u32 v12, $0x3  }
0x1a: {  	v12 =	vor.u32 v5, v12  }
0x1b: {  	v13 =	vor.u32 $0x1, v12;
	_ =	sdelay $0x1  }
0x1c: {  	v16 =	vld [tilespmem:$0x2080];
	v15 =	vor.u32 $0x2, v12  }
0x1d: {  	s28 =	simm.s32 $0x0;
	v17 =	vld [tilespmem:$0x2090]  }
0x1e: {  	v14 =	vld.idx.msk [tilespmem:v12+s28+$0x0], $0xffff  }
0x1f: {  	v13 =	vld.idx.msk [tilespmem:v13+s28+$0x0], $0xffff  }
0x20: {  	v39 =	vld [tilespmem:$0x20A0]  }
0x21: {  	v12 =	vld.idx.msk [tilespmem:v15+s28+$0x0], $0xffff;
	_ =	sdelay $0x2  }
0x22: {  	v16 =	vmul.f32 v16, v14;
	v17 =	vmul.f32 v17, v13  }
0x23: {  	v18 =	vld [tilespmem:$0x20B0]  }
0x24: {  	v15 =	vmul.f32 v39, v12;
	v16 =	vadd.f32 v17, v16  }
0x25: {  	v40 =	vld [tilespmem:$0x2000]  }
0x26: {  	v19 =	vld [tilespmem:$0x2010];
	v15 =	vadd.f32 v15, v16  }
0x27: {  	v41 =	vld [tilespmem:$0x2040]  }
0x28: {  	v20 =	vld [tilespmem:$0x2050];
	v15 =	vadd.f32 v15, v18  }
0x29: {  	v42 =	vld [tilespmem:$0x2020]  }
0x2a: {  	v21 =	vld [tilespmem:$0x2060];
	(erf) = vrcp.f32 v15;
	_ =	sdelay $0x1  }
0x2b: {  	v43 =	vmul.f32 v40, v14;
	v44 =	vmul.f32 v19, v13  }
0x2c: {  	v45 =	vld [tilespmem:$0x2030];
	v20 =	vmul.f32 v20, v13;
	v16 =	vmul.f32 v41, v14  }
0x2d: {  	v47 =	vld [tilespmem:$0x2070];
	v46 =	vmul.f32 v42, v12;
	v15 =	vadd.f32 v44, v43  }
0x2e: {  	v48 =	vmul.f32 v21, v12;
	v16 =	vadd.f32 v20, v16  }
0x2f: {  	v15 =	vadd.f32 v46, v15  }
0x30: {  	v16 =	vadd.f32 v48, v16  }
0x31: {  	v15 =	vadd.f32 v15, v45  }
0x32: {  	v16 =	vadd.f32 v16, v47;
	v49 =	vpop (erf)  }
0x33: {  	v15 =	vmul.f32 v49, v15  }
0x34: {  	v16 =	vmul.f32 v49, v16  }
0x35: {  	v15 =	vmul.f32 $1.459854000e-02, v15  }
0x36: {  	v16 =	vmul.f32 $1.459854000e-02, v16  }
0x37: {  	v15 =	vadd.f32 $-1.000000000e+00, v15  }
0x38: {  	v16 =	vadd.f32 $-1.000000000e+00, v16  }
0x39: {  	v15 =	vadd.f32 $1.000000000e+00, v15  }
0x3a: {  	v16 =	vadd.f32 $1.000000000e+00, v16  }
0x3b: {  	v50 =	vmul.f32 $5.600000000e+01, v15  }
0x3c: {  	v51 =	vmul.f32 $5.600000000e+01, v16;
	v25 =	vmul.f32 $2.800000000e+01, v15  }
0x3d: {  	v27 =	vmul.f32 $2.800000000e+01, v16;
	v15 =	vmul.f32 $1.400000000e+01, v15;
	v17 =	vadd.f32 $-1.000000000e+00, v50  }
0x3e: {  	v16 =	vmul.f32 $1.400000000e+01, v16;
	v18 =	vadd.f32 $-1.000000000e+00, v51;
	v25 =	vadd.f32 $-1.000000000e+00, v25  }
0x3f: {  	v27 =	vadd.f32 $-1.000000000e+00, v27;
	v15 =	vadd.f32 $-1.000000000e+00, v15;
	v17 =	vmul.f32 $5.000000000e-01, v17  }
0x40: {  	v16 =	vadd.f32 $-1.000000000e+00, v16;
	v18 =	vmul.f32 $5.000000000e-01, v18;
	v25 =	vmul.f32 $5.000000000e-01, v25  }
0x41: {  	v27 =	vmul.f32 $5.000000000e-01, v27;
	v15 =	vmul.f32 $5.000000000e-01, v15  }
0x42: {  	v16 =	vmul.f32 $5.000000000e-01, v16;
	v17 =	vmax.f32 v17, $-2.000000000e+00;
	v18 =	vmax.f32 v18, $-2.000000000e+00  }
0x43: {  	v25 =	vmax.f32 v25, $-2.000000000e+00;
	v61 =	vmax.f32 v27, $-2.000000000e+00;
	v15 =	vmax.f32 v15, $-2.000000000e+00  }
0x44: {  	v16 =	vmax.f32 v16, $-2.000000000e+00;
	v17 =	vmin.f32 v17, $5.700000000e+01;
	v18 =	vmin.f32 v18, $5.700000000e+01  }
0x45: {  	v60 =	vmin.f32 v25, $2.900000000e+01;
	v25 =	vmin.f32 v61, $2.900000000e+01;
	v52 =	vtrunc.f32 v17  }
0x46: {  	v15 =	vmin.f32 v15, $1.500000000e+01;
	v54 =	vtrunc.f32 v18;
	v62 =	vtrunc.f32 v60  }
0x47: {  	v16 =	vmin.f32 v16, $1.500000000e+01;
	v29 =	vtrunc.f32 v25;
	v43 =	vtrunc.f32 v15  }
0x48: {  	v45 =	vtrunc.f32 v16;
	v53 =	vcvt.f32.s32 v52;
	vm0 =	vlt.f32 v17, v52  }
0x49: {  	v55 =	vcvt.f32.s32 v54;
	vm7 =	vlt.f32 v18, v54;
	v63 =	vcvt.f32.s32 v62  }
0x4a: {  	vm5 =	vlt.f32 v60, v62;
	v33 =	vcvt.f32.s32 v29;
	vm6 =	vlt.f32 v25, v29  }
0x4b: {  	v44 =	vcvt.f32.s32 v43;
	v22 =	vsel vm0, $0xFFFFFFFF, v8;
	v21 =	vsel vm7, $0xFFFFFFFF, v8  }
0x4c: {  	v30 =	vsel vm5, $0xFFFFFFFF, v8;
	v29 =	vsel vm6, $0xFFFFFFFF, v8;
	vm5 =	vlt.f32 v15, v43  }
0x4d: {  	vm6 =	vlt.f32 v16, v45;
	v20 =	vadd.s32 v53, v22;
	v19 =	vadd.s32 v55, v21  }
0x4e: {  	v27 =	vadd.s32 v33, v29;
	v46 =	vsel vm5, $0xFFFFFFFF, v8;
	v33 =	vcvt.f32.s32 v45  }
0x4f: {  	v56 =	vcvt.s32.f32 v20;
	v57 =	vcvt.s32.f32 v19;
	vm8 =	vlt.u32 v20, $0x38  }
0x50: {  	v23 =	vadd.s32 $0x1, v20;
	v58 =	vadd.s32 $0x1, v19;
	vm10 =	vlt.u32 v19, $0x38  }
0x51: {  	vm11 =	vgt.s32 v19, $0x0;
	vm12 =	vgt.s32 v20, $0x0;
	v36 =	vcvt.s32.f32 v27  }
0x52: {  	v41 =	vadd.s32 $0x1, v27;
	vm9 =	vlt.u32 v23, $0x38;
	vm1 =	vlt.u32 v58, $0x38  }
0x53: {  	v19 =	vnsel vm11, $0x0, v19;
	v26 =	vnsel vm12, $0x0, v20;
	vm13 =	vgt.s32 v58, $0x0  }
0x54: {  	vm12 =	vgt.s32 v27, $0x0;
	v17 =	vsub.f32 v17, v56;
	v18 =	vsub.f32 v18, v57  }
0x55: {  	v19 =	vmin.u32 v19, $0x37;
	v26 =	vmin.u32 v26, $0x36;
	v23 =	vnsel vm13, $0x0, v58  }
0x56: {  	v25 =	vsub.f32 v25, v36;
	vm13 =	vgt.s32 v41, $0x0;
	v28 =	vadd.s32 $0xFFFFFFFF, v26  }
0x57: {  	v23 =	vmin.u32 v23, $0x37;
	vm15 =	veq.s32 v20, v26;
	v59 =	vadd.s32 $0x1, v26  }
0x58: {  	v19 =	vmul.u32 $0x38, v19;
	v35 =	vor.u32 v1, v26;
	v29 =	vnsel vm13, $0x0, v41  }
0x59: {  	v21 =	vsub.f32 $1.000000000e+00, v17;
	v22 =	vsub.f32 $1.000000000e+00, v18;
	v17 =	vnsel vm9, $0x0, v17  }
0x5a: {  	v18 =	vnsel vm1, $0x0, v18;
	vm14 =	veq.s32 v20, v28;
	vm4 =	veq.s32 v20, v59  }
0x5b: {  	v23 =	vmul.u32 $0x38, v23;
	v26 =	vsub.f32 $1.000000000e+00, v25;
	vm9 =	vlt.u32 v27, $0x1C  }
0x5c: {  	v27 =	vnsel vm12, $0x0, v27;
	v29 =	vmin.u32 v29, $0x1B;
	v28 =	vnsel vm14, $0x0, v17  }
0x5d: {  	v17 =	vnsel vm15, $0x0, v17;
	v19 =	vadd.s32 v19, v35;
	v27 =	vmin.u32 v27, $0x1B  }
0x5e: {  	v50 =	vmul.u32 $0x1C, v29;
	v24 =	vnsel vm8, $0x0, v21;
	v22 =	vnsel vm10, $0x0, v22  }
0x5f: {  	v21 =	vsel vm15, v21, v28;
	v28 =	vadd.s32 v63, v30;
	v23 =	vadd.s32 v23, v35  }
0x60: {  	vm10 =	vlt.u32 v41, $0x1C;
	v26 =	vnsel vm9, $0x0, v26;
	v27 =	vmul.u32 $0x1C, v27  }
0x61: {  	v30 =	vadd.s32 v44, v46;
	v34 =	vcvt.s32.f32 v28;
	v17 =	vsel vm4, v24, v17  }
0x62: {  	v37 =	vmul.f32 v21, v22;
	v21 =	vmul.f32 v21, v18;
	vm7 =	vlt.u32 v28, $0x1C  }
0x63: {  	v39 =	vadd.s32 $0x1, v28;
	v25 =	vnsel vm10, $0x0, v25;
	vm11 =	vgt.s32 v28, $0x0  }
0x64: {  	v48 =	vcvt.s32.f32 v30;
	v54 =	vadd.s32 $0x1, v30;
	vm10 =	vgt.s32 v30, $0x0  }
0x65: {  	[tilespmem:v2+s13+$0x0] =	vst.idx.msk $0xffff, v14;
	v22 =	vmul.f32 v17, v22;
	v17 =	vmul.f32 v17, v18;
	vm8 =	vlt.u32 v39, $0x1C  }
0x66: {  	[tilespmem:v6+s13+$0x0] =	vst.idx.msk $0xffff, v13;
	v31 =	vnsel vm11, $0x0, v28;
	v59 =	vnsel vm10, $0x0, v30;
	v20 =	vsub.f32 v60, v34  }
0x67: {  	[tilespmem:v7+s13+$0x0] =	vst.idx.msk $0xffff, v12;
	v31 =	vmin.u32 v31, $0x1A;
	v15 =	vsub.f32 v15, v48;
	v60 =	vmin.u32 v59, $0xC  }
0x68: {  	[tilespmem:$0x20E0] =	vst v23;
	v32 =	vadd.s32 $0xFFFFFFFF, v31;
	vm14 =	veq.s32 v28, v31;
	v42 =	vadd.s32 $0x1, v31  }
0x69: {  	v47 =	vadd.s32 v3, v31;
	[tilespmem:$0x21E0] =	vst v17;
	v23 =	vadd.s32 $0xFFFFFFFF, v60;
	v17 =	vadd.s32 v4, v60  }
0x6a: {  	v38 =	vsub.f32 $1.000000000e+00, v20;
	v20 =	vnsel vm8, $0x0, v20;
	vm15 =	veq.s32 v28, v32  }
0x6b: {  	vm4 =	veq.s32 v28, v42;
	v28 =	vsel vm6, $0xFFFFFFFF, v8;
	v49 =	vadd.s32 v27, v47  }
0x6c: {  	s0 =	sor.u32 $0x10, s26;
	v14 =	vadd.s32 v50, v47;
	v53 =	vsub.f32 $1.000000000e+00, v15;
	vm8 =	vlt.u32 v54, $0xE  }
0x6d: {  	vm13 =	veq.s32 v30, v23;
	v27 =	vmov s0;
	v32 =	vnsel vm15, $0x0, v20  }
0x6e: {  	v20 =	vnsel vm14, $0x0, v20;
	v28 =	vadd.s32 v33, v28;
	v15 =	vnsel vm8, $0x0, v15  }
0x6f: {  	v29 =	vshll.u32 v27, $0x3;
	v40 =	vnsel vm7, $0x0, v38;
	v18 =	vsel vm14, v38, v32  }
0x70: {  	[tilespmem:$0x20C0] =	vst v19;
	v52 =	vcvt.s32.f32 v28;
	vm7 =	vlt.u32 v30, $0xE;
	vm9 =	vlt.u32 v28, $0xE  }
0x71: {  	[tilespmem:$0x2180] =	vst v37;
	v57 =	vadd.s32 $0x1, v28;
	vm12 =	vgt.s32 v28, $0x0;
	vm14 =	veq.s32 v30, v60  }
0x72: {  	[tilespmem:$0x21C0] =	vst v21;
	v63 =	vnsel vm13, $0x0, v15;
	v20 =	vsel vm4, v40, v20;
	v51 =	vmul.f32 v18, v26  }
0x73: {  	[tilespmem:$0x21A0] =	vst v22;
	v18 =	vmul.f32 v18, v25;
	v56 =	vnsel vm7, $0x0, v53;
	vm11 =	vlt.u32 v57, $0xE  }
0x74: {  	[tilespmem:$0x2100] =	vst v49;
	vm2 =	vgt.s32 v57, $0x0;
	v61 =	vnsel vm12, $0x0, v28;
	v12 =	vsel vm14, v53, v63  }
0x75: {  	[tilespmem:$0x2120] =	vst v14;
	v15 =	vnsel vm14, $0x0, v15;
	v26 =	vmul.f32 v20, v26;
	v16 =	vsub.f32 v16, v52  }
0x76: {  	v20 =	vmul.f32 v20, v25;
	v22 =	vnsel vm2, $0x0, v57;
	v13 =	vmin.u32 v61, $0xD;
	[tilespmem:$0x2200] =	vst v51  }
0x77: {  	v25 =	vadd.s32 $0x1, v60;
	v62 =	vmin.u32 v22, $0xD;
	v13 =	vmul.u32 $0xE, v13;
	[tilespmem:$0x2240] =	vst v18  }
0x78: {  	vm15 =	veq.s32 v30, v25;
	v55 =	vsub.f32 $1.000000000e+00, v16;
	[tilespmem:$0x2220] =	vst v26;
	v14 =	vmul.u32 $0xE, v62  }
0x79: {  	[tilespmem:$0x2260] =	vst v20;
	v15 =	vsel vm15, v56, v15;
	v16 =	vnsel vm11, $0x0, v16;
	v13 =	vadd.s32 v13, v17  }
0x7a: {  	v32 =	vmul.f32 v15, v16;
	v58 =	vnsel vm9, $0x0, v55;
	v14 =	vadd.s32 v14, v17;
	[tilespmem:$0x2140] =	vst v13  }
0x7b: {  	v17 =	vor.u32 v5, v29;
	v28 =	vmul.f32 v12, v58;
	[tilespmem:$0x2160] =	vst v14  }
0x7c: {  	v30 =	vmul.f32 v15, v58;
	v31 =	vor.u32 $0x1, v17;
	[tilespmem:$0x22E0] =	vst v32  }
0x7d: {  	v12 =	vmul.f32 v12, v16;
	[tilespmem:$0x2280] =	vst v28  }
0x7e: {  	v35 =	vld [tilespmem:$0x2090];
	v33 =	vor.u32 $0x2, v17;
	[tilespmem:$0x22A0] =	vst v30  }
0x7f: {  	v34 =	vld [tilespmem:$0x2080];
	[tilespmem:$0x22C0] =	vst v12  }
0x80: {  	v14 =	vld.idx.msk [tilespmem:v17+s28+$0x0], $0xffff  }
0x81: {  	v13 =	vld.idx.msk [tilespmem:v31+s28+$0x0], $0xffff  }
0x82: {  	v36 =	vld [tilespmem:$0x20A0]  }
0x83: {  	v12 =	vld.idx.msk [tilespmem:v33+s28+$0x0], $0xffff;
	_ =	sdelay $0x2  }
0x84: {  	v15 =	vmul.f32 v34, v14;
	v16 =	vmul.f32 v35, v13  }
0x85: {  	v37 =	vld [tilespmem:$0x20B0]  }
0x86: {  	v38 =	vmul.f32 v36, v12;
	v15 =	vadd.f32 v16, v15  }
0x87: {  	v41 =	vld [tilespmem:$0x2040]  }
0x88: {  	v39 =	vld [tilespmem:$0x2000];
	v15 =	vadd.f32 v38, v15  }
0x89: {  	v40 =	vld [tilespmem:$0x2010]  }
0x8a: {  	v42 =	vld [tilespmem:$0x2050];
	v15 =	vadd.f32 v15, v37  }
0x8b: {  	v43 =	vld [tilespmem:$0x2020]  }
0x8c: {  	v44 =	vld [tilespmem:$0x2060];
	(erf) = vrcp.f32 v15;
	_ =	sdelay $0x1  }
0x8d: {  	v45 =	vmul.f32 v39, v14;
	v46 =	vmul.f32 v40, v13  }
0x8e: {  	v47 =	vld [tilespmem:$0x2030];
	v20 =	vmul.f32 v42, v13;
	v16 =	vmul.f32 v41, v14  }
0x8f: {  	v49 =	vld [tilespmem:$0x2070];
	v48 =	vmul.f32 v43, v12;
	v15 =	vadd.f32 v46, v45  }
0x90: {  	v50 =	vmul.f32 v44, v12;
	v16 =	vadd.f32 v20, v16  }
0x91: {  	v15 =	vadd.f32 v48, v15  }
0x92: {  	v16 =	vadd.f32 v50, v16  }
0x93: {  	v15 =	vadd.f32 v15, v47  }
0x94: {  	v16 =	vadd.f32 v16, v49;
	v51 =	vpop (erf)  }
0x95: {  	v15 =	vmul.f32 v51, v15  }
0x96: {  	v16 =	vmul.f32 v51, v16  }
0x97: {  	v15 =	vmul.f32 $1.459854000e-02, v15  }
0x98: {  	v16 =	vmul.f32 $1.459854000e-02, v16  }
0x99: {  	v15 =	vadd.f32 $-1.000000000e+00, v15  }
0x9a: {  	v16 =	vadd.f32 $-1.000000000e+00, v16  }
0x9b: {  	v15 =	vadd.f32 $1.000000000e+00, v15  }
0x9c: {  	v16 =	vadd.f32 $1.000000000e+00, v16  }
0x9d: {  	v52 =	vmul.f32 $5.600000000e+01, v15  }
0x9e: {  	v53 =	vmul.f32 $5.600000000e+01, v16;
	v33 =	vmul.f32 $2.800000000e+01, v15  }
0x9f: {  	v35 =	vmul.f32 $2.800000000e+01, v16;
	v15 =	vmul.f32 $1.400000000e+01, v15;
	v17 =	vadd.f32 $-1.000000000e+00, v52  }
0xa0: {  	v16 =	vmul.f32 $1.400000000e+01, v16;
	v18 =	vadd.f32 $-1.000000000e+00, v53;
	v25 =	vadd.f32 $-1.000000000e+00, v33  }
0xa1: {  	v27 =	vadd.f32 $-1.000000000e+00, v35;
	v15 =	vadd.f32 $-1.000000000e+00, v15;
	v17 =	vmul.f32 $5.000000000e-01, v17  }
0xa2: {  	v16 =	vadd.f32 $-1.000000000e+00, v16;
	v18 =	vmul.f32 $5.000000000e-01, v18;
	v25 =	vmul.f32 $5.000000000e-01, v25  }
0xa3: {  	v27 =	vmul.f32 $5.000000000e-01, v27;
	v15 =	vmul.f32 $5.000000000e-01, v15  }
0xa4: {  	v16 =	vmul.f32 $5.000000000e-01, v16;
	v17 =	vmax.f32 v17, $-2.000000000e+00;
	v18 =	vmax.f32 v18, $-2.000000000e+00  }
0xa5: {  	v38 =	vmax.f32 v25, $-2.000000000e+00;
	v39 =	vmax.f32 v27, $-2.000000000e+00;
	v15 =	vmax.f32 v15, $-2.000000000e+00  }
0xa6: {  	v16 =	vmax.f32 v16, $-2.000000000e+00;
	v17 =	vmin.f32 v17, $5.700000000e+01;
	v18 =	vmin.f32 v18, $5.700000000e+01  }
0xa7: {  	v25 =	vmin.f32 v39, $2.900000000e+01;
	v15 =	vmin.f32 v15, $1.500000000e+01;
	v54 =	vtrunc.f32 v17  }
0xa8: {  	v16 =	vmin.f32 v16, $1.500000000e+01;
	v56 =	vtrunc.f32 v18;
	v42 =	vtrunc.f32 v25  }
0xa9: {  	v55 =	vcvt.f32.s32 v54;
	vm4 =	vlt.f32 v17, v54;
	v57 =	vcvt.f32.s32 v56  }
0xaa: {  	vm5 =	vlt.f32 v18, v56;
	v43 =	vcvt.f32.s32 v42;
	v56 =	vtrunc.f32 v15  }
0xab: {  	v58 =	vsel vm4, $0xFFFFFFFF, v8;
	v21 =	vsel vm5, $0xFFFFFFFF, v8;
	vm5 =	vlt.f32 v25, v42  }
0xac: {  	v20 =	vadd.s32 v55, v58;
	v19 =	vadd.s32 v57, v21;
	v57 =	vcvt.f32.s32 v56  }
0xad: {  	v29 =	vsel vm5, $0xFFFFFFFF, v8;
	v58 =	vtrunc.f32 v16;
	v59 =	vcvt.s32.f32 v20  }
0xae: {  	v60 =	vcvt.s32.f32 v19;
	v61 =	vadd.s32 $0x1, v20;
	vm6 =	vlt.u32 v20, $0x38  }
0xaf: {  	v32 =	vadd.s32 $0x1, v19;
	vm8 =	vlt.u32 v19, $0x38;
	vm10 =	vgt.s32 v19, $0x0  }
0xb0: {  	vm11 =	vgt.s32 v20, $0x0;
	v27 =	vadd.s32 v43, v29;
	vm7 =	vlt.u32 v61, $0x38  }
0xb1: {  	vm9 =	vlt.u32 v32, $0x38;
	v19 =	vnsel vm10, $0x0, v19;
	vm12 =	vgt.s32 v32, $0x0  }
0xb2: {  	v34 =	vnsel vm11, $0x0, v20;
	v46 =	vcvt.s32.f32 v27;
	vm10 =	vgt.s32 v27, $0x0  }
0xb3: {  	v53 =	vadd.s32 $0x1, v27;
	v17 =	vsub.f32 v17, v59;
	v18 =	vsub.f32 v18, v60  }
0xb4: {  	v19 =	vmin.u32 v19, $0x37;
	v24 =	vnsel vm12, $0x0, v32;
	v26 =	vmin.u32 v34, $0x36  }
0xb5: {  	v54 =	vnsel vm10, $0x0, v27;
	v60 =	vcvt.f32.s32 v58;
	vm5 =	vlt.u32 v53, $0x1C  }
0xb6: {  	v24 =	vmin.u32 v24, $0x37;
	v36 =	vadd.s32 $0xFFFFFFFF, v26;
	vm13 =	veq.s32 v20, v26  }
0xb7: {  	v37 =	vadd.s32 $0x1, v26;
	v19 =	vmul.u32 $0x38, v19;
	v26 =	vor.u32 v1, v26  }
0xb8: {  	v22 =	vsub.f32 v25, v46;
	v35 =	vmin.u32 v54, $0x1B;
	v21 =	vsub.f32 $1.000000000e+00, v17  }
0xb9: {  	v62 =	vsub.f32 $1.000000000e+00, v18;
	v17 =	vnsel vm7, $0x0, v17;
	v18 =	vnsel vm9, $0x0, v18  }
0xba: {  	vm14 =	veq.s32 v20, v36;
	vm15 =	veq.s32 v20, v37;
	v20 =	vmin.f32 v38, $2.900000000e+01  }
0xbb: {  	v24 =	vmul.u32 $0x38, v24;
	v36 =	vmul.u32 $0x1C, v35;
	v28 =	vnsel vm14, $0x0, v17  }
0xbc: {  	v17 =	vnsel vm13, $0x0, v17;
	v40 =	vtrunc.f32 v20;
	v19 =	vadd.s32 v19, v26  }
0xbd: {  	v25 =	vsub.f32 $1.000000000e+00, v22;
	vm14 =	vgt.s32 v53, $0x0;
	v38 =	vnsel vm5, $0x0, v22  }
0xbe: {  	v63 =	vnsel vm6, $0x0, v21;
	v23 =	vnsel vm8, $0x0, v62;
	v21 =	vsel vm13, v21, v28  }
0xbf: {  	v41 =	vcvt.f32.s32 v40;
	vm4 =	vlt.f32 v20, v40;
	v24 =	vadd.s32 v24, v26  }
0xc0: {  	vm13 =	vlt.f32 v15, v56;
	v61 =	vnsel vm14, $0x0, v53;
	v44 =	vsel vm4, $0xFFFFFFFF, v8  }
0xc1: {  	v17 =	vsel vm15, v63, v17;
	v47 =	vmul.f32 v21, v23;
	v21 =	vmul.f32 v21, v18  }
0xc2: {  	v59 =	vsel vm13, $0xFFFFFFFF, v8;
	vm15 =	vlt.f32 v16, v58;
	vm4 =	vlt.u32 v27, $0x1C  }
0xc3: {  	v28 =	vadd.s32 v41, v44;
	v23 =	vmul.f32 v17, v23;
	v17 =	vmul.f32 v17, v18  }
0xc4: {  	v62 =	vsel vm15, $0xFFFFFFFF, v8;
	v34 =	vnsel vm4, $0x0, v25;
	v45 =	vcvt.s32.f32 v28  }
0xc5: {  	vm6 =	vgt.s32 v28, $0x0;
	v49 =	vadd.s32 $0x1, v28;
	vm8 =	vlt.u32 v28, $0x1C  }
0xc6: {  	v27 =	vadd.s32 v60, v62;
	v30 =	vnsel vm6, $0x0, v28;
	vm7 =	vlt.u32 v49, $0x1C  }
0xc7: {  	v37 =	vcvt.s32.f32 v27;
	vm10 =	vgt.s32 v27, $0x0;
	v50 =	vmin.u32 v30, $0x1A  }
0xc8: {  	v20 =	vsub.f32 v20, v45;
	v30 =	vadd.s32 $0xFFFFFFFF, v50;
	vm11 =	veq.s32 v28, v50  }
0xc9: {  	v55 =	vadd.s32 $0x1, v50;
	v39 =	vadd.s32 v3, v50;
	v16 =	vsub.f32 v16, v37  }
0xca: {  	[tilespmem:v9+s13+$0x0] =	vst.idx.msk $0xffff, v14;
	v50 =	vadd.s32 $0x1, v27;
	v48 =	vsub.f32 $1.000000000e+00, v20;
	v20 =	vnsel vm7, $0x0, v20  }
0xcb: {  	vm9 =	veq.s32 v28, v30;
	vm12 =	veq.s32 v28, v55;
	v30 =	vadd.s32 v57, v59  }
0xcc: {  	[tilespmem:v10+s13+$0x0] =	vst.idx.msk $0xffff, v13;
	v28 =	vmin.u32 v61, $0x1B;
	v13 =	vadd.s32 v36, v39;
	vm14 =	vlt.u32 v50, $0xE  }
0xcd: {  	v52 =	vnsel vm9, $0x0, v20;
	v20 =	vnsel vm11, $0x0, v20;
	v63 =	vcvt.s32.f32 v30  }
0xce: {  	[tilespmem:v11+s13+$0x0] =	vst.idx.msk $0xffff, v12;
	v28 =	vmul.u32 $0x1C, v28;
	v43 =	vsub.f32 $1.000000000e+00, v16;
	vm6 =	vlt.u32 v30, $0xE  }
0xcf: {  	[tilespmem:$0x20D0] =	vst v19;
	v44 =	vadd.s32 $0x1, v30;
	vm7 =	vgt.s32 v30, $0x0;
	vm9 =	vlt.u32 v27, $0xE  }
0xd0: {  	[tilespmem:$0x20F0] =	vst v24;
	v61 =	vnsel vm14, $0x0, v16;
	v51 =	vnsel vm8, $0x0, v48;
	v18 =	vsel vm11, v48, v52  }
0xd1: {  	[tilespmem:$0x2190] =	vst v47;
	vm8 =	vlt.u32 v44, $0xE;
	v46 =	vnsel vm7, $0x0, v30;
	v20 =	vsel vm12, v51, v20  }
0xd2: {  	[tilespmem:$0x21D0] =	vst v21;
	v15 =	vsub.f32 v15, v63;
	v40 =	vmul.f32 v18, v34;
	v41 =	vadd.s32 v28, v39  }
0xd3: {  	[tilespmem:$0x21B0] =	vst v23;
	v18 =	vmul.f32 v18, v38;
	v47 =	vmin.u32 v46, $0xC;
	v48 =	vnsel vm9, $0x0, v43  }
0xd4: {  	[tilespmem:$0x21F0] =	vst v17;
	v51 =	vnsel vm10, $0x0, v27;
	vm12 =	vgt.s32 v50, $0x0;
	v14 =	vmul.f32 v20, v34  }
0xd5: {  	[tilespmem:$0x2110] =	vst v13;
	v12 =	vmul.f32 v20, v38;
	v49 =	vadd.s32 $0xFFFFFFFF, v47;
	vm13 =	veq.s32 v30, v47  }
0xd6: {  	[tilespmem:$0x2130] =	vst v41;
	v53 =	vmin.u32 v51, $0xD;
	v54 =	vnsel vm12, $0x0, v50;
	v57 =	vadd.s32 $0x1, v47  }
0xd7: {  	v58 =	vadd.s32 v4, v47;
	v42 =	vsub.f32 $1.000000000e+00, v15;
	v15 =	vnsel vm8, $0x0, v15;
	[tilespmem:$0x2210] =	vst v40  }
0xd8: {  	vm11 =	veq.s32 v30, v49;
	v55 =	vmin.u32 v54, $0xD;
	v56 =	vmul.u32 $0xE, v53;
	[tilespmem:$0x2250] =	vst v18  }
0xd9: {  	vm15 =	veq.s32 v30, v57;
	v52 =	vnsel vm11, $0x0, v15;
	[tilespmem:$0x2230] =	vst v14;
	v13 =	vmul.u32 $0xE, v55  }
0xda: {  	[tilespmem:$0x2270] =	vst v12;
	v59 =	vnsel vm13, $0x0, v15;
	v19 =	vsel vm13, v42, v52;
	v14 =	vadd.s32 v56, v58  }
0xdb: {  	v45 =	vnsel vm6, $0x0, v42;
	v13 =	vadd.s32 v13, v58;
	[tilespmem:$0x2150] =	vst v14;
	v60 =	vmul.f32 v19, v48  }
0xdc: {  	v12 =	vsel vm15, v45, v59;
	v63 =	vmul.f32 v19, v61;
	[tilespmem:$0x2170] =	vst v13  }
0xdd: {  	v62 =	vmul.f32 v12, v48;
	[tilespmem:$0x2290] =	vst v60  }
0xde: {  	v12 =	vmul.f32 v12, v61;
	[tilespmem:$0x22D0] =	vst v63  }
0xdf: {  	[tilespmem:$0x22B0] =	vst v62  }
0xe0: {  	[tilespmem:$0x22F0] =	vst v12  }
0xe1: {  	[tilespmem:s16], [sflag:$0x1] =	stream.indirect.gather [hbm4b:s3+s14], $0xC0, s15, s14, $0xb8;
	[tilespmem:$0x1C800] =	vst v63  }
0xe2: {  	_ = 	snop  }
0xe3: {  	[tilespmem:s18], [sflag:$0x2] =	stream.indirect.gather [hbm4b:s4+s14], $0x180, s17, s14, $0xb8;
	[tilespmem:$0x1C800] =	vst v63  }
0xe4: {  	_ = 	snop  }
0xe5: {  	[tilespmem:s20], [sflag:$0x3] =	stream.indirect.gather [hbm4b:s5+s14], $0x300, s19, s14, $0xb8;
	[tilespmem:$0x1C800] =	vst v63  }
0xe6: {  	_ =	swait.ge [sflag:s21], $0x3000  }
0xe7: {  	[sflag:s21] =	ssyncset.done $0x0  }
0xe8: {  	[sflag:s21] =	ssyncadd.s32 $0xFFFFD000  }
0xe9: {  	_ =	swait.ge [sflag:s22], $0x6000  }
0xea: {  	[sflag:s22] =	ssyncset.done $0x0  }
0xeb: {  	[sflag:s22] =	ssyncadd.s32 $0xFFFFA000  }
0xec: {  	_ =	swait.ge [sflag:s23], $0xC000  }
0xed: {  	s29 =	simm.s32 $0x3BB0;
	[sflag:s23] =	ssyncset.done $0x0  }
0xee: {  	s30 =	simm.s32 $0x8470;
	s31 =	simm.s32 $0x0;
	[sflag:s23] =	ssyncadd.s32 $0xFFFF4000  }
.LBB2_3:
0xef: {  	s0 =	sand.u32 $0x10, s31;
	v16 =	vld [tilespmem:s29+$0xFFFFE750]  }
0xf0: {  	v12 =	vld [tilespmem:s0+$0x2180]  }
0xf1: {  	v13 =	vld [tilespmem:s0+$0x21A0]  }
0xf2: {  	v15 =	vld [tilespmem:s0+$0x21C0]  }
0xf3: {  	v17 =	vld [tilespmem:s29+$0xFFFFE7B0]  }
0xf4: {  	s1 =	sand.u32 $0xF, s31;
	v19 =	vld [tilespmem:s29+$0xFFFFFF50]  }
0xf5: {  	v18 =	vld [tilespmem:s0+$0x21E0];
	v14 =	vmov s1  }
0xf6: {  	v20 =	vmov s31;
	v21 =	vperm.xlane v12, v14;
	v13 =	vperm.xlane v13, v14  }
0xf7: {  	v22 =	vld [tilespmem:s29+$0xFFFFFFB0];
	v57 =	vmul.u32 $0x2A8, v20;
	v15 =	vperm.xlane v15, v14  }
0xf8: {  	v16 =	vmul.f32 v16, v21;
	v17 =	vmul.f32 v17, v13  }
0xf9: {  	v59 =	vadd.s32 $0x3, v0;
	v12 =	vbroadcast v57, $0x0  }
0xfa: {  	v18 =	vperm.xlane v18, v14;
	v58 =	vmul.f32 v19, v15;
	v16 =	vadd.f32 v17, v16  }
0xfb: {  	v19 =	vadd.s32 v59, v12  }
0xfc: {  	v60 =	vmul.f32 v22, v18;
	v16 =	vadd.f32 v58, v16;
	_ =	sdelay $0x1  }
0xfd: {  	v16 =	vadd.f32 v60, v16;
	_ =	sdelay $0x1  }
0xfe: {  	[tilespmem:v19+s13+$0x0] =	vst.idx.msk $0xffff, v16  }
0xff: {  	v16 =	vld [tilespmem:s29+$0xFFFFE760]  }
0x100: {  	v61 =	vld [tilespmem:s29+$0xFFFFE7C0];
	_ =	sdelay $0x1  }
0x101: {  	v19 =	vld [tilespmem:s29+$0xFFFFFF60];
	_ =	sdelay $0x1  }
0x102: {  	v62 =	vld [tilespmem:s29+$0xFFFFFFC0]  }
0x103: {  	v16 =	vmul.f32 v16, v21;
	v17 =	vmul.f32 v61, v13;
	_ =	sdelay $0x1  }
0x104: {  	v22 =	vadd.s32 $0x13, v0;
	v63 =	vmul.f32 v19, v15;
	v16 =	vadd.f32 v17, v16  }
0x105: {  	v19 =	vadd.s32 v22, v12  }
0x106: {  	v23 =	vmul.f32 v62, v18;
	v16 =	vadd.f32 v63, v16;
	_ =	sdelay $0x1  }
0x107: {  	v16 =	vadd.f32 v23, v16;
	_ =	sdelay $0x1  }
0x108: {  	[tilespmem:v19+s13+$0x0] =	vst.idx.msk $0xffff, v16  }
0x109: {  	v16 =	vld [tilespmem:s29+$0xFFFFE770]  }
0x10a: {  	v24 =	vld [tilespmem:s29+$0xFFFFE7D0];
	_ =	sdelay $0x1  }
0x10b: {  	v19 =	vld [tilespmem:s29+$0xFFFFFF70];
	_ =	sdelay $0x1  }
0x10c: {  	v25 =	vld [tilespmem:s29+$0xFFFFFFD0]  }
0x10d: {  	v16 =	vmul.f32 v16, v21;
	v17 =	vmul.f32 v24, v13;
	_ =	sdelay $0x1  }
0x10e: {  	v27 =	vadd.s32 $0x23, v0;
	v26 =	vmul.f32 v19, v15;
	v16 =	vadd.f32 v17, v16  }
0x10f: {  	v19 =	vadd.s32 v27, v12  }
0x110: {  	v28 =	vmul.f32 v25, v18;
	v16 =	vadd.f32 v26, v16;
	_ =	sdelay $0x1  }
0x111: {  	v16 =	vadd.f32 v28, v16;
	_ =	sdelay $0x1  }
0x112: {  	[tilespmem:v19+s13+$0x0] =	vst.idx.msk $0xffff, v16  }
0x113: {  	v16 =	vld [tilespmem:s29+$0xFFFFE780]  }
0x114: {  	v29 =	vld [tilespmem:s29+$0xFFFFE7E0];
	_ =	sdelay $0x1  }
0x115: {  	v19 =	vld [tilespmem:s29+$0xFFFFFF80];
	_ =	sdelay $0x1  }
0x116: {  	v30 =	vld [tilespmem:s29+$0xFFFFFFE0]  }
0x117: {  	v16 =	vmul.f32 v16, v21;
	v17 =	vmul.f32 v29, v13;
	_ =	sdelay $0x1  }
0x118: {  	v32 =	vadd.s32 $0x33, v0;
	v31 =	vmul.f32 v19, v15;
	v16 =	vadd.f32 v17, v16  }
0x119: {  	v19 =	vadd.s32 v32, v12  }
0x11a: {  	v33 =	vmul.f32 v30, v18;
	v16 =	vadd.f32 v31, v16;
	_ =	sdelay $0x1  }
0x11b: {  	v16 =	vadd.f32 v33, v16;
	_ =	sdelay $0x1  }
0x11c: {  	[tilespmem:v19+s13+$0x0] =	vst.idx.msk $0xffff, v16  }
0x11d: {  	v16 =	vld [tilespmem:s29+$0xFFFFE790]  }
0x11e: {  	v34 =	vld [tilespmem:s29+$0xFFFFE7F0];
	_ =	sdelay $0x1  }
0x11f: {  	v19 =	vld [tilespmem:s29+$0xFFFFFF90];
	_ =	sdelay $0x1  }
0x120: {  	v35 =	vld [tilespmem:s29+$0xFFFFFFF0]  }
0x121: {  	v16 =	vmul.f32 v16, v21;
	v17 =	vmul.f32 v34, v13;
	_ =	sdelay $0x1  }
0x122: {  	v37 =	vadd.s32 $0x43, v0;
	v36 =	vmul.f32 v19, v15;
	v16 =	vadd.f32 v17, v16  }
0x123: {  	v19 =	vadd.s32 v37, v12  }
0x124: {  	v38 =	vmul.f32 v35, v18;
	v16 =	vadd.f32 v36, v16;
	_ =	sdelay $0x1  }
0x125: {  	v16 =	vadd.f32 v38, v16;
	_ =	sdelay $0x1  }
0x126: {  	[tilespmem:v19+s13+$0x0] =	vst.idx.msk $0xffff, v16  }
0x127: {  	v16 =	vld [tilespmem:s29+$0xFFFFE7A0]  }
0x128: {  	v39 =	vld [tilespmem:s29+$0xFFFFE800];
	_ =	sdelay $0x1  }
0x129: {  	v19 =	vld [tilespmem:s29+$0xFFFFFFA0];
	_ =	sdelay $0x1  }
0x12a: {  	v40 =	vld [tilespmem:s29+$0x0]  }
0x12b: {  	v16 =	vmul.f32 v16, v21;
	v13 =	vmul.f32 v39, v13;
	_ =	sdelay $0x1  }
0x12c: {  	v41 =	vadd.s32 $0x53, v0;
	v15 =	vmul.f32 v19, v15;
	v13 =	vadd.f32 v13, v16  }
0x12d: {  	v16 =	vadd.s32 v41, v12  }
0x12e: {  	v42 =	vmul.f32 v40, v18;
	v13 =	vadd.f32 v15, v13;
	_ =	sdelay $0x1  }
0x12f: {  	v13 =	vadd.f32 v42, v13;
	_ =	sdelay $0x1  }
0x130: {  	[tilespmem:v16+s13+$0x0] =	vst.idx.msk $0xffff, v13  }
0x131: {  	v13 =	vld [tilespmem:s0+$0x2200]  }
0x132: {  	v43 =	vld [tilespmem:s0+$0x2220]  }
0x133: {  	v44 =	vld [tilespmem:s0+$0x2240]  }
0x134: {  	v45 =	vld [tilespmem:s30+$0xFFFFCE90]  }
0x135: {  	v46 =	vld [tilespmem:s30+$0xFFFFCF50]  }
0x136: {  	v47 =	vld [tilespmem:s0+$0x2260]  }
0x137: {  	v48 =	vld [tilespmem:s30+$0xFFFFFE90]  }
0x138: {  	v16 =	vperm.xlane v13, v14;
	v17 =	vperm.xlane v43, v14  }
0x139: {  	v49 =	vld [tilespmem:s30+$0xFFFFFF50];
	v13 =	vperm.xlane v44, v14  }
0x13a: {  	v19 =	vmul.f32 v45, v16;
	v20 =	vmul.f32 v46, v17  }
0x13b: {  	v51 =	vadd.s32 $0x63, v0  }
0x13c: {  	v15 =	vperm.xlane v47, v14;
	v50 =	vmul.f32 v48, v13;
	v19 =	vadd.f32 v20, v19  }
0x13d: {  	v21 =	vadd.s32 v51, v12  }
0x13e: {  	v18 =	vmul.f32 v49, v15;
	v19 =	vadd.f32 v50, v19;
	_ =	sdelay $0x1  }
0x13f: {  	v18 =	vadd.f32 v18, v19;
	_ =	sdelay $0x1  }
0x140: {  	[tilespmem:v21+s13+$0x0] =	vst.idx.msk $0xffff, v18  }
0x141: {  	v18 =	vld [tilespmem:s30+$0xFFFFCEA0]  }
0x142: {  	v52 =	vld [tilespmem:s30+$0xFFFFCF60];
	_ =	sdelay $0x1  }
0x143: {  	v53 =	vld [tilespmem:s30+$0xFFFFFEA0];
	_ =	sdelay $0x1  }
0x144: {  	v21 =	vld [tilespmem:s30+$0xFFFFFF60]  }
0x145: {  	v18 =	vmul.f32 v18, v16;
	v19 =	vmul.f32 v52, v17;
	_ =	sdelay $0x1  }
0x146: {  	v55 =	vadd.s32 $0x73, v0;
	v54 =	vmul.f32 v53, v13;
	v18 =	vadd.f32 v19, v18  }
0x147: {  	v20 =	vadd.s32 v55, v12  }
0x148: {  	v56 =	vmul.f32 v21, v15;
	v18 =	vadd.f32 v54, v18;
	_ =	sdelay $0x1  }
0x149: {  	v18 =	vadd.f32 v56, v18;
	_ =	sdelay $0x1  }
0x14a: {  	[tilespmem:v20+s13+$0x0] =	vst.idx.msk $0xffff, v18  }
0x14b: {  	v18 =	vld [tilespmem:s30+$0xFFFFCEB0]  }
0x14c: {  	v57 =	vld [tilespmem:s30+$0xFFFFCF70];
	_ =	sdelay $0x1  }
0x14d: {  	v20 =	vld [tilespmem:s30+$0xFFFFFEB0];
	_ =	sdelay $0x1  }
0x14e: {  	v58 =	vld [tilespmem:s30+$0xFFFFFF70]  }
0x14f: {  	v18 =	vmul.f32 v18, v16;
	v19 =	vmul.f32 v57, v17;
	_ =	sdelay $0x1  }
0x150: {  	v60 =	vadd.s32 $0x83, v0;
	v59 =	vmul.f32 v20, v13;
	v18 =	vadd.f32 v19, v18  }
0x151: {  	v20 =	vadd.s32 v60, v12  }
0x152: {  	v61 =	vmul.f32 v58, v15;
	v18 =	vadd.f32 v59, v18;
	_ =	sdelay $0x1  }
0x153: {  	v18 =	vadd.f32 v61, v18;
	_ =	sdelay $0x1  }
0x154: {  	[tilespmem:v20+s13+$0x0] =	vst.idx.msk $0xffff, v18  }
0x155: {  	v18 =	vld [tilespmem:s30+$0xFFFFCEC0]  }
0x156: {  	v62 =	vld [tilespmem:s30+$0xFFFFCF80];
	_ =	sdelay $0x1  }
0x157: {  	v20 =	vld [tilespmem:s30+$0xFFFFFEC0];
	_ =	sdelay $0x1  }
0x158: {  	v63 =	vld [tilespmem:s30+$0xFFFFFF80]  }
0x159: {  	v18 =	vmul.f32 v18, v16;
	v19 =	vmul.f32 v62, v17;
	_ =	sdelay $0x1  }
0x15a: {  	v25 =	vadd.s32 $0x93, v0;
	v24 =	vmul.f32 v20, v13;
	v18 =	vadd.f32 v19, v18  }
0x15b: {  	v20 =	vadd.s32 v25, v12  }
0x15c: {  	v26 =	vmul.f32 v63, v15;
	v18 =	vadd.f32 v24, v18;
	_ =	sdelay $0x1  }
0x15d: {  	v18 =	vadd.f32 v26, v18;
	_ =	sdelay $0x1  }
0x15e: {  	[tilespmem:v20+s13+$0x0] =	vst.idx.msk $0xffff, v18  }
0x15f: {  	v18 =	vld [tilespmem:s30+$0xFFFFCED0]  }
0x160: {  	v27 =	vld [tilespmem:s30+$0xFFFFCF90];
	_ =	sdelay $0x1  }
0x161: {  	v20 =	vld [tilespmem:s30+$0xFFFFFED0];
	_ =	sdelay $0x1  }
0x162: {  	v28 =	vld [tilespmem:s30+$0xFFFFFF90]  }
0x163: {  	v18 =	vmul.f32 v18, v16;
	v19 =	vmul.f32 v27, v17;
	_ =	sdelay $0x1  }
0x164: {  	v30 =	vadd.s32 $0xA3, v0;
	v29 =	vmul.f32 v20, v13;
	v18 =	vadd.f32 v19, v18  }
0x165: {  	v20 =	vadd.s32 v30, v12  }
0x166: {  	v31 =	vmul.f32 v28, v15;
	v18 =	vadd.f32 v29, v18;
	_ =	sdelay $0x1  }
0x167: {  	v18 =	vadd.f32 v31, v18;
	_ =	sdelay $0x1  }
0x168: {  	[tilespmem:v20+s13+$0x0] =	vst.idx.msk $0xffff, v18  }
0x169: {  	v18 =	vld [tilespmem:s30+$0xFFFFCEE0]  }
0x16a: {  	v32 =	vld [tilespmem:s30+$0xFFFFCFA0];
	_ =	sdelay $0x1  }
0x16b: {  	v20 =	vld [tilespmem:s30+$0xFFFFFEE0];
	_ =	sdelay $0x1  }
0x16c: {  	v33 =	vld [tilespmem:s30+$0xFFFFFFA0]  }
0x16d: {  	v18 =	vmul.f32 v18, v16;
	v19 =	vmul.f32 v32, v17;
	_ =	sdelay $0x1  }
0x16e: {  	v35 =	vadd.s32 $0xB3, v0;
	v34 =	vmul.f32 v20, v13;
	v18 =	vadd.f32 v19, v18  }
0x16f: {  	v20 =	vadd.s32 v35, v12  }
0x170: {  	v36 =	vmul.f32 v33, v15;
	v18 =	vadd.f32 v34, v18;
	_ =	sdelay $0x1  }
0x171: {  	v18 =	vadd.f32 v36, v18;
	_ =	sdelay $0x1  }
0x172: {  	[tilespmem:v20+s13+$0x0] =	vst.idx.msk $0xffff, v18  }
0x173: {  	v18 =	vld [tilespmem:s30+$0xFFFFCEF0]  }
0x174: {  	v37 =	vld [tilespmem:s30+$0xFFFFCFB0];
	_ =	sdelay $0x1  }
0x175: {  	v20 =	vld [tilespmem:s30+$0xFFFFFEF0];
	_ =	sdelay $0x1  }
0x176: {  	v38 =	vld [tilespmem:s30+$0xFFFFFFB0]  }
0x177: {  	v18 =	vmul.f32 v18, v16;
	v19 =	vmul.f32 v37, v17;
	_ =	sdelay $0x1  }
0x178: {  	v40 =	vadd.s32 $0xC3, v0;
	v39 =	vmul.f32 v20, v13;
	v18 =	vadd.f32 v19, v18  }
0x179: {  	v20 =	vadd.s32 v40, v12  }
0x17a: {  	v41 =	vmul.f32 v38, v15;
	v18 =	vadd.f32 v39, v18;
	_ =	sdelay $0x1  }
0x17b: {  	v18 =	vadd.f32 v41, v18;
	_ =	sdelay $0x1  }
0x17c: {  	[tilespmem:v20+s13+$0x0] =	vst.idx.msk $0xffff, v18  }
0x17d: {  	v18 =	vld [tilespmem:s30+$0xFFFFCF00]  }
0x17e: {  	v42 =	vld [tilespmem:s30+$0xFFFFCFC0];
	_ =	sdelay $0x1  }
0x17f: {  	v20 =	vld [tilespmem:s30+$0xFFFFFF00];
	_ =	sdelay $0x1  }
0x180: {  	v43 =	vld [tilespmem:s30+$0xFFFFFFC0]  }
0x181: {  	v18 =	vmul.f32 v18, v16;
	v19 =	vmul.f32 v42, v17;
	_ =	sdelay $0x1  }
0x182: {  	v45 =	vadd.s32 $0xD3, v0;
	v44 =	vmul.f32 v20, v13;
	v18 =	vadd.f32 v19, v18  }
0x183: {  	v20 =	vadd.s32 v45, v12  }
0x184: {  	v46 =	vmul.f32 v43, v15;
	v18 =	vadd.f32 v44, v18;
	_ =	sdelay $0x1  }
0x185: {  	v18 =	vadd.f32 v46, v18;
	_ =	sdelay $0x1  }
0x186: {  	[tilespmem:v20+s13+$0x0] =	vst.idx.msk $0xffff, v18  }
0x187: {  	v18 =	vld [tilespmem:s30+$0xFFFFCF10]  }
0x188: {  	v47 =	vld [tilespmem:s30+$0xFFFFCFD0];
	_ =	sdelay $0x1  }
0x189: {  	v20 =	vld [tilespmem:s30+$0xFFFFFF10];
	_ =	sdelay $0x1  }
0x18a: {  	v48 =	vld [tilespmem:s30+$0xFFFFFFD0]  }
0x18b: {  	v18 =	vmul.f32 v18, v16;
	v19 =	vmul.f32 v47, v17;
	_ =	sdelay $0x1  }
0x18c: {  	v50 =	vadd.s32 $0xE3, v0;
	v49 =	vmul.f32 v20, v13;
	v18 =	vadd.f32 v19, v18  }
0x18d: {  	v20 =	vadd.s32 v50, v12  }
0x18e: {  	v51 =	vmul.f32 v48, v15;
	v18 =	vadd.f32 v49, v18;
	_ =	sdelay $0x1  }
0x18f: {  	v18 =	vadd.f32 v51, v18;
	_ =	sdelay $0x1  }
0x190: {  	[tilespmem:v20+s13+$0x0] =	vst.idx.msk $0xffff, v18  }
0x191: {  	v18 =	vld [tilespmem:s30+$0xFFFFCF20]  }
0x192: {  	v52 =	vld [tilespmem:s30+$0xFFFFCFE0];
	_ =	sdelay $0x1  }
0x193: {  	v20 =	vld [tilespmem:s30+$0xFFFFFF20];
	_ =	sdelay $0x1  }
0x194: {  	v53 =	vld [tilespmem:s30+$0xFFFFFFE0]  }
0x195: {  	v18 =	vmul.f32 v18, v16;
	v19 =	vmul.f32 v52, v17;
	_ =	sdelay $0x1  }
0x196: {  	v55 =	vadd.s32 $0xF3, v0;
	v54 =	vmul.f32 v20, v13;
	v18 =	vadd.f32 v19, v18  }
0x197: {  	v20 =	vadd.s32 v55, v12  }
0x198: {  	v56 =	vmul.f32 v53, v15;
	v18 =	vadd.f32 v54, v18;
	_ =	sdelay $0x1  }
0x199: {  	v18 =	vadd.f32 v56, v18;
	_ =	sdelay $0x1  }
0x19a: {  	[tilespmem:v20+s13+$0x0] =	vst.idx.msk $0xffff, v18  }
0x19b: {  	v18 =	vld [tilespmem:s30+$0xFFFFCF30]  }
0x19c: {  	v57 =	vld [tilespmem:s30+$0xFFFFCFF0];
	_ =	sdelay $0x1  }
0x19d: {  	v20 =	vld [tilespmem:s30+$0xFFFFFF30];
	_ =	sdelay $0x1  }
0x19e: {  	v58 =	vld [tilespmem:s30+$0xFFFFFFF0]  }
0x19f: {  	v18 =	vmul.f32 v18, v16;
	v19 =	vmul.f32 v57, v17;
	_ =	sdelay $0x1  }
0x1a0: {  	v60 =	vadd.s32 $0x103, v0;
	v59 =	vmul.f32 v20, v13;
	v18 =	vadd.f32 v19, v18  }
0x1a1: {  	v20 =	vadd.s32 v60, v12  }
0x1a2: {  	v61 =	vmul.f32 v58, v15;
	v18 =	vadd.f32 v59, v18;
	_ =	sdelay $0x1  }
0x1a3: {  	v18 =	vadd.f32 v61, v18;
	_ =	sdelay $0x1  }
0x1a4: {  	[tilespmem:v20+s13+$0x0] =	vst.idx.msk $0xffff, v18  }
0x1a5: {  	v18 =	vld [tilespmem:s30+$0xFFFFCF40]  }
0x1a6: {  	v62 =	vld [tilespmem:s30+$0xFFFFD000];
	_ =	sdelay $0x1  }
0x1a7: {  	v20 =	vld [tilespmem:s30+$0xFFFFFF40];
	_ =	sdelay $0x1  }
0x1a8: {  	v63 =	vld [tilespmem:s30+$0x0]  }
0x1a9: {  	v16 =	vmul.f32 v18, v16;
	v17 =	vmul.f32 v62, v17;
	_ =	sdelay $0x1  }
0x1aa: {  	v23 =	vadd.s32 $0x113, v0;
	v13 =	vmul.f32 v20, v13;
	v16 =	vadd.f32 v17, v16  }
0x1ab: {  	v17 =	vadd.s32 v23, v12  }
0x1ac: {  	v15 =	vmul.f32 v63, v15;
	v13 =	vadd.f32 v13, v16;
	_ =	sdelay $0x1  }
0x1ad: {  	v13 =	vadd.f32 v15, v13;
	_ =	sdelay $0x1  }
0x1ae: {  	[tilespmem:v17+s13+$0x0] =	vst.idx.msk $0xffff, v13  }
0x1af: {  	v13 =	vld [tilespmem:s0+$0x2280]  }
0x1b0: {  	v24 =	vld [tilespmem:s0+$0x22A0]  }
0x1b1: {  	s1 =	sshra.s32 s28, $0x2;
	v17 =	vld [tilespmem:s0+$0x22C0]  }
0x1b2: {  	v25 =	vld [tilespmem:s1+$0xB300]  }
0x1b3: {  	v26 =	vld [tilespmem:s1+$0xB480]  }
0x1b4: {  	v27 =	vld [tilespmem:s0+$0x22E0]  }
0x1b5: {  	v28 =	vld [tilespmem:s1+$0x11300]  }
0x1b6: {  	v15 =	vperm.xlane v13, v14;
	v16 =	vperm.xlane v24, v14  }
0x1b7: {  	v29 =	vld [tilespmem:s1+$0x11480];
	v13 =	vperm.xlane v17, v14  }
0x1b8: {  	v18 =	vmul.f32 v25, v15;
	v19 =	vmul.f32 v26, v16  }
0x1b9: {  	v31 =	vadd.s32 $0x123, v0  }
0x1ba: {  	v14 =	vperm.xlane v27, v14;
	v30 =	vmul.f32 v28, v13;
	v18 =	vadd.f32 v19, v18  }
0x1bb: {  	v20 =	vadd.s32 v31, v12  }
0x1bc: {  	v17 =	vmul.f32 v29, v14;
	v18 =	vadd.f32 v30, v18;
	_ =	sdelay $0x1  }
0x1bd: {  	v17 =	vadd.f32 v17, v18;
	_ =	sdelay $0x1  }
0x1be: {  	[tilespmem:v20+s13+$0x0] =	vst.idx.msk $0xffff, v17  }
0x1bf: {  	v17 =	vld [tilespmem:s1+$0xB310]  }
0x1c0: {  	v32 =	vld [tilespmem:s1+$0xB490];
	_ =	sdelay $0x1  }
0x1c1: {  	v33 =	vld [tilespmem:s1+$0x11310];
	_ =	sdelay $0x1  }
0x1c2: {  	v20 =	vld [tilespmem:s1+$0x11490]  }
0x1c3: {  	v17 =	vmul.f32 v17, v15;
	v18 =	vmul.f32 v32, v16;
	_ =	sdelay $0x1  }
0x1c4: {  	v35 =	vadd.s32 $0x133, v0;
	v34 =	vmul.f32 v33, v13;
	v17 =	vadd.f32 v18, v17  }
0x1c5: {  	v19 =	vadd.s32 v35, v12  }
0x1c6: {  	v36 =	vmul.f32 v20, v14;
	v17 =	vadd.f32 v34, v17;
	_ =	sdelay $0x1  }
0x1c7: {  	v17 =	vadd.f32 v36, v17;
	_ =	sdelay $0x1  }
0x1c8: {  	[tilespmem:v19+s13+$0x0] =	vst.idx.msk $0xffff, v17  }
0x1c9: {  	v17 =	vld [tilespmem:s1+$0xB320]  }
0x1ca: {  	v37 =	vld [tilespmem:s1+$0xB4A0];
	_ =	sdelay $0x1  }
0x1cb: {  	v19 =	vld [tilespmem:s1+$0x11320];
	_ =	sdelay $0x1  }
0x1cc: {  	v38 =	vld [tilespmem:s1+$0x114A0]  }
0x1cd: {  	v17 =	vmul.f32 v17, v15;
	v18 =	vmul.f32 v37, v16;
	_ =	sdelay $0x1  }
0x1ce: {  	v40 =	vadd.s32 $0x143, v0;
	v39 =	vmul.f32 v19, v13;
	v17 =	vadd.f32 v18, v17  }
0x1cf: {  	v19 =	vadd.s32 v40, v12  }
0x1d0: {  	v41 =	vmul.f32 v38, v14;
	v17 =	vadd.f32 v39, v17;
	_ =	sdelay $0x1  }
0x1d1: {  	v17 =	vadd.f32 v41, v17;
	_ =	sdelay $0x1  }
0x1d2: {  	[tilespmem:v19+s13+$0x0] =	vst.idx.msk $0xffff, v17  }
0x1d3: {  	v17 =	vld [tilespmem:s1+$0xB330]  }
0x1d4: {  	v42 =	vld [tilespmem:s1+$0xB4B0];
	_ =	sdelay $0x1  }
0x1d5: {  	v19 =	vld [tilespmem:s1+$0x11330];
	_ =	sdelay $0x1  }
0x1d6: {  	v43 =	vld [tilespmem:s1+$0x114B0]  }
0x1d7: {  	v17 =	vmul.f32 v17, v15;
	v18 =	vmul.f32 v42, v16;
	_ =	sdelay $0x1  }
0x1d8: {  	v45 =	vadd.s32 $0x153, v0;
	v44 =	vmul.f32 v19, v13;
	v17 =	vadd.f32 v18, v17  }
0x1d9: {  	v19 =	vadd.s32 v45, v12  }
0x1da: {  	v46 =	vmul.f32 v43, v14;
	v17 =	vadd.f32 v44, v17;
	_ =	sdelay $0x1  }
0x1db: {  	v17 =	vadd.f32 v46, v17;
	_ =	sdelay $0x1  }
0x1dc: {  	[tilespmem:v19+s13+$0x0] =	vst.idx.msk $0xffff, v17  }
0x1dd: {  	v17 =	vld [tilespmem:s1+$0xB340]  }
0x1de: {  	v47 =	vld [tilespmem:s1+$0xB4C0];
	_ =	sdelay $0x1  }
0x1df: {  	v19 =	vld [tilespmem:s1+$0x11340];
	_ =	sdelay $0x1  }
0x1e0: {  	v48 =	vld [tilespmem:s1+$0x114C0]  }
0x1e1: {  	v17 =	vmul.f32 v17, v15;
	v18 =	vmul.f32 v47, v16;
	_ =	sdelay $0x1  }
0x1e2: {  	v50 =	vadd.s32 $0x163, v0;
	v49 =	vmul.f32 v19, v13;
	v17 =	vadd.f32 v18, v17  }
0x1e3: {  	v19 =	vadd.s32 v50, v12  }
0x1e4: {  	v51 =	vmul.f32 v48, v14;
	v17 =	vadd.f32 v49, v17;
	_ =	sdelay $0x1  }
0x1e5: {  	v17 =	vadd.f32 v51, v17;
	_ =	sdelay $0x1  }
0x1e6: {  	[tilespmem:v19+s13+$0x0] =	vst.idx.msk $0xffff, v17  }
0x1e7: {  	v17 =	vld [tilespmem:s1+$0xB350]  }
0x1e8: {  	v52 =	vld [tilespmem:s1+$0xB4D0];
	_ =	sdelay $0x1  }
0x1e9: {  	v19 =	vld [tilespmem:s1+$0x11350];
	_ =	sdelay $0x1  }
0x1ea: {  	v53 =	vld [tilespmem:s1+$0x114D0]  }
0x1eb: {  	v17 =	vmul.f32 v17, v15;
	v18 =	vmul.f32 v52, v16;
	_ =	sdelay $0x1  }
0x1ec: {  	v55 =	vadd.s32 $0x173, v0;
	v54 =	vmul.f32 v19, v13;
	v17 =	vadd.f32 v18, v17  }
0x1ed: {  	v19 =	vadd.s32 v55, v12  }
0x1ee: {  	v56 =	vmul.f32 v53, v14;
	v17 =	vadd.f32 v54, v17;
	_ =	sdelay $0x1  }
0x1ef: {  	v17 =	vadd.f32 v56, v17;
	_ =	sdelay $0x1  }
0x1f0: {  	[tilespmem:v19+s13+$0x0] =	vst.idx.msk $0xffff, v17  }
0x1f1: {  	v17 =	vld [tilespmem:s1+$0xB360]  }
0x1f2: {  	v57 =	vld [tilespmem:s1+$0xB4E0];
	_ =	sdelay $0x1  }
0x1f3: {  	v19 =	vld [tilespmem:s1+$0x11360];
	_ =	sdelay $0x1  }
0x1f4: {  	v58 =	vld [tilespmem:s1+$0x114E0]  }
0x1f5: {  	v17 =	vmul.f32 v17, v15;
	v18 =	vmul.f32 v57, v16;
	_ =	sdelay $0x1  }
0x1f6: {  	v60 =	vadd.s32 $0x183, v0;
	v59 =	vmul.f32 v19, v13;
	v17 =	vadd.f32 v18, v17  }
0x1f7: {  	v19 =	vadd.s32 v60, v12  }
0x1f8: {  	v61 =	vmul.f32 v58, v14;
	v17 =	vadd.f32 v59, v17;
	_ =	sdelay $0x1  }
0x1f9: {  	v17 =	vadd.f32 v61, v17;
	_ =	sdelay $0x1  }
0x1fa: {  	[tilespmem:v19+s13+$0x0] =	vst.idx.msk $0xffff, v17  }
0x1fb: {  	v17 =	vld [tilespmem:s1+$0xB370]  }
0x1fc: {  	v62 =	vld [tilespmem:s1+$0xB4F0];
	_ =	sdelay $0x1  }
0x1fd: {  	v19 =	vld [tilespmem:s1+$0x11370];
	_ =	sdelay $0x1  }
0x1fe: {  	v63 =	vld [tilespmem:s1+$0x114F0]  }
0x1ff: {  	v17 =	vmul.f32 v17, v15;
	v18 =	vmul.f32 v62, v16;
	_ =	sdelay $0x1  }
0x200: {  	v25 =	vadd.s32 $0x193, v0;
	v24 =	vmul.f32 v19, v13;
	v17 =	vadd.f32 v18, v17  }
0x201: {  	v19 =	vadd.s32 v25, v12  }
0x202: {  	v26 =	vmul.f32 v63, v14;
	v17 =	vadd.f32 v24, v17;
	_ =	sdelay $0x1  }
0x203: {  	v17 =	vadd.f32 v26, v17;
	_ =	sdelay $0x1  }
0x204: {  	[tilespmem:v19+s13+$0x0] =	vst.idx.msk $0xffff, v17  }
0x205: {  	v17 =	vld [tilespmem:s1+$0xB380]  }
0x206: {  	v27 =	vld [tilespmem:s1+$0xB500];
	_ =	sdelay $0x1  }
0x207: {  	v19 =	vld [tilespmem:s1+$0x11380];
	_ =	sdelay $0x1  }
0x208: {  	v28 =	vld [tilespmem:s1+$0x11500]  }
0x209: {  	v17 =	vmul.f32 v17, v15;
	v18 =	vmul.f32 v27, v16;
	_ =	sdelay $0x1  }
0x20a: {  	v30 =	vadd.s32 $0x1A3, v0;
	v29 =	vmul.f32 v19, v13;
	v17 =	vadd.f32 v18, v17  }
0x20b: {  	v19 =	vadd.s32 v30, v12  }
0x20c: {  	v31 =	vmul.f32 v28, v14;
	v17 =	vadd.f32 v29, v17;
	_ =	sdelay $0x1  }
0x20d: {  	v17 =	vadd.f32 v31, v17;
	_ =	sdelay $0x1  }
0x20e: {  	[tilespmem:v19+s13+$0x0] =	vst.idx.msk $0xffff, v17  }
0x20f: {  	v17 =	vld [tilespmem:s1+$0xB390]  }
0x210: {  	v32 =	vld [tilespmem:s1+$0xB510];
	_ =	sdelay $0x1  }
0x211: {  	v19 =	vld [tilespmem:s1+$0x11390];
	_ =	sdelay $0x1  }
0x212: {  	v33 =	vld [tilespmem:s1+$0x11510]  }
0x213: {  	v17 =	vmul.f32 v17, v15;
	v18 =	vmul.f32 v32, v16;
	_ =	sdelay $0x1  }
0x214: {  	v35 =	vadd.s32 $0x1B3, v0;
	v34 =	vmul.f32 v19, v13;
	v17 =	vadd.f32 v18, v17  }
0x215: {  	v19 =	vadd.s32 v35, v12  }
0x216: {  	v36 =	vmul.f32 v33, v14;
	v17 =	vadd.f32 v34, v17;
	_ =	sdelay $0x1  }
0x217: {  	v17 =	vadd.f32 v36, v17;
	_ =	sdelay $0x1  }
0x218: {  	[tilespmem:v19+s13+$0x0] =	vst.idx.msk $0xffff, v17  }
0x219: {  	v17 =	vld [tilespmem:s1+$0xB3A0]  }
0x21a: {  	v37 =	vld [tilespmem:s1+$0xB520];
	_ =	sdelay $0x1  }
0x21b: {  	v19 =	vld [tilespmem:s1+$0x113A0];
	_ =	sdelay $0x1  }
0x21c: {  	v38 =	vld [tilespmem:s1+$0x11520]  }
0x21d: {  	v17 =	vmul.f32 v17, v15;
	v18 =	vmul.f32 v37, v16;
	_ =	sdelay $0x1  }
0x21e: {  	v40 =	vadd.s32 $0x1C3, v0;
	v39 =	vmul.f32 v19, v13;
	v17 =	vadd.f32 v18, v17  }
0x21f: {  	v19 =	vadd.s32 v40, v12  }
0x220: {  	v41 =	vmul.f32 v38, v14;
	v17 =	vadd.f32 v39, v17;
	_ =	sdelay $0x1  }
0x221: {  	v17 =	vadd.f32 v41, v17;
	_ =	sdelay $0x1  }
0x222: {  	[tilespmem:v19+s13+$0x0] =	vst.idx.msk $0xffff, v17  }
0x223: {  	v17 =	vld [tilespmem:s1+$0xB3B0]  }
0x224: {  	v42 =	vld [tilespmem:s1+$0xB530];
	_ =	sdelay $0x1  }
0x225: {  	v19 =	vld [tilespmem:s1+$0x113B0];
	_ =	sdelay $0x1  }
0x226: {  	v43 =	vld [tilespmem:s1+$0x11530]  }
0x227: {  	v17 =	vmul.f32 v17, v15;
	v18 =	vmul.f32 v42, v16;
	_ =	sdelay $0x1  }
0x228: {  	v45 =	vadd.s32 $0x1D3, v0;
	v44 =	vmul.f32 v19, v13;
	v17 =	vadd.f32 v18, v17  }
0x229: {  	v19 =	vadd.s32 v45, v12  }
0x22a: {  	v46 =	vmul.f32 v43, v14;
	v17 =	vadd.f32 v44, v17;
	_ =	sdelay $0x1  }
0x22b: {  	v17 =	vadd.f32 v46, v17;
	_ =	sdelay $0x1  }
0x22c: {  	[tilespmem:v19+s13+$0x0] =	vst.idx.msk $0xffff, v17  }
0x22d: {  	v17 =	vld [tilespmem:s1+$0xB3C0]  }
0x22e: {  	v47 =	vld [tilespmem:s1+$0xB540];
	_ =	sdelay $0x1  }
0x22f: {  	v19 =	vld [tilespmem:s1+$0x113C0];
	_ =	sdelay $0x1  }
0x230: {  	v48 =	vld [tilespmem:s1+$0x11540]  }
0x231: {  	v17 =	vmul.f32 v17, v15;
	v18 =	vmul.f32 v47, v16;
	_ =	sdelay $0x1  }
0x232: {  	v50 =	vadd.s32 $0x1E3, v0;
	v49 =	vmul.f32 v19, v13;
	v17 =	vadd.f32 v18, v17  }
0x233: {  	v19 =	vadd.s32 v50, v12  }
0x234: {  	v51 =	vmul.f32 v48, v14;
	v17 =	vadd.f32 v49, v17;
	_ =	sdelay $0x1  }
0x235: {  	v17 =	vadd.f32 v51, v17;
	_ =	sdelay $0x1  }
0x236: {  	[tilespmem:v19+s13+$0x0] =	vst.idx.msk $0xffff, v17  }
0x237: {  	v17 =	vld [tilespmem:s1+$0xB3D0]  }
0x238: {  	v52 =	vld [tilespmem:s1+$0xB550];
	_ =	sdelay $0x1  }
0x239: {  	v19 =	vld [tilespmem:s1+$0x113D0];
	_ =	sdelay $0x1  }
0x23a: {  	v53 =	vld [tilespmem:s1+$0x11550]  }
0x23b: {  	v17 =	vmul.f32 v17, v15;
	v18 =	vmul.f32 v52, v16;
	_ =	sdelay $0x1  }
0x23c: {  	v55 =	vadd.s32 $0x1F3, v0;
	v54 =	vmul.f32 v19, v13;
	v17 =	vadd.f32 v18, v17  }
0x23d: {  	v19 =	vadd.s32 v55, v12  }
0x23e: {  	v56 =	vmul.f32 v53, v14;
	v17 =	vadd.f32 v54, v17;
	_ =	sdelay $0x1  }
0x23f: {  	v17 =	vadd.f32 v56, v17;
	_ =	sdelay $0x1  }
0x240: {  	[tilespmem:v19+s13+$0x0] =	vst.idx.msk $0xffff, v17  }
0x241: {  	v17 =	vld [tilespmem:s1+$0xB3E0]  }
0x242: {  	v57 =	vld [tilespmem:s1+$0xB560];
	_ =	sdelay $0x1  }
0x243: {  	v19 =	vld [tilespmem:s1+$0x113E0];
	_ =	sdelay $0x1  }
0x244: {  	v58 =	vld [tilespmem:s1+$0x11560]  }
0x245: {  	v17 =	vmul.f32 v17, v15;
	v18 =	vmul.f32 v57, v16;
	_ =	sdelay $0x1  }
0x246: {  	v60 =	vadd.s32 $0x203, v0;
	v59 =	vmul.f32 v19, v13;
	v17 =	vadd.f32 v18, v17  }
0x247: {  	v19 =	vadd.s32 v60, v12  }
0x248: {  	v61 =	vmul.f32 v58, v14;
	v17 =	vadd.f32 v59, v17;
	_ =	sdelay $0x1  }
0x249: {  	v17 =	vadd.f32 v61, v17;
	_ =	sdelay $0x1  }
0x24a: {  	[tilespmem:v19+s13+$0x0] =	vst.idx.msk $0xffff, v17  }
0x24b: {  	v17 =	vld [tilespmem:s1+$0xB3F0]  }
0x24c: {  	v62 =	vld [tilespmem:s1+$0xB570];
	_ =	sdelay $0x1  }
0x24d: {  	v19 =	vld [tilespmem:s1+$0x113F0];
	_ =	sdelay $0x1  }
0x24e: {  	v63 =	vld [tilespmem:s1+$0x11570]  }
0x24f: {  	v17 =	vmul.f32 v17, v15;
	v18 =	vmul.f32 v62, v16;
	_ =	sdelay $0x1  }
0x250: {  	v24 =	vadd.s32 $0x213, v0;
	v23 =	vmul.f32 v19, v13;
	v17 =	vadd.f32 v18, v17  }
0x251: {  	v19 =	vadd.s32 v24, v12  }
0x252: {  	v25 =	vmul.f32 v63, v14;
	v17 =	vadd.f32 v23, v17;
	_ =	sdelay $0x1  }
0x253: {  	v17 =	vadd.f32 v25, v17;
	_ =	sdelay $0x1  }
0x254: {  	[tilespmem:v19+s13+$0x0] =	vst.idx.msk $0xffff, v17  }
0x255: {  	v17 =	vld [tilespmem:s1+$0xB400]  }
0x256: {  	v26 =	vld [tilespmem:s1+$0xB580];
	_ =	sdelay $0x1  }
0x257: {  	v19 =	vld [tilespmem:s1+$0x11400];
	_ =	sdelay $0x1  }
0x258: {  	v27 =	vld [tilespmem:s1+$0x11580]  }
0x259: {  	v17 =	vmul.f32 v17, v15;
	v18 =	vmul.f32 v26, v16;
	_ =	sdelay $0x1  }
0x25a: {  	v29 =	vadd.s32 $0x223, v0;
	v28 =	vmul.f32 v19, v13;
	v17 =	vadd.f32 v18, v17  }
0x25b: {  	v19 =	vadd.s32 v29, v12  }
0x25c: {  	v30 =	vmul.f32 v27, v14;
	v17 =	vadd.f32 v28, v17;
	_ =	sdelay $0x1  }
0x25d: {  	v17 =	vadd.f32 v30, v17;
	_ =	sdelay $0x1  }
0x25e: {  	[tilespmem:v19+s13+$0x0] =	vst.idx.msk $0xffff, v17  }
0x25f: {  	v17 =	vld [tilespmem:s1+$0xB410]  }
0x260: {  	v31 =	vld [tilespmem:s1+$0xB590];
	_ =	sdelay $0x1  }
0x261: {  	v19 =	vld [tilespmem:s1+$0x11410];
	_ =	sdelay $0x1  }
0x262: {  	v32 =	vld [tilespmem:s1+$0x11590]  }
0x263: {  	v17 =	vmul.f32 v17, v15;
	v18 =	vmul.f32 v31, v16;
	_ =	sdelay $0x1  }
0x264: {  	v34 =	vadd.s32 $0x233, v0;
	v33 =	vmul.f32 v19, v13;
	v17 =	vadd.f32 v18, v17  }
0x265: {  	v19 =	vadd.s32 v34, v12  }
0x266: {  	v35 =	vmul.f32 v32, v14;
	v17 =	vadd.f32 v33, v17;
	_ =	sdelay $0x1  }
0x267: {  	v17 =	vadd.f32 v35, v17;
	_ =	sdelay $0x1  }
0x268: {  	[tilespmem:v19+s13+$0x0] =	vst.idx.msk $0xffff, v17  }
0x269: {  	v17 =	vld [tilespmem:s1+$0xB420]  }
0x26a: {  	v36 =	vld [tilespmem:s1+$0xB5A0];
	_ =	sdelay $0x1  }
0x26b: {  	v19 =	vld [tilespmem:s1+$0x11420];
	_ =	sdelay $0x1  }
0x26c: {  	v37 =	vld [tilespmem:s1+$0x115A0]  }
0x26d: {  	v17 =	vmul.f32 v17, v15;
	v18 =	vmul.f32 v36, v16;
	_ =	sdelay $0x1  }
0x26e: {  	v39 =	vadd.s32 $0x243, v0;
	v38 =	vmul.f32 v19, v13;
	v17 =	vadd.f32 v18, v17  }
0x26f: {  	v19 =	vadd.s32 v39, v12  }
0x270: {  	v40 =	vmul.f32 v37, v14;
	v17 =	vadd.f32 v38, v17;
	_ =	sdelay $0x1  }
0x271: {  	v17 =	vadd.f32 v40, v17;
	_ =	sdelay $0x1  }
0x272: {  	[tilespmem:v19+s13+$0x0] =	vst.idx.msk $0xffff, v17  }
0x273: {  	v17 =	vld [tilespmem:s1+$0xB430]  }
0x274: {  	v41 =	vld [tilespmem:s1+$0xB5B0];
	_ =	sdelay $0x1  }
0x275: {  	v19 =	vld [tilespmem:s1+$0x11430];
	_ =	sdelay $0x1  }
0x276: {  	v42 =	vld [tilespmem:s1+$0x115B0]  }
0x277: {  	v17 =	vmul.f32 v17, v15;
	v18 =	vmul.f32 v41, v16;
	_ =	sdelay $0x1  }
0x278: {  	v44 =	vadd.s32 $0x253, v0;
	v43 =	vmul.f32 v19, v13;
	v17 =	vadd.f32 v18, v17  }
0x279: {  	v19 =	vadd.s32 v44, v12  }
0x27a: {  	v45 =	vmul.f32 v42, v14;
	v17 =	vadd.f32 v43, v17;
	_ =	sdelay $0x1  }
0x27b: {  	v17 =	vadd.f32 v45, v17;
	_ =	sdelay $0x1  }
0x27c: {  	[tilespmem:v19+s13+$0x0] =	vst.idx.msk $0xffff, v17  }
0x27d: {  	v17 =	vld [tilespmem:s1+$0xB440]  }
0x27e: {  	v46 =	vld [tilespmem:s1+$0xB5C0];
	_ =	sdelay $0x1  }
0x27f: {  	v19 =	vld [tilespmem:s1+$0x11440];
	_ =	sdelay $0x1  }
0x280: {  	v47 =	vld [tilespmem:s1+$0x115C0]  }
0x281: {  	v17 =	vmul.f32 v17, v15;
	v18 =	vmul.f32 v46, v16;
	_ =	sdelay $0x1  }
0x282: {  	v49 =	vadd.s32 $0x263, v0;
	v48 =	vmul.f32 v19, v13;
	v17 =	vadd.f32 v18, v17  }
0x283: {  	v19 =	vadd.s32 v49, v12  }
0x284: {  	v50 =	vmul.f32 v47, v14;
	v17 =	vadd.f32 v48, v17;
	_ =	sdelay $0x1  }
0x285: {  	v17 =	vadd.f32 v50, v17;
	_ =	sdelay $0x1  }
0x286: {  	[tilespmem:v19+s13+$0x0] =	vst.idx.msk $0xffff, v17  }
0x287: {  	v17 =	vld [tilespmem:s1+$0xB450]  }
0x288: {  	v51 =	vld [tilespmem:s1+$0xB5D0];
	_ =	sdelay $0x1  }
0x289: {  	v19 =	vld [tilespmem:s1+$0x11450];
	_ =	sdelay $0x1  }
0x28a: {  	v52 =	vld [tilespmem:s1+$0x115D0]  }
0x28b: {  	v17 =	vmul.f32 v17, v15;
	v18 =	vmul.f32 v51, v16;
	_ =	sdelay $0x1  }
0x28c: {  	v54 =	vadd.s32 $0x273, v0;
	v53 =	vmul.f32 v19, v13;
	v17 =	vadd.f32 v18, v17  }
0x28d: {  	v19 =	vadd.s32 v54, v12  }
0x28e: {  	v55 =	vmul.f32 v52, v14;
	v17 =	vadd.f32 v53, v17;
	_ =	sdelay $0x1  }
0x28f: {  	v17 =	vadd.f32 v55, v17;
	_ =	sdelay $0x1  }
0x290: {  	[tilespmem:v19+s13+$0x0] =	vst.idx.msk $0xffff, v17  }
0x291: {  	v17 =	vld [tilespmem:s1+$0xB460]  }
0x292: {  	v56 =	vld [tilespmem:s1+$0xB5E0];
	_ =	sdelay $0x1  }
0x293: {  	v19 =	vld [tilespmem:s1+$0x11460];
	_ =	sdelay $0x1  }
0x294: {  	v57 =	vld [tilespmem:s1+$0x115E0]  }
0x295: {  	v17 =	vmul.f32 v17, v15;
	v18 =	vmul.f32 v56, v16;
	_ =	sdelay $0x1  }
0x296: {  	v59 =	vadd.s32 $0x283, v0;
	v58 =	vmul.f32 v19, v13;
	v17 =	vadd.f32 v18, v17  }
0x297: {  	v19 =	vadd.s32 v59, v12  }
0x298: {  	v60 =	vmul.f32 v57, v14;
	v17 =	vadd.f32 v58, v17;
	_ =	sdelay $0x1  }
0x299: {  	v17 =	vadd.f32 v60, v17;
	_ =	sdelay $0x1  }
0x29a: {  	[tilespmem:v19+s13+$0x0] =	vst.idx.msk $0xffff, v17  }
0x29b: {  	v17 =	vld [tilespmem:s1+$0xB470]  }
0x29c: {  	v61 =	vld [tilespmem:s1+$0xB5F0];
	_ =	sdelay $0x1  }
0x29d: {  	v19 =	vld [tilespmem:s1+$0x11470];
	_ =	sdelay $0x1  }
0x29e: {  	v62 =	vld [tilespmem:s1+$0x115F0]  }
0x29f: {  	v15 =	vmul.f32 v17, v15;
	v16 =	vmul.f32 v61, v16;
	_ =	sdelay $0x1  }
0x2a0: {  	v63 =	vadd.s32 $0x293, v0;
	v13 =	vmul.f32 v19, v13;
	v15 =	vadd.f32 v16, v15  }
0x2a1: {  	p0 =	sne.s32 s28, $0x17400;
	v12 =	vadd.s32 v63, v12  }
.Ltmp0:
0x2a2: {  	v14 =	vmul.f32 v62, v14;
	v13 =	vadd.f32 v13, v15;
	(pc) =	sbr.rel @p0 .LBB2_3-.Ltmp0, $4  }
0x2a3: {  	_ = 	snop  }
0x2a4: {  	v13 =	vadd.f32 v14, v13  }
0x2a5: {  	s31 =	sadd.s32 $0x1, s31  }
0x2a6: {  	s28 =	sadd.s32 $0xC00, s28;
	s29 =	sadd.s32 $0xC0, s29;
	s30 =	sadd.s32 $0x180, s30;
	[tilespmem:v12+s13+$0x0] =	vst.idx.msk $0xffff, v13  }
0x2a7: {  	s0 =	sadd.s32 s7, s26  }
0x2a8: {  	s25 =	sadd.s32 $0x1, s25;
	s0 =	smul.u32 $0x55, s0  }
0x2a9: {  	p0 =	sne.s32 s25, $0x20  }
.Ltmp1:
0x2aa: {  	s0 =	sadd.s32 s6, s0;
	(pc) =	sbr.rel @p0 .LBB2_2-.Ltmp1, $4  }
0x2ab: {  	[hbm4b:s0+s2] =	stream.linear.scatter [tilespmem:s13], [sflag:$0x4], $0x5500, $0x38;
	[tilespmem:$0x1C800] =	vst v63  }
0x2ac: {  	_ =	swait.ge [sflag:s11], $0x5500  }
0x2ad: {  	[sflag:s11] =	ssyncset.done $0x0  }
0x2ae: {  	[sflag:s11] =	ssyncadd.s32 $0xFFFFAB00  }
0x2af: {  	s24 =	sadd.s32 $0x1, s24  }
0x2b0: {  	p0 =	sne.s32 s24, s10  }
.Ltmp2:
0x2b1: {  	_ = 	snop;
	(pc) =	sbr.rel @p0 .LBB2_1-.Ltmp2, $1  }
0x2b2: {  	_ =	sdelay $0x3  }
0x2b3: {  	_ =	sfence.sel $0x180000  }
0x2b4: {  	[bflag:$0x0] =	sbarrier.arrive $0xFFFF  }
0x2b5: {  	_ =	strace $0x90000047  }
0x2b6: {  	s0 =	stileid.u32;
	[bflag:$0x2] =	sbarrier.arrive $0xFFFF  }
0x2b7: {  	p0 =	sne.s32 s0, $0x0;
	s0 =	rddreg [dreg:$0x2]  }
0x2b8: {  	s0 =	sadd.s32 @!p0 $0x100000, s0  }
0x2b9: {  	[sflag:s0] =	ssyncadd.tile.s32 @!p0 $0x1;
	_ =	shalt  }
.Lfunc_end2:
_tile_overlayer_lowered:
.L_overlay_start_2:
0x2ba: {  	(tag) =	ssettag $0x2  }
0x2bb: {  	s0 =	rddreg [dreg:$0x0];
	s2 =	stileid.u32  }
0x2bc: {  	s1 =	rddreg [dreg:$0x1];
	p0 =	sne.s32 s2, $0x0  }
0x2bd: {  	s3 =	rddreg [dreg:$0x2];
	[bflag:$0x3] =	sbarrier.arrive $0xFFFF;
	s2 =	simm.s32 @!p0 $0x1C04  }
0x2be: {  	[timem:s3], [sflag:s2] =	dma.local @!p0 [hbm:s0], s1  }
0x2bf: {  	s0 =	simm.s32 @!p0 $0x4  }
0x2c0: {  	_ =	swait.ge @!p0 [sflag:s0], s1  }
0x2c1: {  	s1 =	ssub.s32 @!p0 $0x0, s1;
	[sflag:s0] =	ssyncset.done @!p0 $0x0  }
0x2c2: {  	[sflag:s0] =	ssyncadd.s32 @!p0 s1  }
0x2c3: {  	[bflag:$0x3] =	sbarrier.arrive $0xFFFF  }
0x2c4: {  	_ =	shalt  }

// kernel: sparse-core-data-format-call.cloned.1.call-start
scs
called_computation_lowered:
.L_overlay_start_0:
0x0: {  	s2 =	sld [smem:$0x3FD9]  }
0x1: {  	s3 =	sld [smem:$0x3FFE];
	_ =	sdelay $0x1  }
0x2: {  	s1 =	srdreg.scid  }
0x3: {  	s0 =	sand.u32 $0x1, s1  }
0x4: {  	s18 =	sshll.u32 s0, $0xA;
	s2 =	sadd.s32 s3, s2  }
0x5: {  	s2 =	sadd.s32 s2, s18  }
0x6: {  	[smem:$0x3FC3] =	sst s2  }
0x7: {  	_ = 	snop  }
0x8: {  	s2 =	sld [smem:$0x3FD0];
	(tm) =	ssettm $0x1  }
0x9: {  	s19 =	sld [smem:$0x3FFB];
	_ =	sdelay $0x3  }
0xa: {  	_ =	strace s19  }
0xb: {  	s3 =	sld [smem:$0x3FFC];
	_ =	sdelay $0x3  }
0xc: {  	_ =	strace s3  }
0xd: {  	s3 =	sld [smem:$0x3FFD];
	_ =	sdelay $0x3  }
0xe: {  	_ =	strace s3  }
0xf: {  	_ =	strace $0x8FFFFFFF  }
0x10: {  	s20 =	sld [smem:$0x3FDB];
	_ =	sdelay $0x1  }
0x11: {  	s4 =	simm.s32 $_scs_section_size  }
0x12: {  	s5 =	simm.s32 $_size__tile_overlayer_lowered;
	s6 =	simm.s32 $_tile_overlayer_lowered  }
0x13: {  	s23 =	simm.s32 $0x1BFF;
	s22 =	sshll.u32 s6, $0x1;
	s3 =	sadd.s32 s4, s20  }
0x14: {  	s7 =	simm.s32 $0x0;
	s21 =	sshll.u32 s5, $0x1;
	s5 =	sadd.s32 s22, s3  }
0x15: {  	[timem:s7], [sflag:s23] =	dma.local [hbm:s5], s21  }
0x16: {  	_ =	swait.ge [sflag:s23], s21  }
0x17: {  	s4 =	ssub.s32 $0x0, s21;
	[sflag:s23] =	ssyncset.done $0x0  }
0x18: {  	[sflag:s23] =	ssyncadd.s32 s4;
	_ =	sdelay $0x1  }
0x19: {  	s24 =	simm.s32 $0x1B8B  }
0x1a: {  	_ =	swait.ge [sflag:s24], $0x1  }
0x1b: {  	[sflag:s24] =	ssyncset.done $0x0  }
0x1c: {  	s26 =	simm.s32 $0x1B8E;
	s25 =	sld [smem:$0x3FFE];
	[sflag:s24] =	ssyncadd.s32 $0xFFFFFFFF  }
0x1d: {  	s27 =	simm.s32 $execute0_lowered;
	[smem:$0x3FD2] =	sst s26  }
0x1e: {  	s5 =	sshll.u32 s27, $0x1;
	_ =	strace $0x80000049;
	[dreg:$0x1] =	wrdreg $0xFFFFFFFF  }
0x1f: {  	s28 =	simm.s32 $_size_execute0_lowered;
	s3 =	sadd.s32 s3, s5;
	[dreg:$0x0] =	wrdreg $0x0  }
0x20: {  	s5 =	sshll.u32 s28, $0x1;
	[dreg:$0x2] =	wrdreg s3  }
0x21: {  	[dreg:$0x3] =	wrdreg s5  }
0x22: {  	[dreg:$0x4] =	wrdreg $0xC0  }
0x23: {  	_ =	task [dreg:s7], $0x5FFFF  }
0x24: {  	[dreg:$0x1] =	wrdreg $0xFFFFFFFF  }
0x25: {  	[dreg:$0x0] =	wrdreg $0x60  }
0x26: {  	[dreg:$0x2] =	wrdreg s25  }
0x27: {  	[dreg:$0x3] =	wrdreg s2  }
0x28: {  	[dreg:$0x4] =	wrdreg $0x9  }
0x29: {  	_ =	task.clear_ibuf [dreg:s7], $0x5FFFF;
	_ =	strace $0x90000049  }
0x2a: {  	s29 =	simm.s32 $0x9;
	_ =	strace $0x8000004B  }
0x2b: {  	_ =	swait.ge [sflag:s29], $0x1  }
0x2c: {  	[sflag:s29] =	ssyncadd.s32 $0xFFFFFFFF  }
0x2d: {  	_ =	strace $0x9000004B  }
0x2e: {  	_ =	sfence  }
0x2f: {  	s30 =	sld [smem:$0x0];
	_ =	sdelay $0x2  }
0x30: {  	s31 =	sshll.u32 s1, $0xD;
	s1 =	sshrl.u32 s1, $0x2  }
0x31: {  	s3 =	sand.u32 $0x4000, s31;
	s1 =	sadd.s32 s1, s30  }
0x32: {  	s0 =	sor.u32 s3, s0;
	s1 =	sshll.u32 s1, $0x11  }
0x33: {  	s0 =	sor.u32 s1, s0  }
0x34: {  	s0 =	sadd.s32 $0x8F2B, s0  }
0x35: {  	[sflag:s0] =	ssyncadd.remote.s32 $0x1  }
0x36: {  	_ =	sfence.sel $0xFFFF  }
0x37: {  	[dreg:$0x0] =	wrdreg $0xFFFFFFFF;
	(pc) =	sbr.abs _section_cstart, $3  }
0x38: {  	[dreg:$0x1] =	wrdreg $0xFFFFFFFF  }
0x39: {  	_ =	task.clear_ibuf [dreg:s7], $0x2FFFF;
	_ =	strace $0x9FFFFFFF  }
0x3a: {  	(tm) =	ssettm $0x7FFFFFFF  }
0x3b: {  	_ =	shalt  }
tec
execute0_lowered:
.L_overlay_start_1:
0x0: {  	(tag) =	ssettag $0x1  }
0x1: {  	s0 =	stileid.u32;
	s5 =	rddreg [dreg:$0x0]  }
0x2: {  	s1 =	srdreg.scid;
	s3 =	rddreg [dreg:$0x1];
	s6 =	simm.s32 $0x1  }
0x3: {  	s8 =	simm.s32 $0x2;
	s2 =	sshll.u32 s0, $0x5;
	s1 =	sshll.u32 s1, $0x9  }
0x4: {  	s18 =	simm.s32 $0x0;
	s9 =	simm.s32 $0x8000;
	s1 =	sor.u32 s2, s1  }
0x5: {  	s17 =	simm.s32 $0x0;
	s19 =	simm.s32 $0x0;
	s2 =	sand.u32 $0x380, s1  }
0x6: {  	s10 =	simm.s32 $0x0;
	s11 =	simm.s32 $0x0;
	s4 =	ssub.s32 $0x2000, s2  }
0x7: {  	s12 =	simm.s32 $0x0;
	s13 =	simm.s32 $0x0;
	s31 =	sand.u32 $0x380, s4  }
0x8: {  	s16 =	simm.s32 $0x0;
	s7 =	sand.u32 $0x3, s0;
	p0 =	sne.s32 s31, $0x0  }
.Ltmp0:
0x9: {  	s4 =	sshrl.u32 s4, $0xA;
	s6 =	simm.s32 @!p0 $0x0;
	(pc) =	sbr.rel .LBB1_1-.Ltmp0, $4  }
0xa: {  	s1 =	rddreg [dreg:$0x2];
	_ =	strace $0x8000004A;
	s6 =	sadd.s32 s6, s4  }
0xb: {  	s4 =	sadd.s32 $0x329A00, s5;
	s5 =	simm.s32 $0x1;
	s6 =	smul.u32 $0x6, s6  }
0xc: {  	s15 =	smov.u32 s7;
	s14 =	smov.u32 s2;
	[sflag:s5] =	ssyncpa.u1 $0x0  }
0xd: {  	p0 =	por $0x0, $0x0;
	[sflag:s8] =	ssyncpa.u1 $0x0;
	s8 =	sor.u32 $0x1, s6  }
.LBB1_4:
0xe: {  	s24 =	sshra.s32 s24, $0x2  }
0xf: {  	s25 =	sshll.u32 s12, $0x7;
	s30 =	sand.u32 $0x78, s11;
	p2 =	sgt.s32 s12, $0x3  }
0x10: {  	s26 =	sshra.s32 s12, $0x1F;
	p1 =	sgt.s32 s10, $0x223;
	s27 =	sshra.s32 s11, $0x1F  }
0x11: {  	s31 =	sshra.s32 s10, $0x1F;
	s23 =	sadd.s32 s24, s23;
	s25 =	sand.u32 $0x180, s25  }
0x12: {  	s26 =	sand.u32 s26, s12;
	s24 =	sor.u32 s25, s30;
	s25 =	smov.u32 s12  }
0x13: {  	v5 =	vld [tilespmem:s21+$0xFFFFFFD0];
	s27 =	sand.u32 s27, s11;
	s30 =	sshll.u32 s11, $0x2;
	s25 =	simm.s32 @!p2 $0x3  }
0x14: {  	[tilespmem:s22+$0x2040 ss:$0x81] =	vst.msk $0xffff, v4;
	v58 =	vld [tilespmem:s21+$0xFFFFFFE0];
	p2 =	sgt.s32 s11, $0x1F80;
	s25 =	ssub.s32 s25, s26;
	s26 =	smov.u32 s11  }
0x15: {  	[tilespmem:s22+$0x2850 ss:$0x81] =	vst.msk $0xffff, v3;
	v59 =	vld [tilespmem:s21+$0xFFFFFFF0];
	s28 =	sadd.s32 $0xFFFFFFFD, s25;
	s26 =	simm.s32 @!p2 $0x1F80;
	s25 =	ssub.s32 $0x4, s25  }
0x16: {  	[tilespmem:s22+$0x3060 ss:$0x81] =	vst.msk $0xffff, v2;
	v60 =	vld [tilespmem:s21+$0x0];
	p2 =	sgt.s32 s28, $0x0;
	s28 =	smov.u32 s10;
	s26 =	ssub.s32 s26, s27  }
0x17: {  	[tilespmem:s22+$0x0 ss:$0x81] =	vst.msk $0xffff, v1;
	v61 =	vld [tilespmem:s21+$0x10];
	s27 =	sand.u32 s31, s10;
	s31 =	sand.u32 $0x1E00, s30;
	s28 =	simm.s32 @!p1 $0x223  }
0x18: {  	v62 =	vld [tilespmem:s21+$0x20];
	[tilespmem:s23+$0x3870 ss:$0x81] =	vst.msk $0xffff, v0;
	s25 =	simm.s32 @p2 $0x0;
	s22 =	ssub.s32 s28, s27;
	s28 =	sadd.s32 $0xFFFFE080, s26  }
0x19: {  	v63 =	vld [tilespmem:s21+$0xFFFFFFC0];
	[tilespmem:s23+$0x810 ss:$0x81] =	vst.msk $0xffff, v5;
	s21 =	sor.u32 s31, s24;
	s26 =	ssub.s32 $0x2000, s26;
	p1 =	sgt.s32 s28, $0x7F  }
0x1a: {  	[tilespmem:s23+$0x1020 ss:$0x81] =	vst.msk $0xffff, v58;
	s27 =	sshll.u32 s10, $0xC;
	s29 =	sadd.s32 $0xFFFFFDDD, s22;
	s26 =	simm.s32 @p1 $0x0  }
0x1b: {  	[tilespmem:s23+$0x1830 ss:$0x81] =	vst.msk $0xffff, v59;
	s22 =	ssub.s32 $0x2A3, s22;
	p1 =	sgt.s32 s29, $0x7F;
	s25 =	smul.u32 s25, s26  }
0x1c: {  	[tilespmem:s23+$0x2040 ss:$0x81] =	vst.msk $0xffff, v60;
	s28 =	sshrl.u32 s11, $0x1;
	s24 =	sadd.s32 s3, s27;
	s22 =	simm.s32 @p1 $0x0  }
0x1d: {  	[tilespmem:s23+$0x2850 ss:$0x81] =	vst.msk $0xffff, v61;
	s29 =	sand.u32 $0x7, s11;
	s22 =	smul.u32 s22, s25;
	s25 =	sand.u32 $0xC00, s28  }
0x1e: {  	[tilespmem:s23+$0x3060 ss:$0x81] =	vst.msk $0xffff, v62;
	s21 =	sshrl.u32 s21, $0x3;
	s30 =	sshll.u32 s29, $0x12;
	s24 =	sadd.s32 s25, s24  }
0x1f: {  	[tilespmem:s23+$0x0 ss:$0x81] =	vst.msk $0xffff, v63;
	s31 =	sor.u32 $0x80, s30;
	s22 =	sand.u32 $0x3FFFFFFF, s22;
	s21 =	sadd.s32 s21, s24  }
0x20: {  	[hbm4b:s21+s31] =	stream.strided.scatter [tilespmem:s20], [sflag:$0x2], s22, s9, s31, $0x20;
	[tilespmem:$0x10100] =	vst v63  }
.LBB1_5:
0x21: {  	p1 =	slt.u32 s16, $0x2;
	s21 =	smov.u32 s19  }
0x22: {  	p2 =	sgt.s32 @!p1 s18, $0x223;
	s20 =	sshra.s32 @!p1 s18, $0x1F;
	p3 =	sgt.s32 @!p1 s19, $0x3  }
0x23: {  	s22 =	sshra.s32 @!p1 s19, $0x1F;
	p2 =	por !p2, p1;
	s20 =	sand.u32 @!p1 s20, s18  }
0x24: {  	p3 =	por !p3, p1;
	s19 =	sand.u32 @!p1 s22, s19;
	s22 =	sshra.s32 @!p1 s17, $0x1F  }
0x25: {  	s21 =	simm.s32 @p3 $0x3;
	p3 =	sgt.s32 @!p1 s17, $0x1F80;
	s18 =	simm.s32 @p2 $0x223  }
0x26: {  	s19 =	ssub.s32 @!p1 s21, s19;
	p3 =	por !p3, p1;
	s21 =	smov.u32 s17  }
0x27: {  	s17 =	sand.u32 @!p1 s22, s17;
	s18 =	ssub.s32 @!p1 s18, s20;
	s21 =	simm.s32 @p3 $0x1F80  }
0x28: {  	s20 =	sadd.s32 @!p1 $0xFFFFFFFD, s19;
	s19 =	ssub.s32 @!p1 $0x4, s19;
	s17 =	ssub.s32 @!p1 s21, s17  }
0x29: {  	s21 =	sadd.s32 @!p1 $0xFFFFFDDD, s18;
	p2 =	sgt.s32 @!p1 s20, $0x0;
	s20 =	sadd.s32 @!p1 $0xFFFFE080, s17  }
0x2a: {  	s18 =	ssub.s32 @!p1 $0x2A3, s18;
	p2 =	por !p2, p1;
	p3 =	sgt.s32 @!p1 s20, $0x7F  }
0x2b: {  	s17 =	ssub.s32 @!p1 $0x2000, s17;
	s19 =	simm.s32 @!p2 $0x0;
	p2 =	por !p3, p1  }
0x2c: {  	s20 =	sadd.s32 $0x80, s13;
	p3 =	sgt.s32 @!p1 s21, $0x7F;
	s17 =	simm.s32 @!p2 $0x0  }
0x2d: {  	s21 =	smov.u32 s14;
	p2 =	por !p3, p1;
	s17 =	smul.u32 @!p1 s19, s17  }
0x2e: {  	s18 =	simm.s32 @!p2 $0x0;
	p2 =	sgt.s32 s20, $0x2A2;
	s19 =	sadd.s32 $0x400, s14  }
0x2f: {  	s22 =	smov.u32 s15;
	s21 =	smov.u32 @p2 s19  }
0x30: {  	s17 =	smul.u32 @!p1 s18, s17;
	p3 =	sgt.s32 s21, $0x1FFF;
	s18 =	sadd.s32 $0x4, s15  }
0x31: {  	p0 =	por !p0, !p0;
	s23 =	simm.s32 @!p1 $0x2;
	s22 =	smov.u32 @p3 s18  }
0x32: {  	s20 =	simm.s32 @p2 $0x0;
	s19 =	smov.u32 s12;
	p2 =	sgt.s32 s22, $0x3  }
0x33: {  	s12 =	smov.u32 s15;
	s22 =	smov.u32 @p2 s7;
	p2 =	sne.s32 s16, s8  }
.Ltmp1:
0x34: {  	s21 =	smov.u32 @p3 s2;
	s18 =	smov.u32 s10;
	(pc) =	sbr.rel @!p2 .LBB1_6-.Ltmp1, $4  }
0x35: {  	s10 =	smov.u32 s13;
	s13 =	smov.u32 s20;
	s17 =	sand.u32 @!p1 $0x3FFFFFFF, s17  }
0x36: {  	_ =	swait.ge @!p1 [sflag:s23], s17;
	s24 =	ssub.s32 @!p1 $0x0, s17;
	s17 =	smov.u32 s11  }
0x37: {  	s16 =	sadd.s32 $0x1, s16;
	s11 =	smov.u32 s14;
	[sflag:s23] =	ssyncset.done @!p1 $0x0  }
0x38: {  	s14 =	smov.u32 s21;
	s15 =	smov.u32 s22;
	[sflag:s23] =	ssyncadd.s32 @!p1 s24  }
.LBB1_1:
0x39: {  	p1 =	sge.u32 s16, s6  }
0x3a: {  	s20 =	sshrl.u32 @!p1 s14, $0x3  }
0x3b: {  	s21 =	sshll.u32 @!p1 s13, $0x3;
	s20 =	smul.u32 @!p1 $0x1800, s20  }
0x3c: {  	s22 =	sshll.u32 @!p1 s14, $0x7;
	s21 =	sand.u32 @!p1 $0xFFFFFC00, s21  }
0x3d: {  	s20 =	sadd.s32 @!p1 s20, s21;
	s21 =	sand.u32 @!p1 $0x380, s22  }
0x3e: {  	s22 =	sand.u32 @!p1 $0x7F, s13;
	s20 =	sor.u32 @!p1 s21, s20  }
0x3f: {  	s21 =	sor.u32 @!p1 s22, s20  }
0x40: {  	s22 =	smulhi.u32 @!p1 $0xAAAAAAAB, s21  }
0x41: {  	s20 =	smulhi.u32 @!p1 $0xAAAAAAAB, s20  }
0x42: {  	s22 =	sshrl.u32 @!p1 s22, $0x9  }
0x43: {  	s31 =	sadd.s32 $0xFFFFFFFF, s16;
	s20 =	sshrl.u32 @!p1 s20, $0x9;
	s22 =	smul.u32 @!p1 $0x300, s22  }
0x44: {  	s23 =	sxor.u32 @!p1 $0xFFFFFFFF, s16;
	s24 =	smul.u32 @!p1 $0xC0000, s15;
	s20 =	sand.u32 @!p1 $0x1FFF, s20  }
0x45: {  	s23 =	sshll.u32 @!p1 s23, $0xE;
	s20 =	smul.u32 @!p1 $0x60, s20;
	s21 =	ssub.s32 @!p1 s21, s22  }
0x46: {  	s22 =	sand.u32 @!p1 $0x4000, s23;
	s23 =	sadd.s32 @!p1 s4, s24;
	s24 =	sand.u32 @!p1 $0x7, s21  }
0x47: {  	s21 =	sshrl.u32 @!p1 s21, $0x3;
	s20 =	sadd.s32 @!p1 s20, s23;
	s23 =	sshll.u32 @!p1 s24, $0x12  }
0x48: {  	s20 =	sadd.s32 @!p1 s21, s20;
	s21 =	sor.u32 @!p1 $0x400, s23;
	s23 =	simm.s32 @!p1 $0x1800  }
0x49: {  	[tilespmem:s22], [sflag:$0x1] =	stream.strided.gather @!p1 [hbm4b:s20+s21], $0x4000, s23, s21, $0x38;
	[tilespmem:$0x10100] =	vst v63  }
0x4a: {  	p1 =	sge.u32 s31, s6  }
.Ltmp2:
0x4b: {  	_ = 	snop;
	(pc) =	sbr.rel @p1 .LBB1_5-.Ltmp2, $1  }
0x4c: {  	_ =	sdelay $0x3  }
0x4d: {  	s20 =	simm.s32 $0x1  }
0x4e: {  	_ =	swait.ge [sflag:s5], $0x4000;
	s20 =	simm.s32 @!p0 $0x0  }
0x4f: {  	[sflag:s5] =	ssyncset.done $0x0;
	s21 =	sshll.u32 s20, $0xE  }
0x50: {  	[sflag:s5] =	ssyncadd.s32 $0xFFFFC000;
	s21 =	sor.u32 $0x40, s21  }
0x51: {  	s20 =	smul.u32 $0x10200, s20;
	v0 =	vld [tilespmem:s21+$0x30]  }
0x52: {  	v1 =	vld [tilespmem:s21+$0xFFFFFFD0]  }
0x53: {  	s20 =	sshrl.u32 s20, $0x2;
	v5 =	vld [tilespmem:s21+$0xFFFFFFE0]  }
0x54: {  	v6 =	vld [tilespmem:s21+$0xFFFFFFF0];
	s23 =	sor.u32 $0x8000, s20  }
0x55: {  	s31 =	sand.u32 $0x1, s16;
	v4 =	vld [tilespmem:s21+$0x0];
	s22 =	sadd.s32 $0x0, s23  }
0x56: {  	v3 =	vld [tilespmem:s21+$0x10];
	s20 =	smul.u32 $0x10200, s31;
	[tilespmem:s22+$0x3870 ss:$0x81] =	vst.msk $0xffff, v0  }
0x57: {  	v2 =	vld [tilespmem:s21+$0x20];
	[tilespmem:s22+$0x810 ss:$0x81] =	vst.msk $0xffff, v1  }
0x58: {  	s20 =	sshrl.u32 s20, $0x2;
	v1 =	vld [tilespmem:s21+$0xFFFFFFC0];
	[tilespmem:s22+$0x1020 ss:$0x81] =	vst.msk $0xffff, v5;
	s21 =	sadd.s32 $0x80, s21  }
0x59: {  	s24 =	simm.s32 $0x4;
	s25 =	simm.s32 $0x8;
	s20 =	sor.u32 $0x8000, s20;
	[tilespmem:s22+$0x1830 ss:$0x81] =	vst.msk $0xffff, v6;
	v0 =	vld [tilespmem:s21+$0x30]  }
.LBB1_3:
0x5a: {  	p1 =	sne.s32 s25, $0x1FC;
	v5 =	vld [tilespmem:s21+$0xFFFFFFD0];
	[tilespmem:s22+$0x2040 ss:$0x81] =	vst.msk $0xffff, v4  }
0x5b: {  	v6 =	vld [tilespmem:s21+$0xFFFFFFE0];
	[tilespmem:s22+$0x2850 ss:$0x81] =	vst.msk $0xffff, v3  }
0x5c: {  	s26 =	sshra.s32 s24, $0x2;
	s24 =	smov.u32 s25;
	v7 =	vld [tilespmem:s21+$0xFFFFFFF0];
	[tilespmem:s22+$0x3060 ss:$0x81] =	vst.msk $0xffff, v2  }
.Ltmp3:
0x5d: {  	v4 =	vld [tilespmem:s21+$0x0];
	[tilespmem:s22+$0x0 ss:$0x81] =	vst.msk $0xffff, v1;
	s22 =	sadd.s32 s26, s23;
	(pc) =	sbr.rel @p1 .LBB1_3-.Ltmp3, $4  }
0x5e: {  	v3 =	vld [tilespmem:s21+$0x10];
	[tilespmem:s22+$0x3870 ss:$0x81] =	vst.msk $0xffff, v0  }
0x5f: {  	[tilespmem:s22+$0x810 ss:$0x81] =	vst.msk $0xffff, v5;
	v2 =	vld [tilespmem:s21+$0x20]  }
0x60: {  	v1 =	vld [tilespmem:s21+$0xFFFFFFC0];
	[tilespmem:s22+$0x1020 ss:$0x81] =	vst.msk $0xffff, v6;
	s21 =	sadd.s32 $0x80, s21  }
0x61: {  	s25 =	sadd.s32 $0x4, s25;
	v0 =	vld [tilespmem:s21+$0x30];
	[tilespmem:s22+$0x1830 ss:$0x81] =	vst.msk $0xffff, v7  }
.Ltmp4:
0x62: {  	_ = 	snop;
	(pc) =	sbr.rel .LBB1_4-.Ltmp4, $1  }
0x63: {  	_ =	sdelay $0x3  }
.LBB1_6:
0x64: {  	_ =	sfence.sel $0x180000  }
0x65: {  	s2 =	simm.s32 $0x1;
	[bflag:$0x0] =	sbarrier.arrive $0xFFFF  }
0x66: {  	s31 =	simm.s32 $0x2;
	[sflag:s2] =	ssyncpa.u1 $0x1  }
0x67: {  	[sflag:s31] =	ssyncpa.u1 $0x1  }
0x68: {  	p0 =	sne.s32 s0, $0x0;
	_ =	strace $0x9000004A  }
0x69: {  	s0 =	sadd.s32 @!p0 $0x100000, s1;
	[bflag:$0x2] =	sbarrier.arrive $0xFFFF  }
0x6a: {  	[sflag:s0] =	ssyncadd.tile.s32 @!p0 $0x1;
	_ =	shalt  }
.Lfunc_end1:
_tile_overlayer_lowered:
.L_overlay_start_2:
0x6b: {  	(tag) =	ssettag $0x2  }
0x6c: {  	s0 =	rddreg [dreg:$0x0];
	s2 =	stileid.u32  }
0x6d: {  	s1 =	rddreg [dreg:$0x1];
	p0 =	sne.s32 s2, $0x0  }
0x6e: {  	s3 =	rddreg [dreg:$0x2];
	[bflag:$0x3] =	sbarrier.arrive $0xFFFF;
	s2 =	simm.s32 @!p0 $0x1C01  }
0x6f: {  	[timem:s3], [sflag:s2] =	dma.local @!p0 [hbm:s0], s1  }
0x70: {  	s0 =	simm.s32 @!p0 $0x1  }
0x71: {  	_ =	swait.ge @!p0 [sflag:s0], s1  }
0x72: {  	s1 =	ssub.s32 @!p0 $0x0, s1;
	[sflag:s0] =	ssyncset.done @!p0 $0x0  }
0x73: {  	[sflag:s0] =	ssyncadd.s32 @!p0 s1  }
0x74: {  	[bflag:$0x3] =	sbarrier.arrive $0xFFFF  }
0x75: {  	_ =	shalt  }

</sc_bundles>
